<compile_context>
chip_gen: v7x
topology: tpu7x:2x2x1
jax: 0.10.2.dev20260603
libtpu: 0.0.44.dev20260713+nightly
codegen_flags: <defaults>
</compile_context>

<pallas_src>
import jax
import jax.numpy as jnp
from jax import lax
from jax.experimental import pallas as pl
from jax.experimental.pallas import tpu as pltpu
from jax.experimental.pallas import tpu_sc as plsc

N = 10000
E = 320000
D = 128
NC = 2
NS = 16
NT = NC * NS
B = 128
K = 80
KH = K // 2
E_PAD = NT * K * B
N_PAD = 10240
RPT = N_PAD // NS
R = 2560
G = N_PAD // R

_MESH = plsc.VectorSubcoreMesh(
    core_axis_name="c", subcore_axis_name="s", num_cores=NC, num_subcores=NS
)


def _sc_deg_body(dst_hbm, ones_hbm, zeros_hbm, degp_hbm, dst_v, ones_v, deg_sh):
    c = lax.axis_index("c")
    s = lax.axis_index("s")
    wid = c * NS + s
    pltpu.sync_copy(dst_hbm.at[wid], dst_v)
    pltpu.sync_copy(ones_hbm, ones_v)
    pltpu.sync_copy(zeros_hbm, deg_sh.at[pl.ds(s * RPT, RPT)])
    plsc.subcore_barrier()

    def estep(j, carry):
        pltpu.sync_copy(ones_v, deg_sh.at[dst_v.at[j]], add=True)
        return carry

    lax.fori_loop(0, K, estep, 0)
    plsc.subcore_barrier()
    pltpu.sync_copy(deg_sh.at[pl.ds(s * RPT, RPT)],
                    degp_hbm.at[c, pl.ds(s * RPT, RPT)])


_sc_deg = pl.kernel(
    _sc_deg_body,
    out_type=jax.ShapeDtypeStruct((NC, N_PAD, D), jnp.float32),
    mesh=_MESH,
    scratch_types=[
        pltpu.VMEM((K, B), jnp.int32),
        pltpu.VMEM((B, D), jnp.float32),
        pltpu.VMEM_SHARED((N_PAD, D), jnp.float32),
    ],
)


def _sc_layer_body(g_hbm, src_hbm, dst_hbm, zeros_hbm, p_hbm,
                   src_v, dst_v, bufa, bufb, acc, sema, semb, semsa, semsb):
    c = lax.axis_index("c")
    s = lax.axis_index("s")
    wid = c * NS + s
    pltpu.sync_copy(zeros_hbm, acc.at[pl.ds(s * RPT, RPT)])
    plsc.subcore_barrier()

    def gather(j, buf, sem):
        pltpu.async_copy(g_hbm.at[src_v.at[j]], buf, sem)

    def gather_wait(j, buf, sem):
        pltpu.make_async_copy(g_hbm.at[src_v.at[j]], buf, sem).wait()

    def scat(j, buf, sem):
        pltpu.async_copy(buf, acc.at[dst_v.at[j]], sem, add=True)

    def scat_wait(j, buf, sem):
        pltpu.make_async_copy(buf, acc.at[dst_v.at[j]], sem).wait()

    for h in range(2):
        pltpu.sync_copy(src_hbm.at[wid, pl.ds(h * KH, KH)], src_v)
        pltpu.sync_copy(dst_hbm.at[wid, pl.ds(h * KH, KH)], dst_v)
        gather(0, bufa, sema)
        gather_wait(0, bufa, sema)
        scat(0, bufa, semsa)
        gather(1, bufb, semb)

        def step(i, carry):
            j = 2 * i
            gather_wait(j - 1, bufb, semb)
            scat(j - 1, bufb, semsb)
            scat_wait(j - 2, bufa, semsa)
            gather(j, bufa, sema)
            gather_wait(j, bufa, sema)
            scat(j, bufa, semsa)
            scat_wait(j - 1, bufb, semsb)
            gather(j + 1, bufb, semb)
            return carry

        lax.fori_loop(1, KH // 2, step, 0)
        gather_wait(KH - 1, bufb, semb)
        scat(KH - 1, bufb, semsb)
        scat_wait(KH - 2, bufa, semsa)
        scat_wait(KH - 1, bufb, semsb)
    plsc.subcore_barrier()
    pltpu.sync_copy(acc.at[pl.ds(s * RPT, RPT)], p_hbm.at[c, pl.ds(s * RPT, RPT)])


_sc_layer = pl.kernel(
    _sc_layer_body,
    out_type=jax.ShapeDtypeStruct((NC, N_PAD, D), jnp.float32),
    mesh=_MESH,
    scratch_types=[
        pltpu.VMEM((KH, B), jnp.int32),
        pltpu.VMEM((KH, B), jnp.int32),
        pltpu.VMEM((B, D), jnp.float32),
        pltpu.VMEM((B, D), jnp.float32),
        pltpu.VMEM_SHARED((N_PAD, D), jnp.float32),
        pltpu.SemaphoreType.DMA,
        pltpu.SemaphoreType.DMA,
        pltpu.SemaphoreType.DMA,
        pltpu.SemaphoreType.DMA,
    ],
)


def _tc_mm_body(x_ref, w_ref, h_ref):
    h_ref[...] = jnp.dot(x_ref[...], w_ref[...],
                         preferred_element_type=jnp.float32)


_tc_mm = pl.pallas_call(
    _tc_mm_body,
    grid=(G,),
    in_specs=[
        pl.BlockSpec((R, D), lambda i: (i, 0)),
        pl.BlockSpec((D, D), lambda i: (0, 0)),
    ],
    out_specs=pl.BlockSpec((R, D), lambda i: (i, 0)),
    out_shape=jax.ShapeDtypeStruct((N_PAD, D), jnp.float32),
)


def _tc_first_body(h_ref, pt_ref, g_ref, dis_ref):
    deg = pt_ref[0, :, 0:1] + pt_ref[1, :, 0:1] + 1.0
    dv = lax.rsqrt(deg)
    dis_ref[...] = dv
    g_ref[...] = dv * h_ref[...]


_tc_first = pl.pallas_call(
    _tc_first_body,
    grid=(G,),
    in_specs=[
        pl.BlockSpec((R, D), lambda i: (i, 0)),
        pl.BlockSpec((NC, R, D), lambda i: (0, i, 0)),
    ],
    out_specs=[
        pl.BlockSpec((R, D), lambda i: (i, 0)),
        pl.BlockSpec((R, 1), lambda i: (i, 0)),
    ],
    out_shape=[
        jax.ShapeDtypeStruct((N_PAD, D), jnp.float32),
        jax.ShapeDtypeStruct((N_PAD, 1), jnp.float32),
    ],
)


def _tc_mid_body(p_ref, g_ref, dis_ref, w_ref, b_ref, o_ref):
    dv = dis_ref[...]
    ssum = p_ref[0] + p_ref[1] + g_ref[...]
    a = jnp.maximum(dv * ssum + b_ref[...], 0.0)
    o_ref[...] = dv * jnp.dot(a, w_ref[...], preferred_element_type=jnp.float32)


_tc_mid = pl.pallas_call(
    _tc_mid_body,
    grid=(G,),
    in_specs=[
        pl.BlockSpec((NC, R, D), lambda i: (0, i, 0)),
        pl.BlockSpec((R, D), lambda i: (i, 0)),
        pl.BlockSpec((R, 1), lambda i: (i, 0)),
        pl.BlockSpec((D, D), lambda i: (0, 0)),
        pl.BlockSpec((1, D), lambda i: (0, 0)),
    ],
    out_specs=pl.BlockSpec((R, D), lambda i: (i, 0)),
    out_shape=jax.ShapeDtypeStruct((N_PAD, D), jnp.float32),
)


def _tc_last_body(p_ref, g_ref, dis_ref, b_ref, o_ref):
    o_ref[...] = (dis_ref[...] * (p_ref[0] + p_ref[1] + g_ref[...])
                  + b_ref[...])


RL = 2000


_tc_last = pl.pallas_call(
    _tc_last_body,
    grid=(N // RL,),
    in_specs=[
        pl.BlockSpec((NC, RL, D), lambda i: (0, i, 0)),
        pl.BlockSpec((RL, D), lambda i: (i, 0)),
        pl.BlockSpec((RL, 1), lambda i: (i, 0)),
        pl.BlockSpec((1, D), lambda i: (0, 0)),
    ],
    out_specs=pl.BlockSpec((RL, D), lambda i: (i, 0)),
    out_shape=jax.ShapeDtypeStruct((N, D), jnp.float32),
)


def kernel(x, edge_index, W1, b1, W2, b2, W3, b3):
    src = edge_index[0].astype(jnp.int32)
    dst = edge_index[1].astype(jnp.int32)
    pad = N + (jnp.arange(E_PAD - E, dtype=jnp.int32) % (N_PAD - N))
    src_t = jnp.concatenate([src, pad]).reshape(NT, K, B)
    dst_t = jnp.concatenate([dst, pad]).reshape(NT, K, B)
    x_pad = jnp.pad(x, ((0, N_PAD - N), (0, 0)))
    zeros_blk = jnp.zeros((RPT, D), jnp.float32)
    ones_blk = jnp.ones((B, D), jnp.float32)

    degp = _sc_deg(dst_t, ones_blk, zeros_blk)
    h1 = _tc_mm(x_pad, W1)
    g1, dis = _tc_first(h1, degp)
    p1 = _sc_layer(g1, src_t, dst_t, zeros_blk)
    g2 = _tc_mid(p1, g1, dis, W2, b1.reshape(1, D))
    p2 = _sc_layer(g2, src_t, dst_t, zeros_blk)
    g3 = _tc_mid(p2, g2, dis, W3, b2.reshape(1, D))
    p3 = _sc_layer(g3, src_t, dst_t, zeros_blk)
    return _tc_last(p3, g3, dis, b3.reshape(1, D))

# --- scband reference (transcript-rebuilt; emitter-appended) ---
"""Pipeline reference for scband-gnn-3-7275674599611 (READ-ONLY COPY).

The authoritative reference and input builder live on the scoring server;
editing this copy changes nothing except your own understanding.
"""

import jax, jax.numpy as jnp
import numpy as np

N_NODES = 10000
N_EDGES = 320000
D_IN = 128
D_HID = 128
D_OUT = 128


def setup_inputs(seed: int = 0) -> dict:
    key = jax.random.key(seed)
    k_x, k_e, k1, k2, k3, kb1, kb2, kb3 = jax.random.split(key, 8)
    x = jax.random.normal(k_x, (N_NODES, D_IN), dtype=jnp.float32)
    edge_index = jax.random.randint(k_e, (2, N_EDGES), 0, N_NODES, dtype=jnp.int64)
    # Glorot-style init for GCNConv linear weights (stored as [in, out])
    def glorot(k, fan_in, fan_out):
        limit = np.sqrt(6.0 / (fan_in + fan_out))
        return jax.random.uniform(k, (fan_in, fan_out), dtype=jnp.float32, minval=-limit, maxval=limit)
    W1 = glorot(k1, D_IN, D_HID)
    b1 = jnp.zeros((D_HID,), dtype=jnp.float32)
    W2 = glorot(k2, D_HID, D_HID)
    b2 = jnp.zeros((D_HID,), dtype=jnp.float32)
    W3 = glorot(k3, D_HID, D_OUT)
    b3 = jnp.zeros((D_OUT,), dtype=jnp.float32)
    return {"x": x, "edge_index": edge_index, "W1": W1, "b1": b1, "W2": W2, "b2": b2, "W3": W3, "b3": b3}


def gcn_conv(x, edge_index, W, b):
    # Faithful PyG GCNConv: add self-loops, symmetric normalization,
    # out = D^{-1/2} (A + I) D^{-1/2} X W + b
    N = x.shape[0]
    loop = jnp.arange(N, dtype=edge_index.dtype)
    src = jnp.concatenate([edge_index[0], loop])
    dst = jnp.concatenate([edge_index[1], loop])
    deg = jnp.zeros((N,), dtype=jnp.float32).at[dst].add(1.0)
    deg_inv_sqrt = jnp.where(deg > 0, 1.0 / jnp.sqrt(deg), 0.0)
    norm = deg_inv_sqrt[src] * deg_inv_sqrt[dst]
    h = x @ W
    msg = h[src] * norm[:, None]
    out = jnp.zeros((N, W.shape[1]), dtype=jnp.float32).at[dst].add(msg)
    return out + b


def reference(x, edge_index, W1, b1, W2, b2, W3, b3):
    h = jax.nn.relu(gcn_conv(x, edge_index, W1, b1))
    h = jax.nn.relu(gcn_conv(h, edge_index, W2, b2))
    out = gcn_conv(h, edge_index, W3, b3)
    return out

if __name__ == "__main__":
    import jax
    _d = setup_inputs()
    print(jax.jit(kernel)(*tuple(_d.values())))

</pallas_src>

<mosaic_0001>
#map = affine_map<(d0, d1) -> (0, 0)>
#map1 = affine_map<(d0, d1) -> (0, 0, 0)>
module attributes {stable_mosaic.version = 14 : i64} {
  func.func @_sc_layer_body(%arg0: i32, %arg1: i32, %arg2: memref<10240x128xf32, #tpu.memory_space<hbm>>, %arg3: memref<32x80x128xi32, #tpu.memory_space<hbm>>, %arg4: memref<32x80x128xi32, #tpu.memory_space<hbm>>, %arg5: memref<640x128xf32, #tpu.memory_space<hbm>>, %arg6: memref<2x10240x128xf32, #tpu.memory_space<hbm>>, %arg7: memref<40x128xi32, #tpu.memory_space<vmem>>, %arg8: memref<40x128xi32, #tpu.memory_space<vmem>>, %arg9: memref<128x128xf32, #tpu.memory_space<vmem>>, %arg10: memref<128x128xf32, #tpu.memory_space<vmem>>, %arg11: memref<10240x128xf32, #tpu.memory_space<vmem_shared>>, %arg12: memref<!tpu.dma_semaphore, #tpu.memory_space<semaphore_mem>>, %arg13: memref<!tpu.dma_semaphore, #tpu.memory_space<semaphore_mem>>, %arg14: memref<!tpu.dma_semaphore, #tpu.memory_space<semaphore_mem>>, %arg15: memref<!tpu.dma_semaphore, #tpu.memory_space<semaphore_mem>>) attributes {dimension_semantics = [#tpu.dimension_semantics<core_parallel>, #tpu.dimension_semantics<subcore_parallel>], iteration_bounds = array<i64: 2, 16>, scalar_prefetch = 0 : i64, scratch_operands = 9 : i64, tpu.core_type = #tpu.core_type<sc_vector_subcore>, window_params = [{transform_indices = #map}, {transform_indices = #map1}, {transform_indices = #map1}, {transform_indices = #map}, {transform_indices = #map1}]} {
    %mul3A = arith.constant 16 : i32
    %mul3A_0 = arith.muli %arg0, %mul3A : i32
    %add3A = arith.addi %mul3A_0, %arg1 : i32
    %mul3A_1 = arith.constant 640 : i32
    %mul3A_2 = arith.muli %arg1, %mul3A_1 : i32
    "tpu.region"() ({
      %run_scoped3A = tpu.sem_alloc : memref<!tpu.dma_semaphore, #tpu.memory_space<semaphore_mem>>
      %dma_start3A_129 = arith.constant 0 : i32
      %dma_start3A_130 = tpu.memref_slice %arg11[%mul3A_2, %dma_start3A_129] : memref<10240x128xf32, #tpu.memory_space<vmem_shared>> -> memref<640x128xf32, #tpu.memory_space<vmem_shared>>
      tpu.enqueue_dma source(%arg5 : memref<640x128xf32, #tpu.memory_space<hbm>>) target(%dma_start3A_130 : memref<640x128xf32, #tpu.memory_space<vmem_shared>>) target_semaphore(%run_scoped3A : memref<!tpu.dma_semaphore, #tpu.memory_space<semaphore_mem>>)
      %dma_wait3A_131 = arith.constant 0 : i32
      %dma_wait3A_132 = tpu.memref_slice %arg11[%mul3A_2, %dma_wait3A_131] : memref<10240x128xf32, #tpu.memory_space<vmem_shared>> -> memref<640x128xf32, #tpu.memory_space<vmem_shared>>
      tpu.wait_dma2 semaphore(%run_scoped3A : memref<!tpu.dma_semaphore, #tpu.memory_space<semaphore_mem>>) src(%arg5 : memref<640x128xf32, #tpu.memory_space<hbm>>) dst(%dma_wait3A_132 : memref<640x128xf32, #tpu.memory_space<vmem_shared>>)
      tpu.yield
    }) : () -> ()
    %barrier3A = arith.constant 0 : index
    tpu.barrier barrier_id(%barrier3A)
    "tpu.region"() ({
      %run_scoped3A = tpu.sem_alloc : memref<!tpu.dma_semaphore, #tpu.memory_space<semaphore_mem>>
      %dma_start3A_129 = arith.constant 0 : i32
      %dma_start3A_130 = arith.constant 0 : i32
      %dma_start3A_131 = tpu.memref_slice %arg3[%add3A, %dma_start3A_129, %dma_start3A_130] : memref<32x80x128xi32, #tpu.memory_space<hbm>> -> memref<1x40x128xi32, #tpu.memory_space<hbm>>
      %dma_start3A_132 = tpu.memref_squeeze %dma_start3A_131 : memref<1x40x128xi32, #tpu.memory_space<hbm>> -> memref<40x128xi32, #tpu.memory_space<hbm>>
      %dma_start3A_133 = arith.constant 0 : i32
      %dma_start3A_134 = arith.constant 0 : i32
      %dma_start3A_135 = tpu.memref_slice %arg3[%add3A, %dma_start3A_133, %dma_start3A_134] : memref<32x80x128xi32, #tpu.memory_space<hbm>> -> memref<1x40x128xi32, #tpu.memory_space<hbm>>
      %dma_start3A_136 = tpu.memref_squeeze %dma_start3A_135 : memref<1x40x128xi32, #tpu.memory_space<hbm>> -> memref<40x128xi32, #tpu.memory_space<hbm>>
      tpu.enqueue_dma source(%dma_start3A_136 : memref<40x128xi32, #tpu.memory_space<hbm>>) target(%arg7 : memref<40x128xi32, #tpu.memory_space<vmem>>) target_semaphore(%run_scoped3A : memref<!tpu.dma_semaphore, #tpu.memory_space<semaphore_mem>>)
      %dma_wait3A_137 = arith.constant 0 : i32
      %dma_wait3A_138 = arith.constant 0 : i32
      %dma_wait3A_139 = tpu.memref_slice %arg3[%add3A, %dma_wait3A_137, %dma_wait3A_138] : memref<32x80x128xi32, #tpu.memory_space<hbm>> -> memref<1x40x128xi32, #tpu.memory_space<hbm>>
      %dma_wait3A_140 = tpu.memref_squeeze %dma_wait3A_139 : memref<1x40x128xi32, #tpu.memory_space<hbm>> -> memref<40x128xi32, #tpu.memory_space<hbm>>
      %dma_wait3A_141 = arith.constant 0 : i32
      %dma_wait3A_142 = arith.constant 0 : i32
      %dma_wait3A_143 = tpu.memref_slice %arg3[%add3A, %dma_wait3A_141, %dma_wait3A_142] : memref<32x80x128xi32, #tpu.memory_space<hbm>> -> memref<1x40x128xi32, #tpu.memory_space<hbm>>
      %dma_wait3A_144 = tpu.memref_squeeze %dma_wait3A_143 : memref<1x40x128xi32, #tpu.memory_space<hbm>> -> memref<40x128xi32, #tpu.memory_space<hbm>>
      tpu.wait_dma2 semaphore(%run_scoped3A : memref<!tpu.dma_semaphore, #tpu.memory_space<semaphore_mem>>) src(%dma_wait3A_144 : memref<40x128xi32, #tpu.memory_space<hbm>>) dst(%arg7 : memref<40x128xi32, #tpu.memory_space<vmem>>)
      tpu.yield
    }) : () -> ()
    "tpu.region"() ({
      %run_scoped3A = tpu.sem_alloc : memref<!tpu.dma_semaphore, #tpu.memory_space<semaphore_mem>>
      %dma_start3A_129 = arith.constant 0 : i32
      %dma_start3A_130 = arith.constant 0 : i32
      %dma_start3A_131 = tpu.memref_slice %arg4[%add3A, %dma_start3A_129, %dma_start3A_130] : memref<32x80x128xi32, #tpu.memory_space<hbm>> -> memref<1x40x128xi32, #tpu.memory_space<hbm>>
      %dma_start3A_132 = tpu.memref_squeeze %dma_start3A_131 : memref<1x40x128xi32, #tpu.memory_space<hbm>> -> memref<40x128xi32, #tpu.memory_space<hbm>>
      %dma_start3A_133 = arith.constant 0 : i32
      %dma_start3A_134 = arith.constant 0 : i32
      %dma_start3A_135 = tpu.memref_slice %arg4[%add3A, %dma_start3A_133, %dma_start3A_134] : memref<32x80x128xi32, #tpu.memory_space<hbm>> -> memref<1x40x128xi32, #tpu.memory_space<hbm>>
      %dma_start3A_136 = tpu.memref_squeeze %dma_start3A_135 : memref<1x40x128xi32, #tpu.memory_space<hbm>> -> memref<40x128xi32, #tpu.memory_space<hbm>>
      tpu.enqueue_dma source(%dma_start3A_136 : memref<40x128xi32, #tpu.memory_space<hbm>>) target(%arg8 : memref<40x128xi32, #tpu.memory_space<vmem>>) target_semaphore(%run_scoped3A : memref<!tpu.dma_semaphore, #tpu.memory_space<semaphore_mem>>)
      %dma_wait3A_137 = arith.constant 0 : i32
      %dma_wait3A_138 = arith.constant 0 : i32
      %dma_wait3A_139 = tpu.memref_slice %arg4[%add3A, %dma_wait3A_137, %dma_wait3A_138] : memref<32x80x128xi32, #tpu.memory_space<hbm>> -> memref<1x40x128xi32, #tpu.memory_space<hbm>>
      %dma_wait3A_140 = tpu.memref_squeeze %dma_wait3A_139 : memref<1x40x128xi32, #tpu.memory_space<hbm>> -> memref<40x128xi32, #tpu.memory_space<hbm>>
      %dma_wait3A_141 = arith.constant 0 : i32
      %dma_wait3A_142 = arith.constant 0 : i32
      %dma_wait3A_143 = tpu.memref_slice %arg4[%add3A, %dma_wait3A_141, %dma_wait3A_142] : memref<32x80x128xi32, #tpu.memory_space<hbm>> -> memref<1x40x128xi32, #tpu.memory_space<hbm>>
      %dma_wait3A_144 = tpu.memref_squeeze %dma_wait3A_143 : memref<1x40x128xi32, #tpu.memory_space<hbm>> -> memref<40x128xi32, #tpu.memory_space<hbm>>
      tpu.wait_dma2 semaphore(%run_scoped3A : memref<!tpu.dma_semaphore, #tpu.memory_space<semaphore_mem>>) src(%dma_wait3A_144 : memref<40x128xi32, #tpu.memory_space<hbm>>) dst(%arg8 : memref<40x128xi32, #tpu.memory_space<vmem>>)
      tpu.yield
    }) : () -> ()
    %dma_start3A = arith.constant 0 : i32
    %dma_start3A_3 = arith.constant 0 : i32
    %dma_start3A_4 = tpu.memref_slice %arg7[%dma_start3A, %dma_start3A_3] : memref<40x128xi32, #tpu.memory_space<vmem>> -> memref<1x128xi32, #tpu.memory_space<vmem>>
    %dma_start3A_5 = tpu.memref_squeeze %dma_start3A_4 : memref<1x128xi32, #tpu.memory_space<vmem>> -> memref<128xi32, #tpu.memory_space<vmem>>
    %dma_start3A_6 = arith.constant 0 : i32
    %dma_start3A_7 = arith.constant 0 : i32
    %dma_start3A_8 = tpu.memref_slice %arg2[%dma_start3A_6, %dma_start3A_7] : memref<10240x128xf32, #tpu.memory_space<hbm>> -> memref<10240x128xf32, #tpu.memory_space<hbm>>
    tpu.enqueue_indirect_dma source(%dma_start3A_8 : memref<10240x128xf32, #tpu.memory_space<hbm>>) target(%arg9 : memref<128x128xf32, #tpu.memory_space<vmem>>) offsets(%dma_start3A_5 : memref<128xi32, #tpu.memory_space<vmem>>) semaphore(%arg12 : memref<!tpu.dma_semaphore, #tpu.memory_space<semaphore_mem>>)
    %dma_wait3A = arith.constant 0 : i32
    %dma_wait3A_9 = arith.constant 0 : i32
    %dma_wait3A_10 = tpu.memref_slice %arg7[%dma_wait3A, %dma_wait3A_9] : memref<40x128xi32, #tpu.memory_space<vmem>> -> memref<1x128xi32, #tpu.memory_space<vmem>>
    %dma_wait3A_11 = tpu.memref_squeeze %dma_wait3A_10 : memref<1x128xi32, #tpu.memory_space<vmem>> -> memref<128xi32, #tpu.memory_space<vmem>>
    %dma_wait3A_12 = arith.constant 0 : i32
    %dma_wait3A_13 = arith.constant 0 : i32
    %dma_wait3A_14 = tpu.memref_slice %arg2[%dma_wait3A_12, %dma_wait3A_13] : memref<10240x128xf32, #tpu.memory_space<hbm>> -> memref<10240x128xf32, #tpu.memory_space<hbm>>
    tpu.wait_indirect_dma semaphore(%arg12 : memref<!tpu.dma_semaphore, #tpu.memory_space<semaphore_mem>>) src(%dma_wait3A_14 : memref<10240x128xf32, #tpu.memory_space<hbm>>) dst(%arg9 : memref<128x128xf32, #tpu.memory_space<vmem>>)
    %dma_start3A_15 = arith.constant 0 : i32
    %dma_start3A_16 = arith.constant 0 : i32
    %dma_start3A_17 = tpu.memref_slice %arg8[%dma_start3A_15, %dma_start3A_16] : memref<40x128xi32, #tpu.memory_space<vmem>> -> memref<1x128xi32, #tpu.memory_space<vmem>>
    %dma_start3A_18 = tpu.memref_squeeze %dma_start3A_17 : memref<1x128xi32, #tpu.memory_space<vmem>> -> memref<128xi32, #tpu.memory_space<vmem>>
    %dma_start3A_19 = arith.constant 0 : i32
    %dma_start3A_20 = arith.constant 0 : i32
    %dma_start3A_21 = tpu.memref_slice %arg11[%dma_start3A_19, %dma_start3A_20] : memref<10240x128xf32, #tpu.memory_space<vmem_shared>> -> memref<10240x128xf32, #tpu.memory_space<vmem_shared>>
    tpu.enqueue_indirect_dma source(%arg9 : memref<128x128xf32, #tpu.memory_space<vmem>>) target(%dma_start3A_21 : memref<10240x128xf32, #tpu.memory_space<vmem_shared>>) offsets(%dma_start3A_18 : memref<128xi32, #tpu.memory_space<vmem>>) semaphore(%arg14 : memref<!tpu.dma_semaphore, #tpu.memory_space<semaphore_mem>>) {add = true}
    %dma_start3A_22 = arith.constant 1 : i32
    %dma_start3A_23 = arith.constant 0 : i32
    %dma_start3A_24 = tpu.memref_slice %arg7[%dma_start3A_22, %dma_start3A_23] : memref<40x128xi32, #tpu.memory_space<vmem>> -> memref<1x128xi32, #tpu.memory_space<vmem>>
    %dma_start3A_25 = tpu.memref_squeeze %dma_start3A_24 : memref<1x128xi32, #tpu.memory_space<vmem>> -> memref<128xi32, #tpu.memory_space<vmem>>
    %dma_start3A_26 = arith.constant 0 : i32
    %dma_start3A_27 = arith.constant 0 : i32
    %dma_start3A_28 = tpu.memref_slice %arg2[%dma_start3A_26, %dma_start3A_27] : memref<10240x128xf32, #tpu.memory_space<hbm>> -> memref<10240x128xf32, #tpu.memory_space<hbm>>
    tpu.enqueue_indirect_dma source(%dma_start3A_28 : memref<10240x128xf32, #tpu.memory_space<hbm>>) target(%arg10 : memref<128x128xf32, #tpu.memory_space<vmem>>) offsets(%dma_start3A_25 : memref<128xi32, #tpu.memory_space<vmem>>) semaphore(%arg13 : memref<!tpu.dma_semaphore, #tpu.memory_space<semaphore_mem>>)
    %scan3A = arith.constant 0 : i32
    %scan3A_29 = arith.constant 1 : i32
    %scan3A_30 = arith.constant 19 : i32
    %scan3A_31 = arith.addi %scan3A_29, %scan3A_30 : i32
    %scan3A_32 = arith.constant 1 : i32
    scf.for %scan3A_129 = %scan3A_29 to %scan3A_31 step %scan3A_32  : i32 {
      %mul3A_130 = arith.constant 2 : i32
      %mul3A_131 = arith.muli %mul3A_130, %scan3A_129 : i32
      %sub3A = arith.constant 1 : i32
      %sub3A_132 = arith.subi %mul3A_131, %sub3A : i32
      %dma_wait3A_133 = arith.constant 0 : i32
      %dma_wait3A_134 = tpu.memref_slice %arg7[%sub3A_132, %dma_wait3A_133] : memref<40x128xi32, #tpu.memory_space<vmem>> -> memref<1x128xi32, #tpu.memory_space<vmem>>
      %dma_wait3A_135 = tpu.memref_squeeze %dma_wait3A_134 : memref<1x128xi32, #tpu.memory_space<vmem>> -> memref<128xi32, #tpu.memory_space<vmem>>
      %dma_wait3A_136 = arith.constant 0 : i32
      %dma_wait3A_137 = arith.constant 0 : i32
      %dma_wait3A_138 = tpu.memref_slice %arg2[%dma_wait3A_136, %dma_wait3A_137] : memref<10240x128xf32, #tpu.memory_space<hbm>> -> memref<10240x128xf32, #tpu.memory_space<hbm>>
      tpu.wait_indirect_dma semaphore(%arg13 : memref<!tpu.dma_semaphore, #tpu.memory_space<semaphore_mem>>) src(%dma_wait3A_138 : memref<10240x128xf32, #tpu.memory_space<hbm>>) dst(%arg10 : memref<128x128xf32, #tpu.memory_space<vmem>>)
      %sub3A_139 = arith.constant 1 : i32
      %sub3A_140 = arith.subi %mul3A_131, %sub3A_139 : i32
      %dma_start3A_141 = arith.constant 0 : i32
      %dma_start3A_142 = tpu.memref_slice %arg8[%sub3A_140, %dma_start3A_141] : memref<40x128xi32, #tpu.memory_space<vmem>> -> memref<1x128xi32, #tpu.memory_space<vmem>>
      %dma_start3A_143 = tpu.memref_squeeze %dma_start3A_142 : memref<1x128xi32, #tpu.memory_space<vmem>> -> memref<128xi32, #tpu.memory_space<vmem>>
      %dma_start3A_144 = arith.constant 0 : i32
      %dma_start3A_145 = arith.constant 0 : i32
      %dma_start3A_146 = tpu.memref_slice %arg11[%dma_start3A_144, %dma_start3A_145] : memref<10240x128xf32, #tpu.memory_space<vmem_shared>> -> memref<10240x128xf32, #tpu.memory_space<vmem_shared>>
      tpu.enqueue_indirect_dma source(%arg10 : memref<128x128xf32, #tpu.memory_space<vmem>>) target(%dma_start3A_146 : memref<10240x128xf32, #tpu.memory_space<vmem_shared>>) offsets(%dma_start3A_143 : memref<128xi32, #tpu.memory_space<vmem>>) semaphore(%arg15 : memref<!tpu.dma_semaphore, #tpu.memory_space<semaphore_mem>>) {add = true}
      %sub3A_147 = arith.constant 2 : i32
      %sub3A_148 = arith.subi %mul3A_131, %sub3A_147 : i32
      %dma_wait3A_149 = arith.constant 0 : i32
      %dma_wait3A_150 = tpu.memref_slice %arg8[%sub3A_148, %dma_wait3A_149] : memref<40x128xi32, #tpu.memory_space<vmem>> -> memref<1x128xi32, #tpu.memory_space<vmem>>
      %dma_wait3A_151 = tpu.memref_squeeze %dma_wait3A_150 : memref<1x128xi32, #tpu.memory_space<vmem>> -> memref<128xi32, #tpu.memory_space<vmem>>
      %dma_wait3A_152 = arith.constant 0 : i32
      %dma_wait3A_153 = arith.constant 0 : i32
      %dma_wait3A_154 = tpu.memref_slice %arg11[%dma_wait3A_152, %dma_wait3A_153] : memref<10240x128xf32, #tpu.memory_space<vmem_shared>> -> memref<10240x128xf32, #tpu.memory_space<vmem_shared>>
      tpu.wait_indirect_dma semaphore(%arg14 : memref<!tpu.dma_semaphore, #tpu.memory_space<semaphore_mem>>) src(%arg9 : memref<128x128xf32, #tpu.memory_space<vmem>>) dst(%dma_wait3A_154 : memref<10240x128xf32, #tpu.memory_space<vmem_shared>>)
      %dma_start3A_155 = arith.constant 0 : i32
      %dma_start3A_156 = tpu.memref_slice %arg7[%mul3A_131, %dma_start3A_155] : memref<40x128xi32, #tpu.memory_space<vmem>> -> memref<1x128xi32, #tpu.memory_space<vmem>>
      %dma_start3A_157 = tpu.memref_squeeze %dma_start3A_156 : memref<1x128xi32, #tpu.memory_space<vmem>> -> memref<128xi32, #tpu.memory_space<vmem>>
      %dma_start3A_158 = arith.constant 0 : i32
      %dma_start3A_159 = arith.constant 0 : i32
      %dma_start3A_160 = tpu.memref_slice %arg2[%dma_start3A_158, %dma_start3A_159] : memref<10240x128xf32, #tpu.memory_space<hbm>> -> memref<10240x128xf32, #tpu.memory_space<hbm>>
      tpu.enqueue_indirect_dma source(%dma_start3A_160 : memref<10240x128xf32, #tpu.memory_space<hbm>>) target(%arg9 : memref<128x128xf32, #tpu.memory_space<vmem>>) offsets(%dma_start3A_157 : memref<128xi32, #tpu.memory_space<vmem>>) semaphore(%arg12 : memref<!tpu.dma_semaphore, #tpu.memory_space<semaphore_mem>>)
      %dma_wait3A_161 = arith.constant 0 : i32
      %dma_wait3A_162 = tpu.memref_slice %arg7[%mul3A_131, %dma_wait3A_161] : memref<40x128xi32, #tpu.memory_space<vmem>> -> memref<1x128xi32, #tpu.memory_space<vmem>>
      %dma_wait3A_163 = tpu.memref_squeeze %dma_wait3A_162 : memref<1x128xi32, #tpu.memory_space<vmem>> -> memref<128xi32, #tpu.memory_space<vmem>>
      %dma_wait3A_164 = arith.constant 0 : i32
      %dma_wait3A_165 = arith.constant 0 : i32
      %dma_wait3A_166 = tpu.memref_slice %arg2[%dma_wait3A_164, %dma_wait3A_165] : memref<10240x128xf32, #tpu.memory_space<hbm>> -> memref<10240x128xf32, #tpu.memory_space<hbm>>
      tpu.wait_indirect_dma semaphore(%arg12 : memref<!tpu.dma_semaphore, #tpu.memory_space<semaphore_mem>>) src(%dma_wait3A_166 : memref<10240x128xf32, #tpu.memory_space<hbm>>) dst(%arg9 : memref<128x128xf32, #tpu.memory_space<vmem>>)
      %dma_start3A_167 = arith.constant 0 : i32
      %dma_start3A_168 = tpu.memref_slice %arg8[%mul3A_131, %dma_start3A_167] : memref<40x128xi32, #tpu.memory_space<vmem>> -> memref<1x128xi32, #tpu.memory_space<vmem>>
      %dma_start3A_169 = tpu.memref_squeeze %dma_start3A_168 : memref<1x128xi32, #tpu.memory_space<vmem>> -> memref<128xi32, #tpu.memory_space<vmem>>
      %dma_start3A_170 = arith.constant 0 : i32
      %dma_start3A_171 = arith.constant 0 : i32
      %dma_start3A_172 = tpu.memref_slice %arg11[%dma_start3A_170, %dma_start3A_171] : memref<10240x128xf32, #tpu.memory_space<vmem_shared>> -> memref<10240x128xf32, #tpu.memory_space<vmem_shared>>
      tpu.enqueue_indirect_dma source(%arg9 : memref<128x128xf32, #tpu.memory_space<vmem>>) target(%dma_start3A_172 : memref<10240x128xf32, #tpu.memory_space<vmem_shared>>) offsets(%dma_start3A_169 : memref<128xi32, #tpu.memory_space<vmem>>) semaphore(%arg14 : memref<!tpu.dma_semaphore, #tpu.memory_space<semaphore_mem>>) {add = true}
      %sub3A_173 = arith.constant 1 : i32
      %sub3A_174 = arith.subi %mul3A_131, %sub3A_173 : i32
      %dma_wait3A_175 = arith.constant 0 : i32
      %dma_wait3A_176 = tpu.memref_slice %arg8[%sub3A_174, %dma_wait3A_175] : memref<40x128xi32, #tpu.memory_space<vmem>> -> memref<1x128xi32, #tpu.memory_space<vmem>>
      %dma_wait3A_177 = tpu.memref_squeeze %dma_wait3A_176 : memref<1x128xi32, #tpu.memory_space<vmem>> -> memref<128xi32, #tpu.memory_space<vmem>>
      %dma_wait3A_178 = arith.constant 0 : i32
      %dma_wait3A_179 = arith.constant 0 : i32
      %dma_wait3A_180 = tpu.memref_slice %arg11[%dma_wait3A_178, %dma_wait3A_179] : memref<10240x128xf32, #tpu.memory_space<vmem_shared>> -> memref<10240x128xf32, #tpu.memory_space<vmem_shared>>
      tpu.wait_indirect_dma semaphore(%arg15 : memref<!tpu.dma_semaphore, #tpu.memory_space<semaphore_mem>>) src(%arg10 : memref<128x128xf32, #tpu.memory_space<vmem>>) dst(%dma_wait3A_180 : memref<10240x128xf32, #tpu.memory_space<vmem_shared>>)
      %add3A_181 = arith.constant 1 : i32
      %add3A_182 = arith.addi %mul3A_131, %add3A_181 : i32
      %dma_start3A_183 = arith.constant 0 : i32
      %dma_start3A_184 = tpu.memref_slice %arg7[%add3A_182, %dma_start3A_183] : memref<40x128xi32, #tpu.memory_space<vmem>> -> memref<1x128xi32, #tpu.memory_space<vmem>>
      %dma_start3A_185 = tpu.memref_squeeze %dma_start3A_184 : memref<1x128xi32, #tpu.memory_space<vmem>> -> memref<128xi32, #tpu.memory_space<vmem>>
      %dma_start3A_186 = arith.constant 0 : i32
      %dma_start3A_187 = arith.constant 0 : i32
      %dma_start3A_188 = tpu.memref_slice %arg2[%dma_start3A_186, %dma_start3A_187] : memref<10240x128xf32, #tpu.memory_space<hbm>> -> memref<10240x128xf32, #tpu.memory_space<hbm>>
      tpu.enqueue_indirect_dma source(%dma_start3A_188 : memref<10240x128xf32, #tpu.memory_space<hbm>>) target(%arg10 : memref<128x128xf32, #tpu.memory_space<vmem>>) offsets(%dma_start3A_185 : memref<128xi32, #tpu.memory_space<vmem>>) semaphore(%arg13 : memref<!tpu.dma_semaphore, #tpu.memory_space<semaphore_mem>>)
    }
    %scan3A_33 = arith.constant 19 : i32
    %dma_wait3A_34 = arith.constant 39 : i32
    %dma_wait3A_35 = arith.constant 0 : i32
    %dma_wait3A_36 = tpu.memref_slice %arg7[%dma_wait3A_34, %dma_wait3A_35] : memref<40x128xi32, #tpu.memory_space<vmem>> -> memref<1x128xi32, #tpu.memory_space<vmem>>
    %dma_wait3A_37 = tpu.memref_squeeze %dma_wait3A_36 : memref<1x128xi32, #tpu.memory_space<vmem>> -> memref<128xi32, #tpu.memory_space<vmem>>
    %dma_wait3A_38 = arith.constant 0 : i32
    %dma_wait3A_39 = arith.constant 0 : i32
    %dma_wait3A_40 = tpu.memref_slice %arg2[%dma_wait3A_38, %dma_wait3A_39] : memref<10240x128xf32, #tpu.memory_space<hbm>> -> memref<10240x128xf32, #tpu.memory_space<hbm>>
    tpu.wait_indirect_dma semaphore(%arg13 : memref<!tpu.dma_semaphore, #tpu.memory_space<semaphore_mem>>) src(%dma_wait3A_40 : memref<10240x128xf32, #tpu.memory_space<hbm>>) dst(%arg10 : memref<128x128xf32, #tpu.memory_space<vmem>>)
    %dma_start3A_41 = arith.constant 39 : i32
    %dma_start3A_42 = arith.constant 0 : i32
    %dma_start3A_43 = tpu.memref_slice %arg8[%dma_start3A_41, %dma_start3A_42] : memref<40x128xi32, #tpu.memory_space<vmem>> -> memref<1x128xi32, #tpu.memory_space<vmem>>
    %dma_start3A_44 = tpu.memref_squeeze %dma_start3A_43 : memref<1x128xi32, #tpu.memory_space<vmem>> -> memref<128xi32, #tpu.memory_space<vmem>>
    %dma_start3A_45 = arith.constant 0 : i32
    %dma_start3A_46 = arith.constant 0 : i32
    %dma_start3A_47 = tpu.memref_slice %arg11[%dma_start3A_45, %dma_start3A_46] : memref<10240x128xf32, #tpu.memory_space<vmem_shared>> -> memref<10240x128xf32, #tpu.memory_space<vmem_shared>>
    tpu.enqueue_indirect_dma source(%arg10 : memref<128x128xf32, #tpu.memory_space<vmem>>) target(%dma_start3A_47 : memref<10240x128xf32, #tpu.memory_space<vmem_shared>>) offsets(%dma_start3A_44 : memref<128xi32, #tpu.memory_space<vmem>>) semaphore(%arg15 : memref<!tpu.dma_semaphore, #tpu.memory_space<semaphore_mem>>) {add = true}
    %dma_wait3A_48 = arith.constant 38 : i32
    %dma_wait3A_49 = arith.constant 0 : i32
    %dma_wait3A_50 = tpu.memref_slice %arg8[%dma_wait3A_48, %dma_wait3A_49] : memref<40x128xi32, #tpu.memory_space<vmem>> -> memref<1x128xi32, #tpu.memory_space<vmem>>
    %dma_wait3A_51 = tpu.memref_squeeze %dma_wait3A_50 : memref<1x128xi32, #tpu.memory_space<vmem>> -> memref<128xi32, #tpu.memory_space<vmem>>
    %dma_wait3A_52 = arith.constant 0 : i32
    %dma_wait3A_53 = arith.constant 0 : i32
    %dma_wait3A_54 = tpu.memref_slice %arg11[%dma_wait3A_52, %dma_wait3A_53] : memref<10240x128xf32, #tpu.memory_space<vmem_shared>> -> memref<10240x128xf32, #tpu.memory_space<vmem_shared>>
    tpu.wait_indirect_dma semaphore(%arg14 : memref<!tpu.dma_semaphore, #tpu.memory_space<semaphore_mem>>) src(%arg9 : memref<128x128xf32, #tpu.memory_space<vmem>>) dst(%dma_wait3A_54 : memref<10240x128xf32, #tpu.memory_space<vmem_shared>>)
    %dma_wait3A_55 = arith.constant 39 : i32
    %dma_wait3A_56 = arith.constant 0 : i32
    %dma_wait3A_57 = tpu.memref_slice %arg8[%dma_wait3A_55, %dma_wait3A_56] : memref<40x128xi32, #tpu.memory_space<vmem>> -> memref<1x128xi32, #tpu.memory_space<vmem>>
    %dma_wait3A_58 = tpu.memref_squeeze %dma_wait3A_57 : memref<1x128xi32, #tpu.memory_space<vmem>> -> memref<128xi32, #tpu.memory_space<vmem>>
    %dma_wait3A_59 = arith.constant 0 : i32
    %dma_wait3A_60 = arith.constant 0 : i32
    %dma_wait3A_61 = tpu.memref_slice %arg11[%dma_wait3A_59, %dma_wait3A_60] : memref<10240x128xf32, #tpu.memory_space<vmem_shared>> -> memref<10240x128xf32, #tpu.memory_space<vmem_shared>>
    tpu.wait_indirect_dma semaphore(%arg15 : memref<!tpu.dma_semaphore, #tpu.memory_space<semaphore_mem>>) src(%arg10 : memref<128x128xf32, #tpu.memory_space<vmem>>) dst(%dma_wait3A_61 : memref<10240x128xf32, #tpu.memory_space<vmem_shared>>)
    "tpu.region"() ({
      %run_scoped3A = tpu.sem_alloc : memref<!tpu.dma_semaphore, #tpu.memory_space<semaphore_mem>>
      %dma_start3A_129 = arith.constant 40 : i32
      %dma_start3A_130 = arith.constant 0 : i32
      %dma_start3A_131 = tpu.memref_slice %arg3[%add3A, %dma_start3A_129, %dma_start3A_130] : memref<32x80x128xi32, #tpu.memory_space<hbm>> -> memref<1x40x128xi32, #tpu.memory_space<hbm>>
      %dma_start3A_132 = tpu.memref_squeeze %dma_start3A_131 : memref<1x40x128xi32, #tpu.memory_space<hbm>> -> memref<40x128xi32, #tpu.memory_space<hbm>>
      %dma_start3A_133 = arith.constant 40 : i32
      %dma_start3A_134 = arith.constant 0 : i32
      %dma_start3A_135 = tpu.memref_slice %arg3[%add3A, %dma_start3A_133, %dma_start3A_134] : memref<32x80x128xi32, #tpu.memory_space<hbm>> -> memref<1x40x128xi32, #tpu.memory_space<hbm>>
      %dma_start3A_136 = tpu.memref_squeeze %dma_start3A_135 : memref<1x40x128xi32, #tpu.memory_space<hbm>> -> memref<40x128xi32, #tpu.memory_space<hbm>>
      tpu.enqueue_dma source(%dma_start3A_136 : memref<40x128xi32, #tpu.memory_space<hbm>>) target(%arg7 : memref<40x128xi32, #tpu.memory_space<vmem>>) target_semaphore(%run_scoped3A : memref<!tpu.dma_semaphore, #tpu.memory_space<semaphore_mem>>)
      %dma_wait3A_137 = arith.constant 40 : i32
      %dma_wait3A_138 = arith.constant 0 : i32
      %dma_wait3A_139 = tpu.memref_slice %arg3[%add3A, %dma_wait3A_137, %dma_wait3A_138] : memref<32x80x128xi32, #tpu.memory_space<hbm>> -> memref<1x40x128xi32, #tpu.memory_space<hbm>>
      %dma_wait3A_140 = tpu.memref_squeeze %dma_wait3A_139 : memref<1x40x128xi32, #tpu.memory_space<hbm>> -> memref<40x128xi32, #tpu.memory_space<hbm>>
      %dma_wait3A_141 = arith.constant 40 : i32
      %dma_wait3A_142 = arith.constant 0 : i32
      %dma_wait3A_143 = tpu.memref_slice %arg3[%add3A, %dma_wait3A_141, %dma_wait3A_142] : memref<32x80x128xi32, #tpu.memory_space<hbm>> -> memref<1x40x128xi32, #tpu.memory_space<hbm>>
      %dma_wait3A_144 = tpu.memref_squeeze %dma_wait3A_143 : memref<1x40x128xi32, #tpu.memory_space<hbm>> -> memref<40x128xi32, #tpu.memory_space<hbm>>
      tpu.wait_dma2 semaphore(%run_scoped3A : memref<!tpu.dma_semaphore, #tpu.memory_space<semaphore_mem>>) src(%dma_wait3A_144 : memref<40x128xi32, #tpu.memory_space<hbm>>) dst(%arg7 : memref<40x128xi32, #tpu.memory_space<vmem>>)
      tpu.yield
    }) : () -> ()
    "tpu.region"() ({
      %run_scoped3A = tpu.sem_alloc : memref<!tpu.dma_semaphore, #tpu.memory_space<semaphore_mem>>
      %dma_start3A_129 = arith.constant 40 : i32
      %dma_start3A_130 = arith.constant 0 : i32
      %dma_start3A_131 = tpu.memref_slice %arg4[%add3A, %dma_start3A_129, %dma_start3A_130] : memref<32x80x128xi32, #tpu.memory_space<hbm>> -> memref<1x40x128xi32, #tpu.memory_space<hbm>>
      %dma_start3A_132 = tpu.memref_squeeze %dma_start3A_131 : memref<1x40x128xi32, #tpu.memory_space<hbm>> -> memref<40x128xi32, #tpu.memory_space<hbm>>
      %dma_start3A_133 = arith.constant 40 : i32
      %dma_start3A_134 = arith.constant 0 : i32
      %dma_start3A_135 = tpu.memref_slice %arg4[%add3A, %dma_start3A_133, %dma_start3A_134] : memref<32x80x128xi32, #tpu.memory_space<hbm>> -> memref<1x40x128xi32, #tpu.memory_space<hbm>>
      %dma_start3A_136 = tpu.memref_squeeze %dma_start3A_135 : memref<1x40x128xi32, #tpu.memory_space<hbm>> -> memref<40x128xi32, #tpu.memory_space<hbm>>
      tpu.enqueue_dma source(%dma_start3A_136 : memref<40x128xi32, #tpu.memory_space<hbm>>) target(%arg8 : memref<40x128xi32, #tpu.memory_space<vmem>>) target_semaphore(%run_scoped3A : memref<!tpu.dma_semaphore, #tpu.memory_space<semaphore_mem>>)
      %dma_wait3A_137 = arith.constant 40 : i32
      %dma_wait3A_138 = arith.constant 0 : i32
      %dma_wait3A_139 = tpu.memref_slice %arg4[%add3A, %dma_wait3A_137, %dma_wait3A_138] : memref<32x80x128xi32, #tpu.memory_space<hbm>> -> memref<1x40x128xi32, #tpu.memory_space<hbm>>
      %dma_wait3A_140 = tpu.memref_squeeze %dma_wait3A_139 : memref<1x40x128xi32, #tpu.memory_space<hbm>> -> memref<40x128xi32, #tpu.memory_space<hbm>>
      %dma_wait3A_141 = arith.constant 40 : i32
      %dma_wait3A_142 = arith.constant 0 : i32
      %dma_wait3A_143 = tpu.memref_slice %arg4[%add3A, %dma_wait3A_141, %dma_wait3A_142] : memref<32x80x128xi32, #tpu.memory_space<hbm>> -> memref<1x40x128xi32, #tpu.memory_space<hbm>>
      %dma_wait3A_144 = tpu.memref_squeeze %dma_wait3A_143 : memref<1x40x128xi32, #tpu.memory_space<hbm>> -> memref<40x128xi32, #tpu.memory_space<hbm>>
      tpu.wait_dma2 semaphore(%run_scoped3A : memref<!tpu.dma_semaphore, #tpu.memory_space<semaphore_mem>>) src(%dma_wait3A_144 : memref<40x128xi32, #tpu.memory_space<hbm>>) dst(%arg8 : memref<40x128xi32, #tpu.memory_space<vmem>>)
      tpu.yield
    }) : () -> ()
    %dma_start3A_62 = arith.constant 0 : i32
    %dma_start3A_63 = arith.constant 0 : i32
    %dma_start3A_64 = tpu.memref_slice %arg7[%dma_start3A_62, %dma_start3A_63] : memref<40x128xi32, #tpu.memory_space<vmem>> -> memref<1x128xi32, #tpu.memory_space<vmem>>
    %dma_start3A_65 = tpu.memref_squeeze %dma_start3A_64 : memref<1x128xi32, #tpu.memory_space<vmem>> -> memref<128xi32, #tpu.memory_space<vmem>>
    %dma_start3A_66 = arith.constant 0 : i32
    %dma_start3A_67 = arith.constant 0 : i32
    %dma_start3A_68 = tpu.memref_slice %arg2[%dma_start3A_66, %dma_start3A_67] : memref<10240x128xf32, #tpu.memory_space<hbm>> -> memref<10240x128xf32, #tpu.memory_space<hbm>>
    tpu.enqueue_indirect_dma source(%dma_start3A_68 : memref<10240x128xf32, #tpu.memory_space<hbm>>) target(%arg9 : memref<128x128xf32, #tpu.memory_space<vmem>>) offsets(%dma_start3A_65 : memref<128xi32, #tpu.memory_space<vmem>>) semaphore(%arg12 : memref<!tpu.dma_semaphore, #tpu.memory_space<semaphore_mem>>)
    %dma_wait3A_69 = arith.constant 0 : i32
    %dma_wait3A_70 = arith.constant 0 : i32
    %dma_wait3A_71 = tpu.memref_slice %arg7[%dma_wait3A_69, %dma_wait3A_70] : memref<40x128xi32, #tpu.memory_space<vmem>> -> memref<1x128xi32, #tpu.memory_space<vmem>>
    %dma_wait3A_72 = tpu.memref_squeeze %dma_wait3A_71 : memref<1x128xi32, #tpu.memory_space<vmem>> -> memref<128xi32, #tpu.memory_space<vmem>>
    %dma_wait3A_73 = arith.constant 0 : i32
    %dma_wait3A_74 = arith.constant 0 : i32
    %dma_wait3A_75 = tpu.memref_slice %arg2[%dma_wait3A_73, %dma_wait3A_74] : memref<10240x128xf32, #tpu.memory_space<hbm>> -> memref<10240x128xf32, #tpu.memory_space<hbm>>
    tpu.wait_indirect_dma semaphore(%arg12 : memref<!tpu.dma_semaphore, #tpu.memory_space<semaphore_mem>>) src(%dma_wait3A_75 : memref<10240x128xf32, #tpu.memory_space<hbm>>) dst(%arg9 : memref<128x128xf32, #tpu.memory_space<vmem>>)
    %dma_start3A_76 = arith.constant 0 : i32
    %dma_start3A_77 = arith.constant 0 : i32
    %dma_start3A_78 = tpu.memref_slice %arg8[%dma_start3A_76, %dma_start3A_77] : memref<40x128xi32, #tpu.memory_space<vmem>> -> memref<1x128xi32, #tpu.memory_space<vmem>>
    %dma_start3A_79 = tpu.memref_squeeze %dma_start3A_78 : memref<1x128xi32, #tpu.memory_space<vmem>> -> memref<128xi32, #tpu.memory_space<vmem>>
    %dma_start3A_80 = arith.constant 0 : i32
    %dma_start3A_81 = arith.constant 0 : i32
    %dma_start3A_82 = tpu.memref_slice %arg11[%dma_start3A_80, %dma_start3A_81] : memref<10240x128xf32, #tpu.memory_space<vmem_shared>> -> memref<10240x128xf32, #tpu.memory_space<vmem_shared>>
    tpu.enqueue_indirect_dma source(%arg9 : memref<128x128xf32, #tpu.memory_space<vmem>>) target(%dma_start3A_82 : memref<10240x128xf32, #tpu.memory_space<vmem_shared>>) offsets(%dma_start3A_79 : memref<128xi32, #tpu.memory_space<vmem>>) semaphore(%arg14 : memref<!tpu.dma_semaphore, #tpu.memory_space<semaphore_mem>>) {add = true}
    %dma_start3A_83 = arith.constant 1 : i32
    %dma_start3A_84 = arith.constant 0 : i32
    %dma_start3A_85 = tpu.memref_slice %arg7[%dma_start3A_83, %dma_start3A_84] : memref<40x128xi32, #tpu.memory_space<vmem>> -> memref<1x128xi32, #tpu.memory_space<vmem>>
    %dma_start3A_86 = tpu.memref_squeeze %dma_start3A_85 : memref<1x128xi32, #tpu.memory_space<vmem>> -> memref<128xi32, #tpu.memory_space<vmem>>
    %dma_start3A_87 = arith.constant 0 : i32
    %dma_start3A_88 = arith.constant 0 : i32
    %dma_start3A_89 = tpu.memref_slice %arg2[%dma_start3A_87, %dma_start3A_88] : memref<10240x128xf32, #tpu.memory_space<hbm>> -> memref<10240x128xf32, #tpu.memory_space<hbm>>
    tpu.enqueue_indirect_dma source(%dma_start3A_89 : memref<10240x128xf32, #tpu.memory_space<hbm>>) target(%arg10 : memref<128x128xf32, #tpu.memory_space<vmem>>) offsets(%dma_start3A_86 : memref<128xi32, #tpu.memory_space<vmem>>) semaphore(%arg13 : memref<!tpu.dma_semaphore, #tpu.memory_space<semaphore_mem>>)
    %scan3A_90 = arith.constant 0 : i32
    %scan3A_91 = arith.constant 1 : i32
    %scan3A_92 = arith.constant 19 : i32
    %scan3A_93 = arith.addi %scan3A_91, %scan3A_92 : i32
    %scan3A_94 = arith.constant 1 : i32
    scf.for %scan3A_129 = %scan3A_91 to %scan3A_93 step %scan3A_94  : i32 {
      %mul3A_130 = arith.constant 2 : i32
      %mul3A_131 = arith.muli %mul3A_130, %scan3A_129 : i32
      %sub3A = arith.constant 1 : i32
      %sub3A_132 = arith.subi %mul3A_131, %sub3A : i32
      %dma_wait3A_133 = arith.constant 0 : i32
      %dma_wait3A_134 = tpu.memref_slice %arg7[%sub3A_132, %dma_wait3A_133] : memref<40x128xi32, #tpu.memory_space<vmem>> -> memref<1x128xi32, #tpu.memory_space<vmem>>
      %dma_wait3A_135 = tpu.memref_squeeze %dma_wait3A_134 : memref<1x128xi32, #tpu.memory_space<vmem>> -> memref<128xi32, #tpu.memory_space<vmem>>
      %dma_wait3A_136 = arith.constant 0 : i32
      %dma_wait3A_137 = arith.constant 0 : i32
      %dma_wait3A_138 = tpu.memref_slice %arg2[%dma_wait3A_136, %dma_wait3A_137] : memref<10240x128xf32, #tpu.memory_space<hbm>> -> memref<10240x128xf32, #tpu.memory_space<hbm>>
      tpu.wait_indirect_dma semaphore(%arg13 : memref<!tpu.dma_semaphore, #tpu.memory_space<semaphore_mem>>) src(%dma_wait3A_138 : memref<10240x128xf32, #tpu.memory_space<hbm>>) dst(%arg10 : memref<128x128xf32, #tpu.memory_space<vmem>>)
      %sub3A_139 = arith.constant 1 : i32
      %sub3A_140 = arith.subi %mul3A_131, %sub3A_139 : i32
      %dma_start3A_141 = arith.constant 0 : i32
      %dma_start3A_142 = tpu.memref_slice %arg8[%sub3A_140, %dma_start3A_141] : memref<40x128xi32, #tpu.memory_space<vmem>> -> memref<1x128xi32, #tpu.memory_space<vmem>>
      %dma_start3A_143 = tpu.memref_squeeze %dma_start3A_142 : memref<1x128xi32, #tpu.memory_space<vmem>> -> memref<128xi32, #tpu.memory_space<vmem>>
      %dma_start3A_144 = arith.constant 0 : i32
      %dma_start3A_145 = arith.constant 0 : i32
      %dma_start3A_146 = tpu.memref_slice %arg11[%dma_start3A_144, %dma_start3A_145] : memref<10240x128xf32, #tpu.memory_space<vmem_shared>> -> memref<10240x128xf32, #tpu.memory_space<vmem_shared>>
      tpu.enqueue_indirect_dma source(%arg10 : memref<128x128xf32, #tpu.memory_space<vmem>>) target(%dma_start3A_146 : memref<10240x128xf32, #tpu.memory_space<vmem_shared>>) offsets(%dma_start3A_143 : memref<128xi32, #tpu.memory_space<vmem>>) semaphore(%arg15 : memref<!tpu.dma_semaphore, #tpu.memory_space<semaphore_mem>>) {add = true}
      %sub3A_147 = arith.constant 2 : i32
      %sub3A_148 = arith.subi %mul3A_131, %sub3A_147 : i32
      %dma_wait3A_149 = arith.constant 0 : i32
      %dma_wait3A_150 = tpu.memref_slice %arg8[%sub3A_148, %dma_wait3A_149] : memref<40x128xi32, #tpu.memory_space<vmem>> -> memref<1x128xi32, #tpu.memory_space<vmem>>
      %dma_wait3A_151 = tpu.memref_squeeze %dma_wait3A_150 : memref<1x128xi32, #tpu.memory_space<vmem>> -> memref<128xi32, #tpu.memory_space<vmem>>
      %dma_wait3A_152 = arith.constant 0 : i32
      %dma_wait3A_153 = arith.constant 0 : i32
      %dma_wait3A_154 = tpu.memref_slice %arg11[%dma_wait3A_152, %dma_wait3A_153] : memref<10240x128xf32, #tpu.memory_space<vmem_shared>> -> memref<10240x128xf32, #tpu.memory_space<vmem_shared>>
      tpu.wait_indirect_dma semaphore(%arg14 : memref<!tpu.dma_semaphore, #tpu.memory_space<semaphore_mem>>) src(%arg9 : memref<128x128xf32, #tpu.memory_space<vmem>>) dst(%dma_wait3A_154 : memref<10240x128xf32, #tpu.memory_space<vmem_shared>>)
      %dma_start3A_155 = arith.constant 0 : i32
      %dma_start3A_156 = tpu.memref_slice %arg7[%mul3A_131, %dma_start3A_155] : memref<40x128xi32, #tpu.memory_space<vmem>> -> memref<1x128xi32, #tpu.memory_space<vmem>>
      %dma_start3A_157 = tpu.memref_squeeze %dma_start3A_156 : memref<1x128xi32, #tpu.memory_space<vmem>> -> memref<128xi32, #tpu.memory_space<vmem>>
      %dma_start3A_158 = arith.constant 0 : i32
      %dma_start3A_159 = arith.constant 0 : i32
      %dma_start3A_160 = tpu.memref_slice %arg2[%dma_start3A_158, %dma_start3A_159] : memref<10240x128xf32, #tpu.memory_space<hbm>> -> memref<10240x128xf32, #tpu.memory_space<hbm>>
      tpu.enqueue_indirect_dma source(%dma_start3A_160 : memref<10240x128xf32, #tpu.memory_space<hbm>>) target(%arg9 : memref<128x128xf32, #tpu.memory_space<vmem>>) offsets(%dma_start3A_157 : memref<128xi32, #tpu.memory_space<vmem>>) semaphore(%arg12 : memref<!tpu.dma_semaphore, #tpu.memory_space<semaphore_mem>>)
      %dma_wait3A_161 = arith.constant 0 : i32
      %dma_wait3A_162 = tpu.memref_slice %arg7[%mul3A_131, %dma_wait3A_161] : memref<40x128xi32, #tpu.memory_space<vmem>> -> memref<1x128xi32, #tpu.memory_space<vmem>>
      %dma_wait3A_163 = tpu.memref_squeeze %dma_wait3A_162 : memref<1x128xi32, #tpu.memory_space<vmem>> -> memref<128xi32, #tpu.memory_space<vmem>>
      %dma_wait3A_164 = arith.constant 0 : i32
      %dma_wait3A_165 = arith.constant 0 : i32
      %dma_wait3A_166 = tpu.memref_slice %arg2[%dma_wait3A_164, %dma_wait3A_165] : memref<10240x128xf32, #tpu.memory_space<hbm>> -> memref<10240x128xf32, #tpu.memory_space<hbm>>
      tpu.wait_indirect_dma semaphore(%arg12 : memref<!tpu.dma_semaphore, #tpu.memory_space<semaphore_mem>>) src(%dma_wait3A_166 : memref<10240x128xf32, #tpu.memory_space<hbm>>) dst(%arg9 : memref<128x128xf32, #tpu.memory_space<vmem>>)
      %dma_start3A_167 = arith.constant 0 : i32
      %dma_start3A_168 = tpu.memref_slice %arg8[%mul3A_131, %dma_start3A_167] : memref<40x128xi32, #tpu.memory_space<vmem>> -> memref<1x128xi32, #tpu.memory_space<vmem>>
      %dma_start3A_169 = tpu.memref_squeeze %dma_start3A_168 : memref<1x128xi32, #tpu.memory_space<vmem>> -> memref<128xi32, #tpu.memory_space<vmem>>
      %dma_start3A_170 = arith.constant 0 : i32
      %dma_start3A_171 = arith.constant 0 : i32
      %dma_start3A_172 = tpu.memref_slice %arg11[%dma_start3A_170, %dma_start3A_171] : memref<10240x128xf32, #tpu.memory_space<vmem_shared>> -> memref<10240x128xf32, #tpu.memory_space<vmem_shared>>
      tpu.enqueue_indirect_dma source(%arg9 : memref<128x128xf32, #tpu.memory_space<vmem>>) target(%dma_start3A_172 : memref<10240x128xf32, #tpu.memory_space<vmem_shared>>) offsets(%dma_start3A_169 : memref<128xi32, #tpu.memory_space<vmem>>) semaphore(%arg14 : memref<!tpu.dma_semaphore, #tpu.memory_space<semaphore_mem>>) {add = true}
      %sub3A_173 = arith.constant 1 : i32
      %sub3A_174 = arith.subi %mul3A_131, %sub3A_173 : i32
      %dma_wait3A_175 = arith.constant 0 : i32
      %dma_wait3A_176 = tpu.memref_slice %arg8[%sub3A_174, %dma_wait3A_175] : memref<40x128xi32, #tpu.memory_space<vmem>> -> memref<1x128xi32, #tpu.memory_space<vmem>>
      %dma_wait3A_177 = tpu.memref_squeeze %dma_wait3A_176 : memref<1x128xi32, #tpu.memory_space<vmem>> -> memref<128xi32, #tpu.memory_space<vmem>>
      %dma_wait3A_178 = arith.constant 0 : i32
      %dma_wait3A_179 = arith.constant 0 : i32
      %dma_wait3A_180 = tpu.memref_slice %arg11[%dma_wait3A_178, %dma_wait3A_179] : memref<10240x128xf32, #tpu.memory_space<vmem_shared>> -> memref<10240x128xf32, #tpu.memory_space<vmem_shared>>
      tpu.wait_indirect_dma semaphore(%arg15 : memref<!tpu.dma_semaphore, #tpu.memory_space<semaphore_mem>>) src(%arg10 : memref<128x128xf32, #tpu.memory_space<vmem>>) dst(%dma_wait3A_180 : memref<10240x128xf32, #tpu.memory_space<vmem_shared>>)
      %add3A_181 = arith.constant 1 : i32
      %add3A_182 = arith.addi %mul3A_131, %add3A_181 : i32
      %dma_start3A_183 = arith.constant 0 : i32
      %dma_start3A_184 = tpu.memref_slice %arg7[%add3A_182, %dma_start3A_183] : memref<40x128xi32, #tpu.memory_space<vmem>> -> memref<1x128xi32, #tpu.memory_space<vmem>>
      %dma_start3A_185 = tpu.memref_squeeze %dma_start3A_184 : memref<1x128xi32, #tpu.memory_space<vmem>> -> memref<128xi32, #tpu.memory_space<vmem>>
      %dma_start3A_186 = arith.constant 0 : i32
      %dma_start3A_187 = arith.constant 0 : i32
      %dma_start3A_188 = tpu.memref_slice %arg2[%dma_start3A_186, %dma_start3A_187] : memref<10240x128xf32, #tpu.memory_space<hbm>> -> memref<10240x128xf32, #tpu.memory_space<hbm>>
      tpu.enqueue_indirect_dma source(%dma_start3A_188 : memref<10240x128xf32, #tpu.memory_space<hbm>>) target(%arg10 : memref<128x128xf32, #tpu.memory_space<vmem>>) offsets(%dma_start3A_185 : memref<128xi32, #tpu.memory_space<vmem>>) semaphore(%arg13 : memref<!tpu.dma_semaphore, #tpu.memory_space<semaphore_mem>>)
    }
    %scan3A_95 = arith.constant 19 : i32
    %dma_wait3A_96 = arith.constant 39 : i32
    %dma_wait3A_97 = arith.constant 0 : i32
    %dma_wait3A_98 = tpu.memref_slice %arg7[%dma_wait3A_96, %dma_wait3A_97] : memref<40x128xi32, #tpu.memory_space<vmem>> -> memref<1x128xi32, #tpu.memory_space<vmem>>
    %dma_wait3A_99 = tpu.memref_squeeze %dma_wait3A_98 : memref<1x128xi32, #tpu.memory_space<vmem>> -> memref<128xi32, #tpu.memory_space<vmem>>
    %dma_wait3A_100 = arith.constant 0 : i32
    %dma_wait3A_101 = arith.constant 0 : i32
    %dma_wait3A_102 = tpu.memref_slice %arg2[%dma_wait3A_100, %dma_wait3A_101] : memref<10240x128xf32, #tpu.memory_space<hbm>> -> memref<10240x128xf32, #tpu.memory_space<hbm>>
    tpu.wait_indirect_dma semaphore(%arg13 : memref<!tpu.dma_semaphore, #tpu.memory_space<semaphore_mem>>) src(%dma_wait3A_102 : memref<10240x128xf32, #tpu.memory_space<hbm>>) dst(%arg10 : memref<128x128xf32, #tpu.memory_space<vmem>>)
    %dma_start3A_103 = arith.constant 39 : i32
    %dma_start3A_104 = arith.constant 0 : i32
    %dma_start3A_105 = tpu.memref_slice %arg8[%dma_start3A_103, %dma_start3A_104] : memref<40x128xi32, #tpu.memory_space<vmem>> -> memref<1x128xi32, #tpu.memory_space<vmem>>
    %dma_start3A_106 = tpu.memref_squeeze %dma_start3A_105 : memref<1x128xi32, #tpu.memory_space<vmem>> -> memref<128xi32, #tpu.memory_space<vmem>>
    %dma_start3A_107 = arith.constant 0 : i32
    %dma_start3A_108 = arith.constant 0 : i32
    %dma_start3A_109 = tpu.memref_slice %arg11[%dma_start3A_107, %dma_start3A_108] : memref<10240x128xf32, #tpu.memory_space<vmem_shared>> -> memref<10240x128xf32, #tpu.memory_space<vmem_shared>>
    tpu.enqueue_indirect_dma source(%arg10 : memref<128x128xf32, #tpu.memory_space<vmem>>) target(%dma_start3A_109 : memref<10240x128xf32, #tpu.memory_space<vmem_shared>>) offsets(%dma_start3A_106 : memref<128xi32, #tpu.memory_space<vmem>>) semaphore(%arg15 : memref<!tpu.dma_semaphore, #tpu.memory_space<semaphore_mem>>) {add = true}
    %dma_wait3A_110 = arith.constant 38 : i32
    %dma_wait3A_111 = arith.constant 0 : i32
    %dma_wait3A_112 = tpu.memref_slice %arg8[%dma_wait3A_110, %dma_wait3A_111] : memref<40x128xi32, #tpu.memory_space<vmem>> -> memref<1x128xi32, #tpu.memory_space<vmem>>
    %dma_wait3A_113 = tpu.memref_squeeze %dma_wait3A_112 : memref<1x128xi32, #tpu.memory_space<vmem>> -> memref<128xi32, #tpu.memory_space<vmem>>
    %dma_wait3A_114 = arith.constant 0 : i32
    %dma_wait3A_115 = arith.constant 0 : i32
    %dma_wait3A_116 = tpu.memref_slice %arg11[%dma_wait3A_114, %dma_wait3A_115] : memref<10240x128xf32, #tpu.memory_space<vmem_shared>> -> memref<10240x128xf32, #tpu.memory_space<vmem_shared>>
    tpu.wait_indirect_dma semaphore(%arg14 : memref<!tpu.dma_semaphore, #tpu.memory_space<semaphore_mem>>) src(%arg9 : memref<128x128xf32, #tpu.memory_space<vmem>>) dst(%dma_wait3A_116 : memref<10240x128xf32, #tpu.memory_space<vmem_shared>>)
    %dma_wait3A_117 = arith.constant 39 : i32
    %dma_wait3A_118 = arith.constant 0 : i32
    %dma_wait3A_119 = tpu.memref_slice %arg8[%dma_wait3A_117, %dma_wait3A_118] : memref<40x128xi32, #tpu.memory_space<vmem>> -> memref<1x128xi32, #tpu.memory_space<vmem>>
    %dma_wait3A_120 = tpu.memref_squeeze %dma_wait3A_119 : memref<1x128xi32, #tpu.memory_space<vmem>> -> memref<128xi32, #tpu.memory_space<vmem>>
    %dma_wait3A_121 = arith.constant 0 : i32
    %dma_wait3A_122 = arith.constant 0 : i32
    %dma_wait3A_123 = tpu.memref_slice %arg11[%dma_wait3A_121, %dma_wait3A_122] : memref<10240x128xf32, #tpu.memory_space<vmem_shared>> -> memref<10240x128xf32, #tpu.memory_space<vmem_shared>>
    tpu.wait_indirect_dma semaphore(%arg15 : memref<!tpu.dma_semaphore, #tpu.memory_space<semaphore_mem>>) src(%arg10 : memref<128x128xf32, #tpu.memory_space<vmem>>) dst(%dma_wait3A_123 : memref<10240x128xf32, #tpu.memory_space<vmem_shared>>)
    %barrier3A_124 = arith.constant 0 : index
    tpu.barrier barrier_id(%barrier3A_124)
    %mul3A_125 = arith.constant 640 : i32
    %mul3A_126 = arith.muli %arg1, %mul3A_125 : i32
    %mul3A_127 = arith.constant 640 : i32
    %mul3A_128 = arith.muli %arg1, %mul3A_127 : i32
    "tpu.region"() ({
      %run_scoped3A = tpu.sem_alloc : memref<!tpu.dma_semaphore, #tpu.memory_space<semaphore_mem>>
      %dma_start3A_129 = arith.constant 0 : i32
      %dma_start3A_130 = tpu.memref_slice %arg6[%arg0, %mul3A_128, %dma_start3A_129] : memref<2x10240x128xf32, #tpu.memory_space<hbm>> -> memref<1x640x128xf32, #tpu.memory_space<hbm>>
      %dma_start3A_131 = tpu.memref_squeeze %dma_start3A_130 : memref<1x640x128xf32, #tpu.memory_space<hbm>> -> memref<640x128xf32, #tpu.memory_space<hbm>>
      %dma_start3A_132 = arith.constant 0 : i32
      %dma_start3A_133 = tpu.memref_slice %arg11[%mul3A_126, %dma_start3A_132] : memref<10240x128xf32, #tpu.memory_space<vmem_shared>> -> memref<640x128xf32, #tpu.memory_space<vmem_shared>>
      tpu.enqueue_dma source(%dma_start3A_133 : memref<640x128xf32, #tpu.memory_space<vmem_shared>>) target(%dma_start3A_131 : memref<640x128xf32, #tpu.memory_space<hbm>>) target_semaphore(%run_scoped3A : memref<!tpu.dma_semaphore, #tpu.memory_space<semaphore_mem>>)
      %dma_wait3A_134 = arith.constant 0 : i32
      %dma_wait3A_135 = tpu.memref_slice %arg6[%arg0, %mul3A_128, %dma_wait3A_134] : memref<2x10240x128xf32, #tpu.memory_space<hbm>> -> memref<1x640x128xf32, #tpu.memory_space<hbm>>
      %dma_wait3A_136 = tpu.memref_squeeze %dma_wait3A_135 : memref<1x640x128xf32, #tpu.memory_space<hbm>> -> memref<640x128xf32, #tpu.memory_space<hbm>>
      %dma_wait3A_137 = arith.constant 0 : i32
      %dma_wait3A_138 = tpu.memref_slice %arg11[%mul3A_126, %dma_wait3A_137] : memref<10240x128xf32, #tpu.memory_space<vmem_shared>> -> memref<640x128xf32, #tpu.memory_space<vmem_shared>>
      tpu.wait_dma2 semaphore(%run_scoped3A : memref<!tpu.dma_semaphore, #tpu.memory_space<semaphore_mem>>) src(%dma_wait3A_138 : memref<640x128xf32, #tpu.memory_space<vmem_shared>>) dst(%dma_wait3A_136 : memref<640x128xf32, #tpu.memory_space<hbm>>)
      tpu.yield
    }) : () -> ()
    return
  }
}

#map = affine_map<(d0, d1) -> (0, 0)>
#map1 = affine_map<(d0, d1) -> (0, 0, 0)>
module attributes {stable_mosaic.version = 14 : i64} {
  func.func @_sc_layer_body(%arg0: i32, %arg1: i32, %arg2: memref<10240x128xf32, #tpu.memory_space<hbm>>, %arg3: memref<32x80x128xi32, #tpu.memory_space<hbm>>, %arg4: memref<32x80x128xi32, #tpu.memory_space<hbm>>, %arg5: memref<640x128xf32, #tpu.memory_space<hbm>>, %arg6: memref<2x10240x128xf32, #tpu.memory_space<hbm>>, %arg7: memref<40x128xi32, #tpu.memory_space<vmem>>, %arg8: memref<40x128xi32, #tpu.memory_space<vmem>>, %arg9: memref<128x128xf32, #tpu.memory_space<vmem>>, %arg10: memref<128x128xf32, #tpu.memory_space<vmem>>, %arg11: memref<10240x128xf32, #tpu.memory_space<vmem_shared>>, %arg12: memref<!tpu.dma_semaphore, #tpu.memory_space<semaphore_mem>>, %arg13: memref<!tpu.dma_semaphore, #tpu.memory_space<semaphore_mem>>, %arg14: memref<!tpu.dma_semaphore, #tpu.memory_space<semaphore_mem>>, %arg15: memref<!tpu.dma_semaphore, #tpu.memory_space<semaphore_mem>>) attributes {dimension_semantics = [#tpu.dimension_semantics<core_parallel>, #tpu.dimension_semantics<subcore_parallel>], iteration_bounds = array<i64: 2, 16>, scalar_prefetch = 0 : i64, scratch_operands = 9 : i64, tpu.core_type = #tpu.core_type<sc_vector_subcore>, window_params = [{transform_indices = #map}, {transform_indices = #map1}, {transform_indices = #map1}, {transform_indices = #map}, {transform_indices = #map1}]} {
    %mul3A = arith.constant 16 : i32
    %mul3A_0 = arith.muli %arg0, %mul3A : i32
    %add3A = arith.addi %mul3A_0, %arg1 : i32
    %mul3A_1 = arith.constant 640 : i32
    %mul3A_2 = arith.muli %arg1, %mul3A_1 : i32
    "tpu.region"() ({
      %run_scoped3A = tpu.sem_alloc : memref<!tpu.dma_semaphore, #tpu.memory_space<semaphore_mem>>
      %dma_start3A_129 = arith.constant 0 : i32
      %dma_start3A_130 = tpu.memref_slice %arg11[%mul3A_2, %dma_start3A_129] : memref<10240x128xf32, #tpu.memory_space<vmem_shared>> -> memref<640x128xf32, #tpu.memory_space<vmem_shared>>
      tpu.enqueue_dma source(%arg5 : memref<640x128xf32, #tpu.memory_space<hbm>>) target(%dma_start3A_130 : memref<640x128xf32, #tpu.memory_space<vmem_shared>>) target_semaphore(%run_scoped3A : memref<!tpu.dma_semaphore, #tpu.memory_space<semaphore_mem>>)
      %dma_wait3A_131 = arith.constant 0 : i32
      %dma_wait3A_132 = tpu.memref_slice %arg11[%mul3A_2, %dma_wait3A_131] : memref<10240x128xf32, #tpu.memory_space<vmem_shared>> -> memref<640x128xf32, #tpu.memory_space<vmem_shared>>
      tpu.wait_dma2 semaphore(%run_scoped3A : memref<!tpu.dma_semaphore, #tpu.memory_space<semaphore_mem>>) src(%arg5 : memref<640x128xf32, #tpu.memory_space<hbm>>) dst(%dma_wait3A_132 : memref<640x128xf32, #tpu.memory_space<vmem_shared>>)
      tpu.yield
    }) : () -> ()
    %barrier3A = arith.constant 0 : index
    tpu.barrier barrier_id(%barrier3A)
    "tpu.region"() ({
      %run_scoped3A = tpu.sem_alloc : memref<!tpu.dma_semaphore, #tpu.memory_space<semaphore_mem>>
      %dma_start3A_129 = arith.constant 0 : i32
      %dma_start3A_130 = arith.constant 0 : i32
      %dma_start3A_131 = tpu.memref_slice %arg3[%add3A, %dma_start3A_129, %dma_start3A_130] : memref<32x80x128xi32, #tpu.memory_space<hbm>> -> memref<1x40x128xi32, #tpu.memory_space<hbm>>
      %dma_start3A_132 = tpu.memref_squeeze %dma_start3A_131 : memref<1x40x128xi32, #tpu.memory_space<hbm>> -> memref<40x128xi32, #tpu.memory_space<hbm>>
      %dma_start3A_133 = arith.constant 0 : i32
      %dma_start3A_134 = arith.constant 0 : i32
      %dma_start3A_135 = tpu.memref_slice %arg3[%add3A, %dma_start3A_133, %dma_start3A_134] : memref<32x80x128xi32, #tpu.memory_space<hbm>> -> memref<1x40x128xi32, #tpu.memory_space<hbm>>
      %dma_start3A_136 = tpu.memref_squeeze %dma_start3A_135 : memref<1x40x128xi32, #tpu.memory_space<hbm>> -> memref<40x128xi32, #tpu.memory_space<hbm>>
      tpu.enqueue_dma source(%dma_start3A_136 : memref<40x128xi32, #tpu.memory_space<hbm>>) target(%arg7 : memref<40x128xi32, #tpu.memory_space<vmem>>) target_semaphore(%run_scoped3A : memref<!tpu.dma_semaphore, #tpu.memory_space<semaphore_mem>>)
      %dma_wait3A_137 = arith.constant 0 : i32
      %dma_wait3A_138 = arith.constant 0 : i32
      %dma_wait3A_139 = tpu.memref_slice %arg3[%add3A, %dma_wait3A_137, %dma_wait3A_138] : memref<32x80x128xi32, #tpu.memory_space<hbm>> -> memref<1x40x128xi32, #tpu.memory_space<hbm>>
      %dma_wait3A_140 = tpu.memref_squeeze %dma_wait3A_139 : memref<1x40x128xi32, #tpu.memory_space<hbm>> -> memref<40x128xi32, #tpu.memory_space<hbm>>
      %dma_wait3A_141 = arith.constant 0 : i32
      %dma_wait3A_142 = arith.constant 0 : i32
      %dma_wait3A_143 = tpu.memref_slice %arg3[%add3A, %dma_wait3A_141, %dma_wait3A_142] : memref<32x80x128xi32, #tpu.memory_space<hbm>> -> memref<1x40x128xi32, #tpu.memory_space<hbm>>
      %dma_wait3A_144 = tpu.memref_squeeze %dma_wait3A_143 : memref<1x40x128xi32, #tpu.memory_space<hbm>> -> memref<40x128xi32, #tpu.memory_space<hbm>>
      tpu.wait_dma2 semaphore(%run_scoped3A : memref<!tpu.dma_semaphore, #tpu.memory_space<semaphore_mem>>) src(%dma_wait3A_144 : memref<40x128xi32, #tpu.memory_space<hbm>>) dst(%arg7 : memref<40x128xi32, #tpu.memory_space<vmem>>)
      tpu.yield
    }) : () -> ()
    "tpu.region"() ({
      %run_scoped3A = tpu.sem_alloc : memref<!tpu.dma_semaphore, #tpu.memory_space<semaphore_mem>>
      %dma_start3A_129 = arith.constant 0 : i32
      %dma_start3A_130 = arith.constant 0 : i32
      %dma_start3A_131 = tpu.memref_slice %arg4[%add3A, %dma_start3A_129, %dma_start3A_130] : memref<32x80x128xi32, #tpu.memory_space<hbm>> -> memref<1x40x128xi32, #tpu.memory_space<hbm>>
      %dma_start3A_132 = tpu.memref_squeeze %dma_start3A_131 : memref<1x40x128xi32, #tpu.memory_space<hbm>> -> memref<40x128xi32, #tpu.memory_space<hbm>>
      %dma_start3A_133 = arith.constant 0 : i32
      %dma_start3A_134 = arith.constant 0 : i32
      %dma_start3A_135 = tpu.memref_slice %arg4[%add3A, %dma_start3A_133, %dma_start3A_134] : memref<32x80x128xi32, #tpu.memory_space<hbm>> -> memref<1x40x128xi32, #tpu.memory_space<hbm>>
      %dma_start3A_136 = tpu.memref_squeeze %dma_start3A_135 : memref<1x40x128xi32, #tpu.memory_space<hbm>> -> memref<40x128xi32, #tpu.memory_space<hbm>>
      tpu.enqueue_dma source(%dma_start3A_136 : memref<40x128xi32, #tpu.memory_space<hbm>>) target(%arg8 : memref<40x128xi32, #tpu.memory_space<vmem>>) target_semaphore(%run_scoped3A : memref<!tpu.dma_semaphore, #tpu.memory_space<semaphore_mem>>)
      %dma_wait3A_137 = arith.constant 0 : i32
      %dma_wait3A_138 = arith.constant 0 : i32
      %dma_wait3A_139 = tpu.memref_slice %arg4[%add3A, %dma_wait3A_137, %dma_wait3A_138] : memref<32x80x128xi32, #tpu.memory_space<hbm>> -> memref<1x40x128xi32, #tpu.memory_space<hbm>>
      %dma_wait3A_140 = tpu.memref_squeeze %dma_wait3A_139 : memref<1x40x128xi32, #tpu.memory_space<hbm>> -> memref<40x128xi32, #tpu.memory_space<hbm>>
      %dma_wait3A_141 = arith.constant 0 : i32
      %dma_wait3A_142 = arith.constant 0 : i32
      %dma_wait3A_143 = tpu.memref_slice %arg4[%add3A, %dma_wait3A_141, %dma_wait3A_142] : memref<32x80x128xi32, #tpu.memory_space<hbm>> -> memref<1x40x128xi32, #tpu.memory_space<hbm>>
      %dma_wait3A_144 = tpu.memref_squeeze %dma_wait3A_143 : memref<1x40x128xi32, #tpu.memory_space<hbm>> -> memref<40x128xi32, #tpu.memory_space<hbm>>
      tpu.wait_dma2 semaphore(%run_scoped3A : memref<!tpu.dma_semaphore, #tpu.memory_space<semaphore_mem>>) src(%dma_wait3A_144 : memref<40x128xi32, #tpu.memory_space<hbm>>) dst(%arg8 : memref<40x128xi32, #tpu.memory_space<vmem>>)
      tpu.yield
    }) : () -> ()
    %dma_start3A = arith.constant 0 : i32
    %dma_start3A_3 = arith.constant 0 : i32
    %dma_start3A_4 = tpu.memref_slice %arg7[%dma_start3A, %dma_start3A_3] : memref<40x128xi32, #tpu.memory_space<vmem>> -> memref<1x128xi32, #tpu.memory_space<vmem>>
    %dma_start3A_5 = tpu.memref_squeeze %dma_start3A_4 : memref<1x128xi32, #tpu.memory_space<vmem>> -> memref<128xi32, #tpu.memory_space<vmem>>
    %dma_start3A_6 = arith.constant 0 : i32
    %dma_start3A_7 = arith.constant 0 : i32
    %dma_start3A_8 = tpu.memref_slice %arg2[%dma_start3A_6, %dma_start3A_7] : memref<10240x128xf32, #tpu.memory_space<hbm>> -> memref<10240x128xf32, #tpu.memory_space<hbm>>
    tpu.enqueue_indirect_dma source(%dma_start3A_8 : memref<10240x128xf32, #tpu.memory_space<hbm>>) target(%arg9 : memref<128x128xf32, #tpu.memory_space<vmem>>) offsets(%dma_start3A_5 : memref<128xi32, #tpu.memory_space<vmem>>) semaphore(%arg12 : memref<!tpu.dma_semaphore, #tpu.memory_space<semaphore_mem>>)
    %dma_wait3A = arith.constant 0 : i32
    %dma_wait3A_9 = arith.constant 0 : i32
    %dma_wait3A_10 = tpu.memref_slice %arg7[%dma_wait3A, %dma_wait3A_9] : memref<40x128xi32, #tpu.memory_space<vmem>> -> memref<1x128xi32, #tpu.memory_space<vmem>>
    %dma_wait3A_11 = tpu.memref_squeeze %dma_wait3A_10 : memref<1x128xi32, #tpu.memory_space<vmem>> -> memref<128xi32, #tpu.memory_space<vmem>>
    %dma_wait3A_12 = arith.constant 0 : i32
    %dma_wait3A_13 = arith.constant 0 : i32
    %dma_wait3A_14 = tpu.memref_slice %arg2[%dma_wait3A_12, %dma_wait3A_13] : memref<10240x128xf32, #tpu.memory_space<hbm>> -> memref<10240x128xf32, #tpu.memory_space<hbm>>
    tpu.wait_indirect_dma semaphore(%arg12 : memref<!tpu.dma_semaphore, #tpu.memory_space<semaphore_mem>>) src(%dma_wait3A_14 : memref<10240x128xf32, #tpu.memory_space<hbm>>) dst(%arg9 : memref<128x128xf32, #tpu.memory_space<vmem>>)
    %dma_start3A_15 = arith.constant 0 : i32
    %dma_start3A_16 = arith.constant 0 : i32
    %dma_start3A_17 = tpu.memref_slice %arg8[%dma_start3A_15, %dma_start3A_16] : memref<40x128xi32, #tpu.memory_space<vmem>> -> memref<1x128xi32, #tpu.memory_space<vmem>>
    %dma_start3A_18 = tpu.memref_squeeze %dma_start3A_17 : memref<1x128xi32, #tpu.memory_space<vmem>> -> memref<128xi32, #tpu.memory_space<vmem>>
    %dma_start3A_19 = arith.constant 0 : i32
    %dma_start3A_20 = arith.constant 0 : i32
    %dma_start3A_21 = tpu.memref_slice %arg11[%dma_start3A_19, %dma_start3A_20] : memref<10240x128xf32, #tpu.memory_space<vmem_shared>> -> memref<10240x128xf32, #tpu.memory_space<vmem_shared>>
    tpu.enqueue_indirect_dma source(%arg9 : memref<128x128xf32, #tpu.memory_space<vmem>>) target(%dma_start3A_21 : memref<10240x128xf32, #tpu.memory_space<vmem_shared>>) offsets(%dma_start3A_18 : memref<128xi32, #tpu.memory_space<vmem>>) semaphore(%arg14 : memref<!tpu.dma_semaphore, #tpu.memory_space<semaphore_mem>>) {add = true}
    %dma_start3A_22 = arith.constant 1 : i32
    %dma_start3A_23 = arith.constant 0 : i32
    %dma_start3A_24 = tpu.memref_slice %arg7[%dma_start3A_22, %dma_start3A_23] : memref<40x128xi32, #tpu.memory_space<vmem>> -> memref<1x128xi32, #tpu.memory_space<vmem>>
    %dma_start3A_25 = tpu.memref_squeeze %dma_start3A_24 : memref<1x128xi32, #tpu.memory_space<vmem>> -> memref<128xi32, #tpu.memory_space<vmem>>
    %dma_start3A_26 = arith.constant 0 : i32
    %dma_start3A_27 = arith.constant 0 : i32
    %dma_start3A_28 = tpu.memref_slice %arg2[%dma_start3A_26, %dma_start3A_27] : memref<10240x128xf32, #tpu.memory_space<hbm>> -> memref<10240x128xf32, #tpu.memory_space<hbm>>
    tpu.enqueue_indirect_dma source(%dma_start3A_28 : memref<10240x128xf32, #tpu.memory_space<hbm>>) target(%arg10 : memref<128x128xf32, #tpu.memory_space<vmem>>) offsets(%dma_start3A_25 : memref<128xi32, #tpu.memory_space<vmem>>) semaphore(%arg13 : memref<!tpu.dma_semaphore, #tpu.memory_space<semaphore_mem>>)
    %scan3A = arith.constant 0 : i32
    %scan3A_29 = arith.constant 1 : i32
    %scan3A_30 = arith.constant 19 : i32
    %scan3A_31 = arith.addi %scan3A_29, %scan3A_30 : i32
    %scan3A_32 = arith.constant 1 : i32
    scf.for %scan3A_129 = %scan3A_29 to %scan3A_31 step %scan3A_32  : i32 {
      %mul3A_130 = arith.constant 2 : i32
      %mul3A_131 = arith.muli %mul3A_130, %scan3A_129 : i32
      %sub3A = arith.constant 1 : i32
      %sub3A_132 = arith.subi %mul3A_131, %sub3A : i32
      %dma_wait3A_133 = arith.constant 0 : i32
      %dma_wait3A_134 = tpu.memref_slice %arg7[%sub3A_132, %dma_wait3A_133] : memref<40x128xi32, #tpu.memory_space<vmem>> -> memref<1x128xi32, #tpu.memory_space<vmem>>
      %dma_wait3A_135 = tpu.memref_squeeze %dma_wait3A_134 : memref<1x128xi32, #tpu.memory_space<vmem>> -> memref<128xi32, #tpu.memory_space<vmem>>
      %dma_wait3A_136 = arith.constant 0 : i32
      %dma_wait3A_137 = arith.constant 0 : i32
      %dma_wait3A_138 = tpu.memref_slice %arg2[%dma_wait3A_136, %dma_wait3A_137] : memref<10240x128xf32, #tpu.memory_space<hbm>> -> memref<10240x128xf32, #tpu.memory_space<hbm>>
      tpu.wait_indirect_dma semaphore(%arg13 : memref<!tpu.dma_semaphore, #tpu.memory_space<semaphore_mem>>) src(%dma_wait3A_138 : memref<10240x128xf32, #tpu.memory_space<hbm>>) dst(%arg10 : memref<128x128xf32, #tpu.memory_space<vmem>>)
      %sub3A_139 = arith.constant 1 : i32
      %sub3A_140 = arith.subi %mul3A_131, %sub3A_139 : i32
      %dma_start3A_141 = arith.constant 0 : i32
      %dma_start3A_142 = tpu.memref_slice %arg8[%sub3A_140, %dma_start3A_141] : memref<40x128xi32, #tpu.memory_space<vmem>> -> memref<1x128xi32, #tpu.memory_space<vmem>>
      %dma_start3A_143 = tpu.memref_squeeze %dma_start3A_142 : memref<1x128xi32, #tpu.memory_space<vmem>> -> memref<128xi32, #tpu.memory_space<vmem>>
      %dma_start3A_144 = arith.constant 0 : i32
      %dma_start3A_145 = arith.constant 0 : i32
      %dma_start3A_146 = tpu.memref_slice %arg11[%dma_start3A_144, %dma_start3A_145] : memref<10240x128xf32, #tpu.memory_space<vmem_shared>> -> memref<10240x128xf32, #tpu.memory_space<vmem_shared>>
      tpu.enqueue_indirect_dma source(%arg10 : memref<128x128xf32, #tpu.memory_space<vmem>>) target(%dma_start3A_146 : memref<10240x128xf32, #tpu.memory_space<vmem_shared>>) offsets(%dma_start3A_143 : memref<128xi32, #tpu.memory_space<vmem>>) semaphore(%arg15 : memref<!tpu.dma_semaphore, #tpu.memory_space<semaphore_mem>>) {add = true}
      %sub3A_147 = arith.constant 2 : i32
      %sub3A_148 = arith.subi %mul3A_131, %sub3A_147 : i32
      %dma_wait3A_149 = arith.constant 0 : i32
      %dma_wait3A_150 = tpu.memref_slice %arg8[%sub3A_148, %dma_wait3A_149] : memref<40x128xi32, #tpu.memory_space<vmem>> -> memref<1x128xi32, #tpu.memory_space<vmem>>
      %dma_wait3A_151 = tpu.memref_squeeze %dma_wait3A_150 : memref<1x128xi32, #tpu.memory_space<vmem>> -> memref<128xi32, #tpu.memory_space<vmem>>
      %dma_wait3A_152 = arith.constant 0 : i32
      %dma_wait3A_153 = arith.constant 0 : i32
      %dma_wait3A_154 = tpu.memref_slice %arg11[%dma_wait3A_152, %dma_wait3A_153] : memref<10240x128xf32, #tpu.memory_space<vmem_shared>> -> memref<10240x128xf32, #tpu.memory_space<vmem_shared>>
      tpu.wait_indirect_dma semaphore(%arg14 : memref<!tpu.dma_semaphore, #tpu.memory_space<semaphore_mem>>) src(%arg9 : memref<128x128xf32, #tpu.memory_space<vmem>>) dst(%dma_wait3A_154 : memref<10240x128xf32, #tpu.memory_space<vmem_shared>>)
      %dma_start3A_155 = arith.constant 0 : i32
      %dma_start3A_156 = tpu.memref_slice %arg7[%mul3A_131, %dma_start3A_155] : memref<40x128xi32, #tpu.memory_space<vmem>> -> memref<1x128xi32, #tpu.memory_space<vmem>>
      %dma_start3A_157 = tpu.memref_squeeze %dma_start3A_156 : memref<1x128xi32, #tpu.memory_space<vmem>> -> memref<128xi32, #tpu.memory_space<vmem>>
      %dma_start3A_158 = arith.constant 0 : i32
      %dma_start3A_159 = arith.constant 0 : i32
      %dma_start3A_160 = tpu.memref_slice %arg2[%dma_start3A_158, %dma_start3A_159] : memref<10240x128xf32, #tpu.memory_space<hbm>> -> memref<10240x128xf32, #tpu.memory_space<hbm>>
      tpu.enqueue_indirect_dma source(%dma_start3A_160 : memref<10240x128xf32, #tpu.memory_space<hbm>>) target(%arg9 : memref<128x128xf32, #tpu.memory_space<vmem>>) offsets(%dma_start3A_157 : memref<128xi32, #tpu.memory_space<vmem>>) semaphore(%arg12 : memref<!tpu.dma_semaphore, #tpu.memory_space<semaphore_mem>>)
      %dma_wait3A_161 = arith.constant 0 : i32
      %dma_wait3A_162 = tpu.memref_slice %arg7[%mul3A_131, %dma_wait3A_161] : memref<40x128xi32, #tpu.memory_space<vmem>> -> memref<1x128xi32, #tpu.memory_space<vmem>>
      %dma_wait3A_163 = tpu.memref_squeeze %dma_wait3A_162 : memref<1x128xi32, #tpu.memory_space<vmem>> -> memref<128xi32, #tpu.memory_space<vmem>>
      %dma_wait3A_164 = arith.constant 0 : i32
      %dma_wait3A_165 = arith.constant 0 : i32
      %dma_wait3A_166 = tpu.memref_slice %arg2[%dma_wait3A_164, %dma_wait3A_165] : memref<10240x128xf32, #tpu.memory_space<hbm>> -> memref<10240x128xf32, #tpu.memory_space<hbm>>
      tpu.wait_indirect_dma semaphore(%arg12 : memref<!tpu.dma_semaphore, #tpu.memory_space<semaphore_mem>>) src(%dma_wait3A_166 : memref<10240x128xf32, #tpu.memory_space<hbm>>) dst(%arg9 : memref<128x128xf32, #tpu.memory_space<vmem>>)
      %dma_start3A_167 = arith.constant 0 : i32
      %dma_start3A_168 = tpu.memref_slice %arg8[%mul3A_131, %dma_start3A_167] : memref<40x128xi32, #tpu.memory_space<vmem>> -> memref<1x128xi32, #tpu.memory_space<vmem>>
      %dma_start3A_169 = tpu.memref_squeeze %dma_start3A_168 : memref<1x128xi32, #tpu.memory_space<vmem>> -> memref<128xi32, #tpu.memory_space<vmem>>
      %dma_start3A_170 = arith.constant 0 : i32
      %dma_start3A_171 = arith.constant 0 : i32
      %dma_start3A_172 = tpu.memref_slice %arg11[%dma_start3A_170, %dma_start3A_171] : memref<10240x128xf32, #tpu.memory_space<vmem_shared>> -> memref<10240x128xf32, #tpu.memory_space<vmem_shared>>
      tpu.enqueue_indirect_dma source(%arg9 : memref<128x128xf32, #tpu.memory_space<vmem>>) target(%dma_start3A_172 : memref<10240x128xf32, #tpu.memory_space<vmem_shared>>) offsets(%dma_start3A_169 : memref<128xi32, #tpu.memory_space<vmem>>) semaphore(%arg14 : memref<!tpu.dma_semaphore, #tpu.memory_space<semaphore_mem>>) {add = true}
      %sub3A_173 = arith.constant 1 : i32
      %sub3A_174 = arith.subi %mul3A_131, %sub3A_173 : i32
      %dma_wait3A_175 = arith.constant 0 : i32
      %dma_wait3A_176 = tpu.memref_slice %arg8[%sub3A_174, %dma_wait3A_175] : memref<40x128xi32, #tpu.memory_space<vmem>> -> memref<1x128xi32, #tpu.memory_space<vmem>>
      %dma_wait3A_177 = tpu.memref_squeeze %dma_wait3A_176 : memref<1x128xi32, #tpu.memory_space<vmem>> -> memref<128xi32, #tpu.memory_space<vmem>>
      %dma_wait3A_178 = arith.constant 0 : i32
      %dma_wait3A_179 = arith.constant 0 : i32
      %dma_wait3A_180 = tpu.memref_slice %arg11[%dma_wait3A_178, %dma_wait3A_179] : memref<10240x128xf32, #tpu.memory_space<vmem_shared>> -> memref<10240x128xf32, #tpu.memory_space<vmem_shared>>
      tpu.wait_indirect_dma semaphore(%arg15 : memref<!tpu.dma_semaphore, #tpu.memory_space<semaphore_mem>>) src(%arg10 : memref<128x128xf32, #tpu.memory_space<vmem>>) dst(%dma_wait3A_180 : memref<10240x128xf32, #tpu.memory_space<vmem_shared>>)
      %add3A_181 = arith.constant 1 : i32
      %add3A_182 = arith.addi %mul3A_131, %add3A_181 : i32
      %dma_start3A_183 = arith.constant 0 : i32
      %dma_start3A_184 = tpu.memref_slice %arg7[%add3A_182, %dma_start3A_183] : memref<40x128xi32, #tpu.memory_space<vmem>> -> memref<1x128xi32, #tpu.memory_space<vmem>>
      %dma_start3A_185 = tpu.memref_squeeze %dma_start3A_184 : memref<1x128xi32, #tpu.memory_space<vmem>> -> memref<128xi32, #tpu.memory_space<vmem>>
      %dma_start3A_186 = arith.constant 0 : i32
      %dma_start3A_187 = arith.constant 0 : i32
      %dma_start3A_188 = tpu.memref_slice %arg2[%dma_start3A_186, %dma_start3A_187] : memref<10240x128xf32, #tpu.memory_space<hbm>> -> memref<10240x128xf32, #tpu.memory_space<hbm>>
      tpu.enqueue_indirect_dma source(%dma_start3A_188 : memref<10240x128xf32, #tpu.memory_space<hbm>>) target(%arg10 : memref<128x128xf32, #tpu.memory_space<vmem>>) offsets(%dma_start3A_185 : memref<128xi32, #tpu.memory_space<vmem>>) semaphore(%arg13 : memref<!tpu.dma_semaphore, #tpu.memory_space<semaphore_mem>>)
    }
    %scan3A_33 = arith.constant 19 : i32
    %dma_wait3A_34 = arith.constant 39 : i32
    %dma_wait3A_35 = arith.constant 0 : i32
    %dma_wait3A_36 = tpu.memref_slice %arg7[%dma_wait3A_34, %dma_wait3A_35] : memref<40x128xi32, #tpu.memory_space<vmem>> -> memref<1x128xi32, #tpu.memory_space<vmem>>
    %dma_wait3A_37 = tpu.memref_squeeze %dma_wait3A_36 : memref<1x128xi32, #tpu.memory_space<vmem>> -> memref<128xi32, #tpu.memory_space<vmem>>
    %dma_wait3A_38 = arith.constant 0 : i32
    %dma_wait3A_39 = arith.constant 0 : i32
    %dma_wait3A_40 = tpu.memref_slice %arg2[%dma_wait3A_38, %dma_wait3A_39] : memref<10240x128xf32, #tpu.memory_space<hbm>> -> memref<10240x128xf32, #tpu.memory_space<hbm>>
    tpu.wait_indirect_dma semaphore(%arg13 : memref<!tpu.dma_semaphore, #tpu.memory_space<semaphore_mem>>) src(%dma_wait3A_40 : memref<10240x128xf32, #tpu.memory_space<hbm>>) dst(%arg10 : memref<128x128xf32, #tpu.memory_space<vmem>>)
    %dma_start3A_41 = arith.constant 39 : i32
    %dma_start3A_42 = arith.constant 0 : i32
    %dma_start3A_43 = tpu.memref_slice %arg8[%dma_start3A_41, %dma_start3A_42] : memref<40x128xi32, #tpu.memory_space<vmem>> -> memref<1x128xi32, #tpu.memory_space<vmem>>
    %dma_start3A_44 = tpu.memref_squeeze %dma_start3A_43 : memref<1x128xi32, #tpu.memory_space<vmem>> -> memref<128xi32, #tpu.memory_space<vmem>>
    %dma_start3A_45 = arith.constant 0 : i32
    %dma_start3A_46 = arith.constant 0 : i32
    %dma_start3A_47 = tpu.memref_slice %arg11[%dma_start3A_45, %dma_start3A_46] : memref<10240x128xf32, #tpu.memory_space<vmem_shared>> -> memref<10240x128xf32, #tpu.memory_space<vmem_shared>>
    tpu.enqueue_indirect_dma source(%arg10 : memref<128x128xf32, #tpu.memory_space<vmem>>) target(%dma_start3A_47 : memref<10240x128xf32, #tpu.memory_space<vmem_shared>>) offsets(%dma_start3A_44 : memref<128xi32, #tpu.memory_space<vmem>>) semaphore(%arg15 : memref<!tpu.dma_semaphore, #tpu.memory_space<semaphore_mem>>) {add = true}
    %dma_wait3A_48 = arith.constant 38 : i32
    %dma_wait3A_49 = arith.constant 0 : i32
    %dma_wait3A_50 = tpu.memref_slice %arg8[%dma_wait3A_48, %dma_wait3A_49] : memref<40x128xi32, #tpu.memory_space<vmem>> -> memref<1x128xi32, #tpu.memory_space<vmem>>
    %dma_wait3A_51 = tpu.memref_squeeze %dma_wait3A_50 : memref<1x128xi32, #tpu.memory_space<vmem>> -> memref<128xi32, #tpu.memory_space<vmem>>
    %dma_wait3A_52 = arith.constant 0 : i32
    %dma_wait3A_53 = arith.constant 0 : i32
    %dma_wait3A_54 = tpu.memref_slice %arg11[%dma_wait3A_52, %dma_wait3A_53] : memref<10240x128xf32, #tpu.memory_space<vmem_shared>> -> memref<10240x128xf32, #tpu.memory_space<vmem_shared>>
    tpu.wait_indirect_dma semaphore(%arg14 : memref<!tpu.dma_semaphore, #tpu.memory_space<semaphore_mem>>) src(%arg9 : memref<128x128xf32, #tpu.memory_space<vmem>>) dst(%dma_wait3A_54 : memref<10240x128xf32, #tpu.memory_space<vmem_shared>>)
    %dma_wait3A_55 = arith.constant 39 : i32
    %dma_wait3A_56 = arith.constant 0 : i32
    %dma_wait3A_57 = tpu.memref_slice %arg8[%dma_wait3A_55, %dma_wait3A_56] : memref<40x128xi32, #tpu.memory_space<vmem>> -> memref<1x128xi32, #tpu.memory_space<vmem>>
    %dma_wait3A_58 = tpu.memref_squeeze %dma_wait3A_57 : memref<1x128xi32, #tpu.memory_space<vmem>> -> memref<128xi32, #tpu.memory_space<vmem>>
    %dma_wait3A_59 = arith.constant 0 : i32
    %dma_wait3A_60 = arith.constant 0 : i32
    %dma_wait3A_61 = tpu.memref_slice %arg11[%dma_wait3A_59, %dma_wait3A_60] : memref<10240x128xf32, #tpu.memory_space<vmem_shared>> -> memref<10240x128xf32, #tpu.memory_space<vmem_shared>>
    tpu.wait_indirect_dma semaphore(%arg15 : memref<!tpu.dma_semaphore, #tpu.memory_space<semaphore_mem>>) src(%arg10 : memref<128x128xf32, #tpu.memory_space<vmem>>) dst(%dma_wait3A_61 : memref<10240x128xf32, #tpu.memory_space<vmem_shared>>)
    "tpu.region"() ({
      %run_scoped3A = tpu.sem_alloc : memref<!tpu.dma_semaphore, #tpu.memory_space<semaphore_mem>>
      %dma_start3A_129 = arith.constant 40 : i32
      %dma_start3A_130 = arith.constant 0 : i32
      %dma_start3A_131 = tpu.memref_slice %arg3[%add3A, %dma_start3A_129, %dma_start3A_130] : memref<32x80x128xi32, #tpu.memory_space<hbm>> -> memref<1x40x128xi32, #tpu.memory_space<hbm>>
      %dma_start3A_132 = tpu.memref_squeeze %dma_start3A_131 : memref<1x40x128xi32, #tpu.memory_space<hbm>> -> memref<40x128xi32, #tpu.memory_space<hbm>>
      %dma_start3A_133 = arith.constant 40 : i32
      %dma_start3A_134 = arith.constant 0 : i32
      %dma_start3A_135 = tpu.memref_slice %arg3[%add3A, %dma_start3A_133, %dma_start3A_134] : memref<32x80x128xi32, #tpu.memory_space<hbm>> -> memref<1x40x128xi32, #tpu.memory_space<hbm>>
      %dma_start3A_136 = tpu.memref_squeeze %dma_start3A_135 : memref<1x40x128xi32, #tpu.memory_space<hbm>> -> memref<40x128xi32, #tpu.memory_space<hbm>>
      tpu.enqueue_dma source(%dma_start3A_136 : memref<40x128xi32, #tpu.memory_space<hbm>>) target(%arg7 : memref<40x128xi32, #tpu.memory_space<vmem>>) target_semaphore(%run_scoped3A : memref<!tpu.dma_semaphore, #tpu.memory_space<semaphore_mem>>)
      %dma_wait3A_137 = arith.constant 40 : i32
      %dma_wait3A_138 = arith.constant 0 : i32
      %dma_wait3A_139 = tpu.memref_slice %arg3[%add3A, %dma_wait3A_137, %dma_wait3A_138] : memref<32x80x128xi32, #tpu.memory_space<hbm>> -> memref<1x40x128xi32, #tpu.memory_space<hbm>>
      %dma_wait3A_140 = tpu.memref_squeeze %dma_wait3A_139 : memref<1x40x128xi32, #tpu.memory_space<hbm>> -> memref<40x128xi32, #tpu.memory_space<hbm>>
      %dma_wait3A_141 = arith.constant 40 : i32
      %dma_wait3A_142 = arith.constant 0 : i32
      %dma_wait3A_143 = tpu.memref_slice %arg3[%add3A, %dma_wait3A_141, %dma_wait3A_142] : memref<32x80x128xi32, #tpu.memory_space<hbm>> -> memref<1x40x128xi32, #tpu.memory_space<hbm>>
      %dma_wait3A_144 = tpu.memref_squeeze %dma_wait3A_143 : memref<1x40x128xi32, #tpu.memory_space<hbm>> -> memref<40x128xi32, #tpu.memory_space<hbm>>
      tpu.wait_dma2 semaphore(%run_scoped3A : memref<!tpu.dma_semaphore, #tpu.memory_space<semaphore_mem>>) src(%dma_wait3A_144 : memref<40x128xi32, #tpu.memory_space<hbm>>) dst(%arg7 : memref<40x128xi32, #tpu.memory_space<vmem>>)
      tpu.yield
    }) : () -> ()
    "tpu.region"() ({
      %run_scoped3A = tpu.sem_alloc : memref<!tpu.dma_semaphore, #tpu.memory_space<semaphore_mem>>
      %dma_start3A_129 = arith.constant 40 : i32
      %dma_start3A_130 = arith.constant 0 : i32
      %dma_start3A_131 = tpu.memref_slice %arg4[%add3A, %dma_start3A_129, %dma_start3A_130] : memref<32x80x128xi32, #tpu.memory_space<hbm>> -> memref<1x40x128xi32, #tpu.memory_space<hbm>>
      %dma_start3A_132 = tpu.memref_squeeze %dma_start3A_131 : memref<1x40x128xi32, #tpu.memory_space<hbm>> -> memref<40x128xi32, #tpu.memory_space<hbm>>
      %dma_start3A_133 = arith.constant 40 : i32
      %dma_start3A_134 = arith.constant 0 : i32
      %dma_start3A_135 = tpu.memref_slice %arg4[%add3A, %dma_start3A_133, %dma_start3A_134] : memref<32x80x128xi32, #tpu.memory_space<hbm>> -> memref<1x40x128xi32, #tpu.memory_space<hbm>>
      %dma_start3A_136 = tpu.memref_squeeze %dma_start3A_135 : memref<1x40x128xi32, #tpu.memory_space<hbm>> -> memref<40x128xi32, #tpu.memory_space<hbm>>
      tpu.enqueue_dma source(%dma_start3A_136 : memref<40x128xi32, #tpu.memory_space<hbm>>) target(%arg8 : memref<40x128xi32, #tpu.memory_space<vmem>>) target_semaphore(%run_scoped3A : memref<!tpu.dma_semaphore, #tpu.memory_space<semaphore_mem>>)
      %dma_wait3A_137 = arith.constant 40 : i32
      %dma_wait3A_138 = arith.constant 0 : i32
      %dma_wait3A_139 = tpu.memref_slice %arg4[%add3A, %dma_wait3A_137, %dma_wait3A_138] : memref<32x80x128xi32, #tpu.memory_space<hbm>> -> memref<1x40x128xi32, #tpu.memory_space<hbm>>
      %dma_wait3A_140 = tpu.memref_squeeze %dma_wait3A_139 : memref<1x40x128xi32, #tpu.memory_space<hbm>> -> memref<40x128xi32, #tpu.memory_space<hbm>>
      %dma_wait3A_141 = arith.constant 40 : i32
      %dma_wait3A_142 = arith.constant 0 : i32
      %dma_wait3A_143 = tpu.memref_slice %arg4[%add3A, %dma_wait3A_141, %dma_wait3A_142] : memref<32x80x128xi32, #tpu.memory_space<hbm>> -> memref<1x40x128xi32, #tpu.memory_space<hbm>>
      %dma_wait3A_144 = tpu.memref_squeeze %dma_wait3A_143 : memref<1x40x128xi32, #tpu.memory_space<hbm>> -> memref<40x128xi32, #tpu.memory_space<hbm>>
      tpu.wait_dma2 semaphore(%run_scoped3A : memref<!tpu.dma_semaphore, #tpu.memory_space<semaphore_mem>>) src(%dma_wait3A_144 : memref<40x128xi32, #tpu.memory_space<hbm>>) dst(%arg8 : memref<40x128xi32, #tpu.memory_space<vmem>>)
      tpu.yield
    }) : () -> ()
    %dma_start3A_62 = arith.constant 0 : i32
    %dma_start3A_63 = arith.constant 0 : i32
    %dma_start3A_64 = tpu.memref_slice %arg7[%dma_start3A_62, %dma_start3A_63] : memref<40x128xi32, #tpu.memory_space<vmem>> -> memref<1x128xi32, #tpu.memory_space<vmem>>
    %dma_start3A_65 = tpu.memref_squeeze %dma_start3A_64 : memref<1x128xi32, #tpu.memory_space<vmem>> -> memref<128xi32, #tpu.memory_space<vmem>>
    %dma_start3A_66 = arith.constant 0 : i32
    %dma_start3A_67 = arith.constant 0 : i32
    %dma_start3A_68 = tpu.memref_slice %arg2[%dma_start3A_66, %dma_start3A_67] : memref<10240x128xf32, #tpu.memory_space<hbm>> -> memref<10240x128xf32, #tpu.memory_space<hbm>>
    tpu.enqueue_indirect_dma source(%dma_start3A_68 : memref<10240x128xf32, #tpu.memory_space<hbm>>) target(%arg9 : memref<128x128xf32, #tpu.memory_space<vmem>>) offsets(%dma_start3A_65 : memref<128xi32, #tpu.memory_space<vmem>>) semaphore(%arg12 : memref<!tpu.dma_semaphore, #tpu.memory_space<semaphore_mem>>)
    %dma_wait3A_69 = arith.constant 0 : i32
    %dma_wait3A_70 = arith.constant 0 : i32
    %dma_wait3A_71 = tpu.memref_slice %arg7[%dma_wait3A_69, %dma_wait3A_70] : memref<40x128xi32, #tpu.memory_space<vmem>> -> memref<1x128xi32, #tpu.memory_space<vmem>>
    %dma_wait3A_72 = tpu.memref_squeeze %dma_wait3A_71 : memref<1x128xi32, #tpu.memory_space<vmem>> -> memref<128xi32, #tpu.memory_space<vmem>>
    %dma_wait3A_73 = arith.constant 0 : i32
    %dma_wait3A_74 = arith.constant 0 : i32
    %dma_wait3A_75 = tpu.memref_slice %arg2[%dma_wait3A_73, %dma_wait3A_74] : memref<10240x128xf32, #tpu.memory_space<hbm>> -> memref<10240x128xf32, #tpu.memory_space<hbm>>
    tpu.wait_indirect_dma semaphore(%arg12 : memref<!tpu.dma_semaphore, #tpu.memory_space<semaphore_mem>>) src(%dma_wait3A_75 : memref<10240x128xf32, #tpu.memory_space<hbm>>) dst(%arg9 : memref<128x128xf32, #tpu.memory_space<vmem>>)
    %dma_start3A_76 = arith.constant 0 : i32
    %dma_start3A_77 = arith.constant 0 : i32
    %dma_start3A_78 = tpu.memref_slice %arg8[%dma_start3A_76, %dma_start3A_77] : memref<40x128xi32, #tpu.memory_space<vmem>> -> memref<1x128xi32, #tpu.memory_space<vmem>>
    %dma_start3A_79 = tpu.memref_squeeze %dma_start3A_78 : memref<1x128xi32, #tpu.memory_space<vmem>> -> memref<128xi32, #tpu.memory_space<vmem>>
    %dma_start3A_80 = arith.constant 0 : i32
    %dma_start3A_81 = arith.constant 0 : i32
    %dma_start3A_82 = tpu.memref_slice %arg11[%dma_start3A_80, %dma_start3A_81] : memref<10240x128xf32, #tpu.memory_space<vmem_shared>> -> memref<10240x128xf32, #tpu.memory_space<vmem_shared>>
    tpu.enqueue_indirect_dma source(%arg9 : memref<128x128xf32, #tpu.memory_space<vmem>>) target(%dma_start3A_82 : memref<10240x128xf32, #tpu.memory_space<vmem_shared>>) offsets(%dma_start3A_79 : memref<128xi32, #tpu.memory_space<vmem>>) semaphore(%arg14 : memref<!tpu.dma_semaphore, #tpu.memory_space<semaphore_mem>>) {add = true}
    %dma_start3A_83 = arith.constant 1 : i32
    %dma_start3A_84 = arith.constant 0 : i32
    %dma_start3A_85 = tpu.memref_slice %arg7[%dma_start3A_83, %dma_start3A_84] : memref<40x128xi32, #tpu.memory_space<vmem>> -> memref<1x128xi32, #tpu.memory_space<vmem>>
    %dma_start3A_86 = tpu.memref_squeeze %dma_start3A_85 : memref<1x128xi32, #tpu.memory_space<vmem>> -> memref<128xi32, #tpu.memory_space<vmem>>
    %dma_start3A_87 = arith.constant 0 : i32
    %dma_start3A_88 = arith.constant 0 : i32
    %dma_start3A_89 = tpu.memref_slice %arg2[%dma_start3A_87, %dma_start3A_88] : memref<10240x128xf32, #tpu.memory_space<hbm>> -> memref<10240x128xf32, #tpu.memory_space<hbm>>
    tpu.enqueue_indirect_dma source(%dma_start3A_89 : memref<10240x128xf32, #tpu.memory_space<hbm>>) target(%arg10 : memref<128x128xf32, #tpu.memory_space<vmem>>) offsets(%dma_start3A_86 : memref<128xi32, #tpu.memory_space<vmem>>) semaphore(%arg13 : memref<!tpu.dma_semaphore, #tpu.memory_space<semaphore_mem>>)
    %scan3A_90 = arith.constant 0 : i32
    %scan3A_91 = arith.constant 1 : i32
    %scan3A_92 = arith.constant 19 : i32
    %scan3A_93 = arith.addi %scan3A_91, %scan3A_92 : i32
    %scan3A_94 = arith.constant 1 : i32
    scf.for %scan3A_129 = %scan3A_91 to %scan3A_93 step %scan3A_94  : i32 {
      %mul3A_130 = arith.constant 2 : i32
      %mul3A_131 = arith.muli %mul3A_130, %scan3A_129 : i32
      %sub3A = arith.constant 1 : i32
      %sub3A_132 = arith.subi %mul3A_131, %sub3A : i32
      %dma_wait3A_133 = arith.constant 0 : i32
      %dma_wait3A_134 = tpu.memref_slice %arg7[%sub3A_132, %dma_wait3A_133] : memref<40x128xi32, #tpu.memory_space<vmem>> -> memref<1x128xi32, #tpu.memory_space<vmem>>
      %dma_wait3A_135 = tpu.memref_squeeze %dma_wait3A_134 : memref<1x128xi32, #tpu.memory_space<vmem>> -> memref<128xi32, #tpu.memory_space<vmem>>
      %dma_wait3A_136 = arith.constant 0 : i32
      %dma_wait3A_137 = arith.constant 0 : i32
      %dma_wait3A_138 = tpu.memref_slice %arg2[%dma_wait3A_136, %dma_wait3A_137] : memref<10240x128xf32, #tpu.memory_space<hbm>> -> memref<10240x128xf32, #tpu.memory_space<hbm>>
      tpu.wait_indirect_dma semaphore(%arg13 : memref<!tpu.dma_semaphore, #tpu.memory_space<semaphore_mem>>) src(%dma_wait3A_138 : memref<10240x128xf32, #tpu.memory_space<hbm>>) dst(%arg10 : memref<128x128xf32, #tpu.memory_space<vmem>>)
      %sub3A_139 = arith.constant 1 : i32
      %sub3A_140 = arith.subi %mul3A_131, %sub3A_139 : i32
      %dma_start3A_141 = arith.constant 0 : i32
      %dma_start3A_142 = tpu.memref_slice %arg8[%sub3A_140, %dma_start3A_141] : memref<40x128xi32, #tpu.memory_space<vmem>> -> memref<1x128xi32, #tpu.memory_space<vmem>>
      %dma_start3A_143 = tpu.memref_squeeze %dma_start3A_142 : memref<1x128xi32, #tpu.memory_space<vmem>> -> memref<128xi32, #tpu.memory_space<vmem>>
      %dma_start3A_144 = arith.constant 0 : i32
      %dma_start3A_145 = arith.constant 0 : i32
      %dma_start3A_146 = tpu.memref_slice %arg11[%dma_start3A_144, %dma_start3A_145] : memref<10240x128xf32, #tpu.memory_space<vmem_shared>> -> memref<10240x128xf32, #tpu.memory_space<vmem_shared>>
      tpu.enqueue_indirect_dma source(%arg10 : memref<128x128xf32, #tpu.memory_space<vmem>>) target(%dma_start3A_146 : memref<10240x128xf32, #tpu.memory_space<vmem_shared>>) offsets(%dma_start3A_143 : memref<128xi32, #tpu.memory_space<vmem>>) semaphore(%arg15 : memref<!tpu.dma_semaphore, #tpu.memory_space<semaphore_mem>>) {add = true}
      %sub3A_147 = arith.constant 2 : i32
      %sub3A_148 = arith.subi %mul3A_131, %sub3A_147 : i32
      %dma_wait3A_149 = arith.constant 0 : i32
      %dma_wait3A_150 = tpu.memref_slice %arg8[%sub3A_148, %dma_wait3A_149] : memref<40x128xi32, #tpu.memory_space<vmem>> -> memref<1x128xi32, #tpu.memory_space<vmem>>
      %dma_wait3A_151 = tpu.memref_squeeze %dma_wait3A_150 : memref<1x128xi32, #tpu.memory_space<vmem>> -> memref<128xi32, #tpu.memory_space<vmem>>
      %dma_wait3A_152 = arith.constant 0 : i32
      %dma_wait3A_153 = arith.constant 0 : i32
      %dma_wait3A_154 = tpu.memref_slice %arg11[%dma_wait3A_152, %dma_wait3A_153] : memref<10240x128xf32, #tpu.memory_space<vmem_shared>> -> memref<10240x128xf32, #tpu.memory_space<vmem_shared>>
      tpu.wait_indirect_dma semaphore(%arg14 : memref<!tpu.dma_semaphore, #tpu.memory_space<semaphore_mem>>) src(%arg9 : memref<128x128xf32, #tpu.memory_space<vmem>>) dst(%dma_wait3A_154 : memref<10240x128xf32, #tpu.memory_space<vmem_shared>>)
      %dma_start3A_155 = arith.constant 0 : i32
      %dma_start3A_156 = tpu.memref_slice %arg7[%mul3A_131, %dma_start3A_155] : memref<40x128xi32, #tpu.memory_space<vmem>> -> memref<1x128xi32, #tpu.memory_space<vmem>>
      %dma_start3A_157 = tpu.memref_squeeze %dma_start3A_156 : memref<1x128xi32, #tpu.memory_space<vmem>> -> memref<128xi32, #tpu.memory_space<vmem>>
      %dma_start3A_158 = arith.constant 0 : i32
      %dma_start3A_159 = arith.constant 0 : i32
      %dma_start3A_160 = tpu.memref_slice %arg2[%dma_start3A_158, %dma_start3A_159] : memref<10240x128xf32, #tpu.memory_space<hbm>> -> memref<10240x128xf32, #tpu.memory_space<hbm>>
      tpu.enqueue_indirect_dma source(%dma_start3A_160 : memref<10240x128xf32, #tpu.memory_space<hbm>>) target(%arg9 : memref<128x128xf32, #tpu.memory_space<vmem>>) offsets(%dma_start3A_157 : memref<128xi32, #tpu.memory_space<vmem>>) semaphore(%arg12 : memref<!tpu.dma_semaphore, #tpu.memory_space<semaphore_mem>>)
      %dma_wait3A_161 = arith.constant 0 : i32
      %dma_wait3A_162 = tpu.memref_slice %arg7[%mul3A_131, %dma_wait3A_161] : memref<40x128xi32, #tpu.memory_space<vmem>> -> memref<1x128xi32, #tpu.memory_space<vmem>>
      %dma_wait3A_163 = tpu.memref_squeeze %dma_wait3A_162 : memref<1x128xi32, #tpu.memory_space<vmem>> -> memref<128xi32, #tpu.memory_space<vmem>>
      %dma_wait3A_164 = arith.constant 0 : i32
      %dma_wait3A_165 = arith.constant 0 : i32
      %dma_wait3A_166 = tpu.memref_slice %arg2[%dma_wait3A_164, %dma_wait3A_165] : memref<10240x128xf32, #tpu.memory_space<hbm>> -> memref<10240x128xf32, #tpu.memory_space<hbm>>
      tpu.wait_indirect_dma semaphore(%arg12 : memref<!tpu.dma_semaphore, #tpu.memory_space<semaphore_mem>>) src(%dma_wait3A_166 : memref<10240x128xf32, #tpu.memory_space<hbm>>) dst(%arg9 : memref<128x128xf32, #tpu.memory_space<vmem>>)
      %dma_start3A_167 = arith.constant 0 : i32
      %dma_start3A_168 = tpu.memref_slice %arg8[%mul3A_131, %dma_start3A_167] : memref<40x128xi32, #tpu.memory_space<vmem>> -> memref<1x128xi32, #tpu.memory_space<vmem>>
      %dma_start3A_169 = tpu.memref_squeeze %dma_start3A_168 : memref<1x128xi32, #tpu.memory_space<vmem>> -> memref<128xi32, #tpu.memory_space<vmem>>
      %dma_start3A_170 = arith.constant 0 : i32
      %dma_start3A_171 = arith.constant 0 : i32
      %dma_start3A_172 = tpu.memref_slice %arg11[%dma_start3A_170, %dma_start3A_171] : memref<10240x128xf32, #tpu.memory_space<vmem_shared>> -> memref<10240x128xf32, #tpu.memory_space<vmem_shared>>
      tpu.enqueue_indirect_dma source(%arg9 : memref<128x128xf32, #tpu.memory_space<vmem>>) target(%dma_start3A_172 : memref<10240x128xf32, #tpu.memory_space<vmem_shared>>) offsets(%dma_start3A_169 : memref<128xi32, #tpu.memory_space<vmem>>) semaphore(%arg14 : memref<!tpu.dma_semaphore, #tpu.memory_space<semaphore_mem>>) {add = true}
      %sub3A_173 = arith.constant 1 : i32
      %sub3A_174 = arith.subi %mul3A_131, %sub3A_173 : i32
      %dma_wait3A_175 = arith.constant 0 : i32
      %dma_wait3A_176 = tpu.memref_slice %arg8[%sub3A_174, %dma_wait3A_175] : memref<40x128xi32, #tpu.memory_space<vmem>> -> memref<1x128xi32, #tpu.memory_space<vmem>>
      %dma_wait3A_177 = tpu.memref_squeeze %dma_wait3A_176 : memref<1x128xi32, #tpu.memory_space<vmem>> -> memref<128xi32, #tpu.memory_space<vmem>>
      %dma_wait3A_178 = arith.constant 0 : i32
      %dma_wait3A_179 = arith.constant 0 : i32
      %dma_wait3A_180 = tpu.memref_slice %arg11[%dma_wait3A_178, %dma_wait3A_179] : memref<10240x128xf32, #tpu.memory_space<vmem_shared>> -> memref<10240x128xf32, #tpu.memory_space<vmem_shared>>
      tpu.wait_indirect_dma semaphore(%arg15 : memref<!tpu.dma_semaphore, #tpu.memory_space<semaphore_mem>>) src(%arg10 : memref<128x128xf32, #tpu.memory_space<vmem>>) dst(%dma_wait3A_180 : memref<10240x128xf32, #tpu.memory_space<vmem_shared>>)
      %add3A_181 = arith.constant 1 : i32
      %add3A_182 = arith.addi %mul3A_131, %add3A_181 : i32
      %dma_start3A_183 = arith.constant 0 : i32
      %dma_start3A_184 = tpu.memref_slice %arg7[%add3A_182, %dma_start3A_183] : memref<40x128xi32, #tpu.memory_space<vmem>> -> memref<1x128xi32, #tpu.memory_space<vmem>>
      %dma_start3A_185 = tpu.memref_squeeze %dma_start3A_184 : memref<1x128xi32, #tpu.memory_space<vmem>> -> memref<128xi32, #tpu.memory_space<vmem>>
      %dma_start3A_186 = arith.constant 0 : i32
      %dma_start3A_187 = arith.constant 0 : i32
      %dma_start3A_188 = tpu.memref_slice %arg2[%dma_start3A_186, %dma_start3A_187] : memref<10240x128xf32, #tpu.memory_space<hbm>> -> memref<10240x128xf32, #tpu.memory_space<hbm>>
      tpu.enqueue_indirect_dma source(%dma_start3A_188 : memref<10240x128xf32, #tpu.memory_space<hbm>>) target(%arg10 : memref<128x128xf32, #tpu.memory_space<vmem>>) offsets(%dma_start3A_185 : memref<128xi32, #tpu.memory_space<vmem>>) semaphore(%arg13 : memref<!tpu.dma_semaphore, #tpu.memory_space<semaphore_mem>>)
    }
    %scan3A_95 = arith.constant 19 : i32
    %dma_wait3A_96 = arith.constant 39 : i32
    %dma_wait3A_97 = arith.constant 0 : i32
    %dma_wait3A_98 = tpu.memref_slice %arg7[%dma_wait3A_96, %dma_wait3A_97] : memref<40x128xi32, #tpu.memory_space<vmem>> -> memref<1x128xi32, #tpu.memory_space<vmem>>
    %dma_wait3A_99 = tpu.memref_squeeze %dma_wait3A_98 : memref<1x128xi32, #tpu.memory_space<vmem>> -> memref<128xi32, #tpu.memory_space<vmem>>
    %dma_wait3A_100 = arith.constant 0 : i32
    %dma_wait3A_101 = arith.constant 0 : i32
    %dma_wait3A_102 = tpu.memref_slice %arg2[%dma_wait3A_100, %dma_wait3A_101] : memref<10240x128xf32, #tpu.memory_space<hbm>> -> memref<10240x128xf32, #tpu.memory_space<hbm>>
    tpu.wait_indirect_dma semaphore(%arg13 : memref<!tpu.dma_semaphore, #tpu.memory_space<semaphore_mem>>) src(%dma_wait3A_102 : memref<10240x128xf32, #tpu.memory_space<hbm>>) dst(%arg10 : memref<128x128xf32, #tpu.memory_space<vmem>>)
    %dma_start3A_103 = arith.constant 39 : i32
    %dma_start3A_104 = arith.constant 0 : i32
    %dma_start3A_105 = tpu.memref_slice %arg8[%dma_start3A_103, %dma_start3A_104] : memref<40x128xi32, #tpu.memory_space<vmem>> -> memref<1x128xi32, #tpu.memory_space<vmem>>
    %dma_start3A_106 = tpu.memref_squeeze %dma_start3A_105 : memref<1x128xi32, #tpu.memory_space<vmem>> -> memref<128xi32, #tpu.memory_space<vmem>>
    %dma_start3A_107 = arith.constant 0 : i32
    %dma_start3A_108 = arith.constant 0 : i32
    %dma_start3A_109 = tpu.memref_slice %arg11[%dma_start3A_107, %dma_start3A_108] : memref<10240x128xf32, #tpu.memory_space<vmem_shared>> -> memref<10240x128xf32, #tpu.memory_space<vmem_shared>>
    tpu.enqueue_indirect_dma source(%arg10 : memref<128x128xf32, #tpu.memory_space<vmem>>) target(%dma_start3A_109 : memref<10240x128xf32, #tpu.memory_space<vmem_shared>>) offsets(%dma_start3A_106 : memref<128xi32, #tpu.memory_space<vmem>>) semaphore(%arg15 : memref<!tpu.dma_semaphore, #tpu.memory_space<semaphore_mem>>) {add = true}
    %dma_wait3A_110 = arith.constant 38 : i32
    %dma_wait3A_111 = arith.constant 0 : i32
    %dma_wait3A_112 = tpu.memref_slice %arg8[%dma_wait3A_110, %dma_wait3A_111] : memref<40x128xi32, #tpu.memory_space<vmem>> -> memref<1x128xi32, #tpu.memory_space<vmem>>
    %dma_wait3A_113 = tpu.memref_squeeze %dma_wait3A_112 : memref<1x128xi32, #tpu.memory_space<vmem>> -> memref<128xi32, #tpu.memory_space<vmem>>
    %dma_wait3A_114 = arith.constant 0 : i32
    %dma_wait3A_115 = arith.constant 0 : i32
    %dma_wait3A_116 = tpu.memref_slice %arg11[%dma_wait3A_114, %dma_wait3A_115] : memref<10240x128xf32, #tpu.memory_space<vmem_shared>> -> memref<10240x128xf32, #tpu.memory_space<vmem_shared>>
    tpu.wait_indirect_dma semaphore(%arg14 : memref<!tpu.dma_semaphore, #tpu.memory_space<semaphore_mem>>) src(%arg9 : memref<128x128xf32, #tpu.memory_space<vmem>>) dst(%dma_wait3A_116 : memref<10240x128xf32, #tpu.memory_space<vmem_shared>>)
    %dma_wait3A_117 = arith.constant 39 : i32
    %dma_wait3A_118 = arith.constant 0 : i32
    %dma_wait3A_119 = tpu.memref_slice %arg8[%dma_wait3A_117, %dma_wait3A_118] : memref<40x128xi32, #tpu.memory_space<vmem>> -> memref<1x128xi32, #tpu.memory_space<vmem>>
    %dma_wait3A_120 = tpu.memref_squeeze %dma_wait3A_119 : memref<1x128xi32, #tpu.memory_space<vmem>> -> memref<128xi32, #tpu.memory_space<vmem>>
    %dma_wait3A_121 = arith.constant 0 : i32
    %dma_wait3A_122 = arith.constant 0 : i32
    %dma_wait3A_123 = tpu.memref_slice %arg11[%dma_wait3A_121, %dma_wait3A_122] : memref<10240x128xf32, #tpu.memory_space<vmem_shared>> -> memref<10240x128xf32, #tpu.memory_space<vmem_shared>>
    tpu.wait_indirect_dma semaphore(%arg15 : memref<!tpu.dma_semaphore, #tpu.memory_space<semaphore_mem>>) src(%arg10 : memref<128x128xf32, #tpu.memory_space<vmem>>) dst(%dma_wait3A_123 : memref<10240x128xf32, #tpu.memory_space<vmem_shared>>)
    %barrier3A_124 = arith.constant 0 : index
    tpu.barrier barrier_id(%barrier3A_124)
    %mul3A_125 = arith.constant 640 : i32
    %mul3A_126 = arith.muli %arg1, %mul3A_125 : i32
    %mul3A_127 = arith.constant 640 : i32
    %mul3A_128 = arith.muli %arg1, %mul3A_127 : i32
    "tpu.region"() ({
      %run_scoped3A = tpu.sem_alloc : memref<!tpu.dma_semaphore, #tpu.memory_space<semaphore_mem>>
      %dma_start3A_129 = arith.constant 0 : i32
      %dma_start3A_130 = tpu.memref_slice %arg6[%arg0, %mul3A_128, %dma_start3A_129] : memref<2x10240x128xf32, #tpu.memory_space<hbm>> -> memref<1x640x128xf32, #tpu.memory_space<hbm>>
      %dma_start3A_131 = tpu.memref_squeeze %dma_start3A_130 : memref<1x640x128xf32, #tpu.memory_space<hbm>> -> memref<640x128xf32, #tpu.memory_space<hbm>>
      %dma_start3A_132 = arith.constant 0 : i32
      %dma_start3A_133 = tpu.memref_slice %arg11[%mul3A_126, %dma_start3A_132] : memref<10240x128xf32, #tpu.memory_space<vmem_shared>> -> memref<640x128xf32, #tpu.memory_space<vmem_shared>>
      tpu.enqueue_dma source(%dma_start3A_133 : memref<640x128xf32, #tpu.memory_space<vmem_shared>>) target(%dma_start3A_131 : memref<640x128xf32, #tpu.memory_space<hbm>>) target_semaphore(%run_scoped3A : memref<!tpu.dma_semaphore, #tpu.memory_space<semaphore_mem>>)
      %dma_wait3A_134 = arith.constant 0 : i32
      %dma_wait3A_135 = tpu.memref_slice %arg6[%arg0, %mul3A_128, %dma_wait3A_134] : memref<2x10240x128xf32, #tpu.memory_space<hbm>> -> memref<1x640x128xf32, #tpu.memory_space<hbm>>
      %dma_wait3A_136 = tpu.memref_squeeze %dma_wait3A_135 : memref<1x640x128xf32, #tpu.memory_space<hbm>> -> memref<640x128xf32, #tpu.memory_space<hbm>>
      %dma_wait3A_137 = arith.constant 0 : i32
      %dma_wait3A_138 = tpu.memref_slice %arg11[%mul3A_126, %dma_wait3A_137] : memref<10240x128xf32, #tpu.memory_space<vmem_shared>> -> memref<640x128xf32, #tpu.memory_space<vmem_shared>>
      tpu.wait_dma2 semaphore(%run_scoped3A : memref<!tpu.dma_semaphore, #tpu.memory_space<semaphore_mem>>) src(%dma_wait3A_138 : memref<640x128xf32, #tpu.memory_space<vmem_shared>>) dst(%dma_wait3A_136 : memref<640x128xf32, #tpu.memory_space<hbm>>)
      tpu.yield
    }) : () -> ()
    return
  }
}

#map = affine_map<(d0, d1) -> (0, 0, 0)>
#map1 = affine_map<(d0, d1) -> (0, 0)>
module attributes {stable_mosaic.version = 14 : i64} {
  func.func @_sc_deg_body(%arg0: i32, %arg1: i32, %arg2: memref<32x80x128xi32, #tpu.memory_space<hbm>>, %arg3: memref<128x128xf32, #tpu.memory_space<hbm>>, %arg4: memref<640x128xf32, #tpu.memory_space<hbm>>, %arg5: memref<2x10240x128xf32, #tpu.memory_space<hbm>>, %arg6: memref<80x128xi32, #tpu.memory_space<vmem>>, %arg7: memref<128x128xf32, #tpu.memory_space<vmem>>, %arg8: memref<10240x128xf32, #tpu.memory_space<vmem_shared>>) attributes {dimension_semantics = [#tpu.dimension_semantics<core_parallel>, #tpu.dimension_semantics<subcore_parallel>], iteration_bounds = array<i64: 2, 16>, scalar_prefetch = 0 : i64, scratch_operands = 3 : i64, tpu.core_type = #tpu.core_type<sc_vector_subcore>, window_params = [{transform_indices = #map}, {transform_indices = #map1}, {transform_indices = #map1}, {transform_indices = #map}]} {
    %mul3A = arith.constant 16 : i32
    %mul3A_0 = arith.muli %arg0, %mul3A : i32
    %add3A = arith.addi %mul3A_0, %arg1 : i32
    "tpu.region"() ({
      %run_scoped3A = tpu.sem_alloc : memref<!tpu.dma_semaphore, #tpu.memory_space<semaphore_mem>>
      %dma_start3A = arith.constant 0 : i32
      %dma_start3A_13 = arith.constant 0 : i32
      %dma_start3A_14 = tpu.memref_slice %arg2[%add3A, %dma_start3A, %dma_start3A_13] : memref<32x80x128xi32, #tpu.memory_space<hbm>> -> memref<1x80x128xi32, #tpu.memory_space<hbm>>
      %dma_start3A_15 = tpu.memref_squeeze %dma_start3A_14 : memref<1x80x128xi32, #tpu.memory_space<hbm>> -> memref<80x128xi32, #tpu.memory_space<hbm>>
      %dma_start3A_16 = arith.constant 0 : i32
      %dma_start3A_17 = arith.constant 0 : i32
      %dma_start3A_18 = tpu.memref_slice %arg2[%add3A, %dma_start3A_16, %dma_start3A_17] : memref<32x80x128xi32, #tpu.memory_space<hbm>> -> memref<1x80x128xi32, #tpu.memory_space<hbm>>
      %dma_start3A_19 = tpu.memref_squeeze %dma_start3A_18 : memref<1x80x128xi32, #tpu.memory_space<hbm>> -> memref<80x128xi32, #tpu.memory_space<hbm>>
      tpu.enqueue_dma source(%dma_start3A_19 : memref<80x128xi32, #tpu.memory_space<hbm>>) target(%arg6 : memref<80x128xi32, #tpu.memory_space<vmem>>) target_semaphore(%run_scoped3A : memref<!tpu.dma_semaphore, #tpu.memory_space<semaphore_mem>>)
      %dma_wait3A = arith.constant 0 : i32
      %dma_wait3A_20 = arith.constant 0 : i32
      %dma_wait3A_21 = tpu.memref_slice %arg2[%add3A, %dma_wait3A, %dma_wait3A_20] : memref<32x80x128xi32, #tpu.memory_space<hbm>> -> memref<1x80x128xi32, #tpu.memory_space<hbm>>
      %dma_wait3A_22 = tpu.memref_squeeze %dma_wait3A_21 : memref<1x80x128xi32, #tpu.memory_space<hbm>> -> memref<80x128xi32, #tpu.memory_space<hbm>>
      %dma_wait3A_23 = arith.constant 0 : i32
      %dma_wait3A_24 = arith.constant 0 : i32
      %dma_wait3A_25 = tpu.memref_slice %arg2[%add3A, %dma_wait3A_23, %dma_wait3A_24] : memref<32x80x128xi32, #tpu.memory_space<hbm>> -> memref<1x80x128xi32, #tpu.memory_space<hbm>>
      %dma_wait3A_26 = tpu.memref_squeeze %dma_wait3A_25 : memref<1x80x128xi32, #tpu.memory_space<hbm>> -> memref<80x128xi32, #tpu.memory_space<hbm>>
      tpu.wait_dma2 semaphore(%run_scoped3A : memref<!tpu.dma_semaphore, #tpu.memory_space<semaphore_mem>>) src(%dma_wait3A_26 : memref<80x128xi32, #tpu.memory_space<hbm>>) dst(%arg6 : memref<80x128xi32, #tpu.memory_space<vmem>>)
      tpu.yield
    }) : () -> ()
    "tpu.region"() ({
      %run_scoped3A = tpu.sem_alloc : memref<!tpu.dma_semaphore, #tpu.memory_space<semaphore_mem>>
      tpu.enqueue_dma source(%arg3 : memref<128x128xf32, #tpu.memory_space<hbm>>) target(%arg7 : memref<128x128xf32, #tpu.memory_space<vmem>>) target_semaphore(%run_scoped3A : memref<!tpu.dma_semaphore, #tpu.memory_space<semaphore_mem>>)
      tpu.wait_dma2 semaphore(%run_scoped3A : memref<!tpu.dma_semaphore, #tpu.memory_space<semaphore_mem>>) src(%arg3 : memref<128x128xf32, #tpu.memory_space<hbm>>) dst(%arg7 : memref<128x128xf32, #tpu.memory_space<vmem>>)
      tpu.yield
    }) : () -> ()
    %mul3A_1 = arith.constant 640 : i32
    %mul3A_2 = arith.muli %arg1, %mul3A_1 : i32
    "tpu.region"() ({
      %run_scoped3A = tpu.sem_alloc : memref<!tpu.dma_semaphore, #tpu.memory_space<semaphore_mem>>
      %dma_start3A = arith.constant 0 : i32
      %dma_start3A_13 = tpu.memref_slice %arg8[%mul3A_2, %dma_start3A] : memref<10240x128xf32, #tpu.memory_space<vmem_shared>> -> memref<640x128xf32, #tpu.memory_space<vmem_shared>>
      tpu.enqueue_dma source(%arg4 : memref<640x128xf32, #tpu.memory_space<hbm>>) target(%dma_start3A_13 : memref<640x128xf32, #tpu.memory_space<vmem_shared>>) target_semaphore(%run_scoped3A : memref<!tpu.dma_semaphore, #tpu.memory_space<semaphore_mem>>)
      %dma_wait3A = arith.constant 0 : i32
      %dma_wait3A_14 = tpu.memref_slice %arg8[%mul3A_2, %dma_wait3A] : memref<10240x128xf32, #tpu.memory_space<vmem_shared>> -> memref<640x128xf32, #tpu.memory_space<vmem_shared>>
      tpu.wait_dma2 semaphore(%run_scoped3A : memref<!tpu.dma_semaphore, #tpu.memory_space<semaphore_mem>>) src(%arg4 : memref<640x128xf32, #tpu.memory_space<hbm>>) dst(%dma_wait3A_14 : memref<640x128xf32, #tpu.memory_space<vmem_shared>>)
      tpu.yield
    }) : () -> ()
    %barrier3A = arith.constant 0 : index
    tpu.barrier barrier_id(%barrier3A)
    %scan3A = arith.constant 0 : i32
    %scan3A_3 = arith.constant 0 : i32
    %scan3A_4 = arith.constant 80 : i32
    %scan3A_5 = arith.addi %scan3A_3, %scan3A_4 : i32
    %scan3A_6 = arith.constant 1 : i32
    scf.for %scan3A_13 = %scan3A_3 to %scan3A_5 step %scan3A_6  : i32 {
      "tpu.region"() ({
        %run_scoped3A = tpu.sem_alloc : memref<!tpu.dma_semaphore, #tpu.memory_space<semaphore_mem>>
        %dma_start3A = arith.constant 0 : i32
        %dma_start3A_14 = tpu.memref_slice %arg6[%scan3A_13, %dma_start3A] : memref<80x128xi32, #tpu.memory_space<vmem>> -> memref<1x128xi32, #tpu.memory_space<vmem>>
        %dma_start3A_15 = tpu.memref_squeeze %dma_start3A_14 : memref<1x128xi32, #tpu.memory_space<vmem>> -> memref<128xi32, #tpu.memory_space<vmem>>
        %dma_start3A_16 = arith.constant 0 : i32
        %dma_start3A_17 = arith.constant 0 : i32
        %dma_start3A_18 = tpu.memref_slice %arg8[%dma_start3A_16, %dma_start3A_17] : memref<10240x128xf32, #tpu.memory_space<vmem_shared>> -> memref<10240x128xf32, #tpu.memory_space<vmem_shared>>
        tpu.enqueue_indirect_dma source(%arg7 : memref<128x128xf32, #tpu.memory_space<vmem>>) target(%dma_start3A_18 : memref<10240x128xf32, #tpu.memory_space<vmem_shared>>) offsets(%dma_start3A_15 : memref<128xi32, #tpu.memory_space<vmem>>) semaphore(%run_scoped3A : memref<!tpu.dma_semaphore, #tpu.memory_space<semaphore_mem>>) {add = true}
        %dma_wait3A = arith.constant 0 : i32
        %dma_wait3A_19 = tpu.memref_slice %arg6[%scan3A_13, %dma_wait3A] : memref<80x128xi32, #tpu.memory_space<vmem>> -> memref<1x128xi32, #tpu.memory_space<vmem>>
        %dma_wait3A_20 = tpu.memref_squeeze %dma_wait3A_19 : memref<1x128xi32, #tpu.memory_space<vmem>> -> memref<128xi32, #tpu.memory_space<vmem>>
        %dma_wait3A_21 = arith.constant 0 : i32
        %dma_wait3A_22 = arith.constant 0 : i32
        %dma_wait3A_23 = tpu.memref_slice %arg8[%dma_wait3A_21, %dma_wait3A_22] : memref<10240x128xf32, #tpu.memory_space<vmem_shared>> -> memref<10240x128xf32, #tpu.memory_space<vmem_shared>>
        tpu.wait_indirect_dma semaphore(%run_scoped3A : memref<!tpu.dma_semaphore, #tpu.memory_space<semaphore_mem>>) src(%arg7 : memref<128x128xf32, #tpu.memory_space<vmem>>) dst(%dma_wait3A_23 : memref<10240x128xf32, #tpu.memory_space<vmem_shared>>)
        tpu.yield
      }) : () -> ()
    }
    %scan3A_7 = arith.constant 80 : i32
    %barrier3A_8 = arith.constant 0 : index
    tpu.barrier barrier_id(%barrier3A_8)
    %mul3A_9 = arith.constant 640 : i32
    %mul3A_10 = arith.muli %arg1, %mul3A_9 : i32
    %mul3A_11 = arith.constant 640 : i32
    %mul3A_12 = arith.muli %arg1, %mul3A_11 : i32
    "tpu.region"() ({
      %run_scoped3A = tpu.sem_alloc : memref<!tpu.dma_semaphore, #tpu.memory_space<semaphore_mem>>
      %dma_start3A = arith.constant 0 : i32
      %dma_start3A_13 = tpu.memref_slice %arg5[%arg0, %mul3A_12, %dma_start3A] : memref<2x10240x128xf32, #tpu.memory_space<hbm>> -> memref<1x640x128xf32, #tpu.memory_space<hbm>>
      %dma_start3A_14 = tpu.memref_squeeze %dma_start3A_13 : memref<1x640x128xf32, #tpu.memory_space<hbm>> -> memref<640x128xf32, #tpu.memory_space<hbm>>
      %dma_start3A_15 = arith.constant 0 : i32
      %dma_start3A_16 = tpu.memref_slice %arg8[%mul3A_10, %dma_start3A_15] : memref<10240x128xf32, #tpu.memory_space<vmem_shared>> -> memref<640x128xf32, #tpu.memory_space<vmem_shared>>
      tpu.enqueue_dma source(%dma_start3A_16 : memref<640x128xf32, #tpu.memory_space<vmem_shared>>) target(%dma_start3A_14 : memref<640x128xf32, #tpu.memory_space<hbm>>) target_semaphore(%run_scoped3A : memref<!tpu.dma_semaphore, #tpu.memory_space<semaphore_mem>>)
      %dma_wait3A = arith.constant 0 : i32
      %dma_wait3A_17 = tpu.memref_slice %arg5[%arg0, %mul3A_12, %dma_wait3A] : memref<2x10240x128xf32, #tpu.memory_space<hbm>> -> memref<1x640x128xf32, #tpu.memory_space<hbm>>
      %dma_wait3A_18 = tpu.memref_squeeze %dma_wait3A_17 : memref<1x640x128xf32, #tpu.memory_space<hbm>> -> memref<640x128xf32, #tpu.memory_space<hbm>>
      %dma_wait3A_19 = arith.constant 0 : i32
      %dma_wait3A_20 = tpu.memref_slice %arg8[%mul3A_10, %dma_wait3A_19] : memref<10240x128xf32, #tpu.memory_space<vmem_shared>> -> memref<640x128xf32, #tpu.memory_space<vmem_shared>>
      tpu.wait_dma2 semaphore(%run_scoped3A : memref<!tpu.dma_semaphore, #tpu.memory_space<semaphore_mem>>) src(%dma_wait3A_20 : memref<640x128xf32, #tpu.memory_space<vmem_shared>>) dst(%dma_wait3A_18 : memref<640x128xf32, #tpu.memory_space<hbm>>)
      tpu.yield
    }) : () -> ()
    return
  }
}

#map = affine_map<(d0, d1) -> (0, 0)>
#map1 = affine_map<(d0, d1) -> (0, 0, 0)>
module attributes {stable_mosaic.version = 14 : i64} {
  func.func @_sc_layer_body(%arg0: i32, %arg1: i32, %arg2: memref<10240x128xf32, #tpu.memory_space<hbm>>, %arg3: memref<32x80x128xi32, #tpu.memory_space<hbm>>, %arg4: memref<32x80x128xi32, #tpu.memory_space<hbm>>, %arg5: memref<640x128xf32, #tpu.memory_space<hbm>>, %arg6: memref<2x10240x128xf32, #tpu.memory_space<hbm>>, %arg7: memref<40x128xi32, #tpu.memory_space<vmem>>, %arg8: memref<40x128xi32, #tpu.memory_space<vmem>>, %arg9: memref<128x128xf32, #tpu.memory_space<vmem>>, %arg10: memref<128x128xf32, #tpu.memory_space<vmem>>, %arg11: memref<10240x128xf32, #tpu.memory_space<vmem_shared>>, %arg12: memref<!tpu.dma_semaphore, #tpu.memory_space<semaphore_mem>>, %arg13: memref<!tpu.dma_semaphore, #tpu.memory_space<semaphore_mem>>, %arg14: memref<!tpu.dma_semaphore, #tpu.memory_space<semaphore_mem>>, %arg15: memref<!tpu.dma_semaphore, #tpu.memory_space<semaphore_mem>>) attributes {dimension_semantics = [#tpu.dimension_semantics<core_parallel>, #tpu.dimension_semantics<subcore_parallel>], iteration_bounds = array<i64: 2, 16>, scalar_prefetch = 0 : i64, scratch_operands = 9 : i64, tpu.core_type = #tpu.core_type<sc_vector_subcore>, window_params = [{transform_indices = #map}, {transform_indices = #map1}, {transform_indices = #map1}, {transform_indices = #map}, {transform_indices = #map1}]} {
    %mul3A = arith.constant 16 : i32
    %mul3A_0 = arith.muli %arg0, %mul3A : i32
    %add3A = arith.addi %mul3A_0, %arg1 : i32
    %mul3A_1 = arith.constant 640 : i32
    %mul3A_2 = arith.muli %arg1, %mul3A_1 : i32
    "tpu.region"() ({
      %run_scoped3A = tpu.sem_alloc : memref<!tpu.dma_semaphore, #tpu.memory_space<semaphore_mem>>
      %dma_start3A_129 = arith.constant 0 : i32
      %dma_start3A_130 = tpu.memref_slice %arg11[%mul3A_2, %dma_start3A_129] : memref<10240x128xf32, #tpu.memory_space<vmem_shared>> -> memref<640x128xf32, #tpu.memory_space<vmem_shared>>
      tpu.enqueue_dma source(%arg5 : memref<640x128xf32, #tpu.memory_space<hbm>>) target(%dma_start3A_130 : memref<640x128xf32, #tpu.memory_space<vmem_shared>>) target_semaphore(%run_scoped3A : memref<!tpu.dma_semaphore, #tpu.memory_space<semaphore_mem>>)
      %dma_wait3A_131 = arith.constant 0 : i32
      %dma_wait3A_132 = tpu.memref_slice %arg11[%mul3A_2, %dma_wait3A_131] : memref<10240x128xf32, #tpu.memory_space<vmem_shared>> -> memref<640x128xf32, #tpu.memory_space<vmem_shared>>
      tpu.wait_dma2 semaphore(%run_scoped3A : memref<!tpu.dma_semaphore, #tpu.memory_space<semaphore_mem>>) src(%arg5 : memref<640x128xf32, #tpu.memory_space<hbm>>) dst(%dma_wait3A_132 : memref<640x128xf32, #tpu.memory_space<vmem_shared>>)
      tpu.yield
    }) : () -> ()
    %barrier3A = arith.constant 0 : index
    tpu.barrier barrier_id(%barrier3A)
    "tpu.region"() ({
      %run_scoped3A = tpu.sem_alloc : memref<!tpu.dma_semaphore, #tpu.memory_space<semaphore_mem>>
      %dma_start3A_129 = arith.constant 0 : i32
      %dma_start3A_130 = arith.constant 0 : i32
      %dma_start3A_131 = tpu.memref_slice %arg3[%add3A, %dma_start3A_129, %dma_start3A_130] : memref<32x80x128xi32, #tpu.memory_space<hbm>> -> memref<1x40x128xi32, #tpu.memory_space<hbm>>
      %dma_start3A_132 = tpu.memref_squeeze %dma_start3A_131 : memref<1x40x128xi32, #tpu.memory_space<hbm>> -> memref<40x128xi32, #tpu.memory_space<hbm>>
      %dma_start3A_133 = arith.constant 0 : i32
      %dma_start3A_134 = arith.constant 0 : i32
      %dma_start3A_135 = tpu.memref_slice %arg3[%add3A, %dma_start3A_133, %dma_start3A_134] : memref<32x80x128xi32, #tpu.memory_space<hbm>> -> memref<1x40x128xi32, #tpu.memory_space<hbm>>
      %dma_start3A_136 = tpu.memref_squeeze %dma_start3A_135 : memref<1x40x128xi32, #tpu.memory_space<hbm>> -> memref<40x128xi32, #tpu.memory_space<hbm>>
      tpu.enqueue_dma source(%dma_start3A_136 : memref<40x128xi32, #tpu.memory_space<hbm>>) target(%arg7 : memref<40x128xi32, #tpu.memory_space<vmem>>) target_semaphore(%run_scoped3A : memref<!tpu.dma_semaphore, #tpu.memory_space<semaphore_mem>>)
      %dma_wait3A_137 = arith.constant 0 : i32
      %dma_wait3A_138 = arith.constant 0 : i32
      %dma_wait3A_139 = tpu.memref_slice %arg3[%add3A, %dma_wait3A_137, %dma_wait3A_138] : memref<32x80x128xi32, #tpu.memory_space<hbm>> -> memref<1x40x128xi32, #tpu.memory_space<hbm>>
      %dma_wait3A_140 = tpu.memref_squeeze %dma_wait3A_139 : memref<1x40x128xi32, #tpu.memory_space<hbm>> -> memref<40x128xi32, #tpu.memory_space<hbm>>
      %dma_wait3A_141 = arith.constant 0 : i32
      %dma_wait3A_142 = arith.constant 0 : i32
      %dma_wait3A_143 = tpu.memref_slice %arg3[%add3A, %dma_wait3A_141, %dma_wait3A_142] : memref<32x80x128xi32, #tpu.memory_space<hbm>> -> memref<1x40x128xi32, #tpu.memory_space<hbm>>
      %dma_wait3A_144 = tpu.memref_squeeze %dma_wait3A_143 : memref<1x40x128xi32, #tpu.memory_space<hbm>> -> memref<40x128xi32, #tpu.memory_space<hbm>>
      tpu.wait_dma2 semaphore(%run_scoped3A : memref<!tpu.dma_semaphore, #tpu.memory_space<semaphore_mem>>) src(%dma_wait3A_144 : memref<40x128xi32, #tpu.memory_space<hbm>>) dst(%arg7 : memref<40x128xi32, #tpu.memory_space<vmem>>)
      tpu.yield
    }) : () -> ()
    "tpu.region"() ({
      %run_scoped3A = tpu.sem_alloc : memref<!tpu.dma_semaphore, #tpu.memory_space<semaphore_mem>>
      %dma_start3A_129 = arith.constant 0 : i32
      %dma_start3A_130 = arith.constant 0 : i32
      %dma_start3A_131 = tpu.memref_slice %arg4[%add3A, %dma_start3A_129, %dma_start3A_130] : memref<32x80x128xi32, #tpu.memory_space<hbm>> -> memref<1x40x128xi32, #tpu.memory_space<hbm>>
      %dma_start3A_132 = tpu.memref_squeeze %dma_start3A_131 : memref<1x40x128xi32, #tpu.memory_space<hbm>> -> memref<40x128xi32, #tpu.memory_space<hbm>>
      %dma_start3A_133 = arith.constant 0 : i32
      %dma_start3A_134 = arith.constant 0 : i32
      %dma_start3A_135 = tpu.memref_slice %arg4[%add3A, %dma_start3A_133, %dma_start3A_134] : memref<32x80x128xi32, #tpu.memory_space<hbm>> -> memref<1x40x128xi32, #tpu.memory_space<hbm>>
      %dma_start3A_136 = tpu.memref_squeeze %dma_start3A_135 : memref<1x40x128xi32, #tpu.memory_space<hbm>> -> memref<40x128xi32, #tpu.memory_space<hbm>>
      tpu.enqueue_dma source(%dma_start3A_136 : memref<40x128xi32, #tpu.memory_space<hbm>>) target(%arg8 : memref<40x128xi32, #tpu.memory_space<vmem>>) target_semaphore(%run_scoped3A : memref<!tpu.dma_semaphore, #tpu.memory_space<semaphore_mem>>)
      %dma_wait3A_137 = arith.constant 0 : i32
      %dma_wait3A_138 = arith.constant 0 : i32
      %dma_wait3A_139 = tpu.memref_slice %arg4[%add3A, %dma_wait3A_137, %dma_wait3A_138] : memref<32x80x128xi32, #tpu.memory_space<hbm>> -> memref<1x40x128xi32, #tpu.memory_space<hbm>>
      %dma_wait3A_140 = tpu.memref_squeeze %dma_wait3A_139 : memref<1x40x128xi32, #tpu.memory_space<hbm>> -> memref<40x128xi32, #tpu.memory_space<hbm>>
      %dma_wait3A_141 = arith.constant 0 : i32
      %dma_wait3A_142 = arith.constant 0 : i32
      %dma_wait3A_143 = tpu.memref_slice %arg4[%add3A, %dma_wait3A_141, %dma_wait3A_142] : memref<32x80x128xi32, #tpu.memory_space<hbm>> -> memref<1x40x128xi32, #tpu.memory_space<hbm>>
      %dma_wait3A_144 = tpu.memref_squeeze %dma_wait3A_143 : memref<1x40x128xi32, #tpu.memory_space<hbm>> -> memref<40x128xi32, #tpu.memory_space<hbm>>
      tpu.wait_dma2 semaphore(%run_scoped3A : memref<!tpu.dma_semaphore, #tpu.memory_space<semaphore_mem>>) src(%dma_wait3A_144 : memref<40x128xi32, #tpu.memory_space<hbm>>) dst(%arg8 : memref<40x128xi32, #tpu.memory_space<vmem>>)
      tpu.yield
    }) : () -> ()
    %dma_start3A = arith.constant 0 : i32
    %dma_start3A_3 = arith.constant 0 : i32
    %dma_start3A_4 = tpu.memref_slice %arg7[%dma_start3A, %dma_start3A_3] : memref<40x128xi32, #tpu.memory_space<vmem>> -> memref<1x128xi32, #tpu.memory_space<vmem>>
    %dma_start3A_5 = tpu.memref_squeeze %dma_start3A_4 : memref<1x128xi32, #tpu.memory_space<vmem>> -> memref<128xi32, #tpu.memory_space<vmem>>
    %dma_start3A_6 = arith.constant 0 : i32
    %dma_start3A_7 = arith.constant 0 : i32
    %dma_start3A_8 = tpu.memref_slice %arg2[%dma_start3A_6, %dma_start3A_7] : memref<10240x128xf32, #tpu.memory_space<hbm>> -> memref<10240x128xf32, #tpu.memory_space<hbm>>
    tpu.enqueue_indirect_dma source(%dma_start3A_8 : memref<10240x128xf32, #tpu.memory_space<hbm>>) target(%arg9 : memref<128x128xf32, #tpu.memory_space<vmem>>) offsets(%dma_start3A_5 : memref<128xi32, #tpu.memory_space<vmem>>) semaphore(%arg12 : memref<!tpu.dma_semaphore, #tpu.memory_space<semaphore_mem>>)
    %dma_wait3A = arith.constant 0 : i32
    %dma_wait3A_9 = arith.constant 0 : i32
    %dma_wait3A_10 = tpu.memref_slice %arg7[%dma_wait3A, %dma_wait3A_9] : memref<40x128xi32, #tpu.memory_space<vmem>> -> memref<1x128xi32, #tpu.memory_space<vmem>>
    %dma_wait3A_11 = tpu.memref_squeeze %dma_wait3A_10 : memref<1x128xi32, #tpu.memory_space<vmem>> -> memref<128xi32, #tpu.memory_space<vmem>>
    %dma_wait3A_12 = arith.constant 0 : i32
    %dma_wait3A_13 = arith.constant 0 : i32
    %dma_wait3A_14 = tpu.memref_slice %arg2[%dma_wait3A_12, %dma_wait3A_13] : memref<10240x128xf32, #tpu.memory_space<hbm>> -> memref<10240x128xf32, #tpu.memory_space<hbm>>
    tpu.wait_indirect_dma semaphore(%arg12 : memref<!tpu.dma_semaphore, #tpu.memory_space<semaphore_mem>>) src(%dma_wait3A_14 : memref<10240x128xf32, #tpu.memory_space<hbm>>) dst(%arg9 : memref<128x128xf32, #tpu.memory_space<vmem>>)
    %dma_start3A_15 = arith.constant 0 : i32
    %dma_start3A_16 = arith.constant 0 : i32
    %dma_start3A_17 = tpu.memref_slice %arg8[%dma_start3A_15, %dma_start3A_16] : memref<40x128xi32, #tpu.memory_space<vmem>> -> memref<1x128xi32, #tpu.memory_space<vmem>>
    %dma_start3A_18 = tpu.memref_squeeze %dma_start3A_17 : memref<1x128xi32, #tpu.memory_space<vmem>> -> memref<128xi32, #tpu.memory_space<vmem>>
    %dma_start3A_19 = arith.constant 0 : i32
    %dma_start3A_20 = arith.constant 0 : i32
    %dma_start3A_21 = tpu.memref_slice %arg11[%dma_start3A_19, %dma_start3A_20] : memref<10240x128xf32, #tpu.memory_space<vmem_shared>> -> memref<10240x128xf32, #tpu.memory_space<vmem_shared>>
    tpu.enqueue_indirect_dma source(%arg9 : memref<128x128xf32, #tpu.memory_space<vmem>>) target(%dma_start3A_21 : memref<10240x128xf32, #tpu.memory_space<vmem_shared>>) offsets(%dma_start3A_18 : memref<128xi32, #tpu.memory_space<vmem>>) semaphore(%arg14 : memref<!tpu.dma_semaphore, #tpu.memory_space<semaphore_mem>>) {add = true}
    %dma_start3A_22 = arith.constant 1 : i32
    %dma_start3A_23 = arith.constant 0 : i32
    %dma_start3A_24 = tpu.memref_slice %arg7[%dma_start3A_22, %dma_start3A_23] : memref<40x128xi32, #tpu.memory_space<vmem>> -> memref<1x128xi32, #tpu.memory_space<vmem>>
    %dma_start3A_25 = tpu.memref_squeeze %dma_start3A_24 : memref<1x128xi32, #tpu.memory_space<vmem>> -> memref<128xi32, #tpu.memory_space<vmem>>
    %dma_start3A_26 = arith.constant 0 : i32
    %dma_start3A_27 = arith.constant 0 : i32
    %dma_start3A_28 = tpu.memref_slice %arg2[%dma_start3A_26, %dma_start3A_27] : memref<10240x128xf32, #tpu.memory_space<hbm>> -> memref<10240x128xf32, #tpu.memory_space<hbm>>
    tpu.enqueue_indirect_dma source(%dma_start3A_28 : memref<10240x128xf32, #tpu.memory_space<hbm>>) target(%arg10 : memref<128x128xf32, #tpu.memory_space<vmem>>) offsets(%dma_start3A_25 : memref<128xi32, #tpu.memory_space<vmem>>) semaphore(%arg13 : memref<!tpu.dma_semaphore, #tpu.memory_space<semaphore_mem>>)
    %scan3A = arith.constant 0 : i32
    %scan3A_29 = arith.constant 1 : i32
    %scan3A_30 = arith.constant 19 : i32
    %scan3A_31 = arith.addi %scan3A_29, %scan3A_30 : i32
    %scan3A_32 = arith.constant 1 : i32
    scf.for %scan3A_129 = %scan3A_29 to %scan3A_31 step %scan3A_32  : i32 {
      %mul3A_130 = arith.constant 2 : i32
      %mul3A_131 = arith.muli %mul3A_130, %scan3A_129 : i32
      %sub3A = arith.constant 1 : i32
      %sub3A_132 = arith.subi %mul3A_131, %sub3A : i32
      %dma_wait3A_133 = arith.constant 0 : i32
      %dma_wait3A_134 = tpu.memref_slice %arg7[%sub3A_132, %dma_wait3A_133] : memref<40x128xi32, #tpu.memory_space<vmem>> -> memref<1x128xi32, #tpu.memory_space<vmem>>
      %dma_wait3A_135 = tpu.memref_squeeze %dma_wait3A_134 : memref<1x128xi32, #tpu.memory_space<vmem>> -> memref<128xi32, #tpu.memory_space<vmem>>
      %dma_wait3A_136 = arith.constant 0 : i32
      %dma_wait3A_137 = arith.constant 0 : i32
      %dma_wait3A_138 = tpu.memref_slice %arg2[%dma_wait3A_136, %dma_wait3A_137] : memref<10240x128xf32, #tpu.memory_space<hbm>> -> memref<10240x128xf32, #tpu.memory_space<hbm>>
      tpu.wait_indirect_dma semaphore(%arg13 : memref<!tpu.dma_semaphore, #tpu.memory_space<semaphore_mem>>) src(%dma_wait3A_138 : memref<10240x128xf32, #tpu.memory_space<hbm>>) dst(%arg10 : memref<128x128xf32, #tpu.memory_space<vmem>>)
      %sub3A_139 = arith.constant 1 : i32
      %sub3A_140 = arith.subi %mul3A_131, %sub3A_139 : i32
      %dma_start3A_141 = arith.constant 0 : i32
      %dma_start3A_142 = tpu.memref_slice %arg8[%sub3A_140, %dma_start3A_141] : memref<40x128xi32, #tpu.memory_space<vmem>> -> memref<1x128xi32, #tpu.memory_space<vmem>>
      %dma_start3A_143 = tpu.memref_squeeze %dma_start3A_142 : memref<1x128xi32, #tpu.memory_space<vmem>> -> memref<128xi32, #tpu.memory_space<vmem>>
      %dma_start3A_144 = arith.constant 0 : i32
      %dma_start3A_145 = arith.constant 0 : i32
      %dma_start3A_146 = tpu.memref_slice %arg11[%dma_start3A_144, %dma_start3A_145] : memref<10240x128xf32, #tpu.memory_space<vmem_shared>> -> memref<10240x128xf32, #tpu.memory_space<vmem_shared>>
      tpu.enqueue_indirect_dma source(%arg10 : memref<128x128xf32, #tpu.memory_space<vmem>>) target(%dma_start3A_146 : memref<10240x128xf32, #tpu.memory_space<vmem_shared>>) offsets(%dma_start3A_143 : memref<128xi32, #tpu.memory_space<vmem>>) semaphore(%arg15 : memref<!tpu.dma_semaphore, #tpu.memory_space<semaphore_mem>>) {add = true}
      %sub3A_147 = arith.constant 2 : i32
      %sub3A_148 = arith.subi %mul3A_131, %sub3A_147 : i32
      %dma_wait3A_149 = arith.constant 0 : i32
      %dma_wait3A_150 = tpu.memref_slice %arg8[%sub3A_148, %dma_wait3A_149] : memref<40x128xi32, #tpu.memory_space<vmem>> -> memref<1x128xi32, #tpu.memory_space<vmem>>
      %dma_wait3A_151 = tpu.memref_squeeze %dma_wait3A_150 : memref<1x128xi32, #tpu.memory_space<vmem>> -> memref<128xi32, #tpu.memory_space<vmem>>
      %dma_wait3A_152 = arith.constant 0 : i32
      %dma_wait3A_153 = arith.constant 0 : i32
      %dma_wait3A_154 = tpu.memref_slice %arg11[%dma_wait3A_152, %dma_wait3A_153] : memref<10240x128xf32, #tpu.memory_space<vmem_shared>> -> memref<10240x128xf32, #tpu.memory_space<vmem_shared>>
      tpu.wait_indirect_dma semaphore(%arg14 : memref<!tpu.dma_semaphore, #tpu.memory_space<semaphore_mem>>) src(%arg9 : memref<128x128xf32, #tpu.memory_space<vmem>>) dst(%dma_wait3A_154 : memref<10240x128xf32, #tpu.memory_space<vmem_shared>>)
      %dma_start3A_155 = arith.constant 0 : i32
      %dma_start3A_156 = tpu.memref_slice %arg7[%mul3A_131, %dma_start3A_155] : memref<40x128xi32, #tpu.memory_space<vmem>> -> memref<1x128xi32, #tpu.memory_space<vmem>>
      %dma_start3A_157 = tpu.memref_squeeze %dma_start3A_156 : memref<1x128xi32, #tpu.memory_space<vmem>> -> memref<128xi32, #tpu.memory_space<vmem>>
      %dma_start3A_158 = arith.constant 0 : i32
      %dma_start3A_159 = arith.constant 0 : i32
      %dma_start3A_160 = tpu.memref_slice %arg2[%dma_start3A_158, %dma_start3A_159] : memref<10240x128xf32, #tpu.memory_space<hbm>> -> memref<10240x128xf32, #tpu.memory_space<hbm>>
      tpu.enqueue_indirect_dma source(%dma_start3A_160 : memref<10240x128xf32, #tpu.memory_space<hbm>>) target(%arg9 : memref<128x128xf32, #tpu.memory_space<vmem>>) offsets(%dma_start3A_157 : memref<128xi32, #tpu.memory_space<vmem>>) semaphore(%arg12 : memref<!tpu.dma_semaphore, #tpu.memory_space<semaphore_mem>>)
      %dma_wait3A_161 = arith.constant 0 : i32
      %dma_wait3A_162 = tpu.memref_slice %arg7[%mul3A_131, %dma_wait3A_161] : memref<40x128xi32, #tpu.memory_space<vmem>> -> memref<1x128xi32, #tpu.memory_space<vmem>>
      %dma_wait3A_163 = tpu.memref_squeeze %dma_wait3A_162 : memref<1x128xi32, #tpu.memory_space<vmem>> -> memref<128xi32, #tpu.memory_space<vmem>>
      %dma_wait3A_164 = arith.constant 0 : i32
      %dma_wait3A_165 = arith.constant 0 : i32
      %dma_wait3A_166 = tpu.memref_slice %arg2[%dma_wait3A_164, %dma_wait3A_165] : memref<10240x128xf32, #tpu.memory_space<hbm>> -> memref<10240x128xf32, #tpu.memory_space<hbm>>
      tpu.wait_indirect_dma semaphore(%arg12 : memref<!tpu.dma_semaphore, #tpu.memory_space<semaphore_mem>>) src(%dma_wait3A_166 : memref<10240x128xf32, #tpu.memory_space<hbm>>) dst(%arg9 : memref<128x128xf32, #tpu.memory_space<vmem>>)
      %dma_start3A_167 = arith.constant 0 : i32
      %dma_start3A_168 = tpu.memref_slice %arg8[%mul3A_131, %dma_start3A_167] : memref<40x128xi32, #tpu.memory_space<vmem>> -> memref<1x128xi32, #tpu.memory_space<vmem>>
      %dma_start3A_169 = tpu.memref_squeeze %dma_start3A_168 : memref<1x128xi32, #tpu.memory_space<vmem>> -> memref<128xi32, #tpu.memory_space<vmem>>
      %dma_start3A_170 = arith.constant 0 : i32
      %dma_start3A_171 = arith.constant 0 : i32
      %dma_start3A_172 = tpu.memref_slice %arg11[%dma_start3A_170, %dma_start3A_171] : memref<10240x128xf32, #tpu.memory_space<vmem_shared>> -> memref<10240x128xf32, #tpu.memory_space<vmem_shared>>
      tpu.enqueue_indirect_dma source(%arg9 : memref<128x128xf32, #tpu.memory_space<vmem>>) target(%dma_start3A_172 : memref<10240x128xf32, #tpu.memory_space<vmem_shared>>) offsets(%dma_start3A_169 : memref<128xi32, #tpu.memory_space<vmem>>) semaphore(%arg14 : memref<!tpu.dma_semaphore, #tpu.memory_space<semaphore_mem>>) {add = true}
      %sub3A_173 = arith.constant 1 : i32
      %sub3A_174 = arith.subi %mul3A_131, %sub3A_173 : i32
      %dma_wait3A_175 = arith.constant 0 : i32
      %dma_wait3A_176 = tpu.memref_slice %arg8[%sub3A_174, %dma_wait3A_175] : memref<40x128xi32, #tpu.memory_space<vmem>> -> memref<1x128xi32, #tpu.memory_space<vmem>>
      %dma_wait3A_177 = tpu.memref_squeeze %dma_wait3A_176 : memref<1x128xi32, #tpu.memory_space<vmem>> -> memref<128xi32, #tpu.memory_space<vmem>>
      %dma_wait3A_178 = arith.constant 0 : i32
      %dma_wait3A_179 = arith.constant 0 : i32
      %dma_wait3A_180 = tpu.memref_slice %arg11[%dma_wait3A_178, %dma_wait3A_179] : memref<10240x128xf32, #tpu.memory_space<vmem_shared>> -> memref<10240x128xf32, #tpu.memory_space<vmem_shared>>
      tpu.wait_indirect_dma semaphore(%arg15 : memref<!tpu.dma_semaphore, #tpu.memory_space<semaphore_mem>>) src(%arg10 : memref<128x128xf32, #tpu.memory_space<vmem>>) dst(%dma_wait3A_180 : memref<10240x128xf32, #tpu.memory_space<vmem_shared>>)
      %add3A_181 = arith.constant 1 : i32
      %add3A_182 = arith.addi %mul3A_131, %add3A_181 : i32
      %dma_start3A_183 = arith.constant 0 : i32
      %dma_start3A_184 = tpu.memref_slice %arg7[%add3A_182, %dma_start3A_183] : memref<40x128xi32, #tpu.memory_space<vmem>> -> memref<1x128xi32, #tpu.memory_space<vmem>>
      %dma_start3A_185 = tpu.memref_squeeze %dma_start3A_184 : memref<1x128xi32, #tpu.memory_space<vmem>> -> memref<128xi32, #tpu.memory_space<vmem>>
      %dma_start3A_186 = arith.constant 0 : i32
      %dma_start3A_187 = arith.constant 0 : i32
      %dma_start3A_188 = tpu.memref_slice %arg2[%dma_start3A_186, %dma_start3A_187] : memref<10240x128xf32, #tpu.memory_space<hbm>> -> memref<10240x128xf32, #tpu.memory_space<hbm>>
      tpu.enqueue_indirect_dma source(%dma_start3A_188 : memref<10240x128xf32, #tpu.memory_space<hbm>>) target(%arg10 : memref<128x128xf32, #tpu.memory_space<vmem>>) offsets(%dma_start3A_185 : memref<128xi32, #tpu.memory_space<vmem>>) semaphore(%arg13 : memref<!tpu.dma_semaphore, #tpu.memory_space<semaphore_mem>>)
    }
    %scan3A_33 = arith.constant 19 : i32
    %dma_wait3A_34 = arith.constant 39 : i32
    %dma_wait3A_35 = arith.constant 0 : i32
    %dma_wait3A_36 = tpu.memref_slice %arg7[%dma_wait3A_34, %dma_wait3A_35] : memref<40x128xi32, #tpu.memory_space<vmem>> -> memref<1x128xi32, #tpu.memory_space<vmem>>
    %dma_wait3A_37 = tpu.memref_squeeze %dma_wait3A_36 : memref<1x128xi32, #tpu.memory_space<vmem>> -> memref<128xi32, #tpu.memory_space<vmem>>
    %dma_wait3A_38 = arith.constant 0 : i32
    %dma_wait3A_39 = arith.constant 0 : i32
    %dma_wait3A_40 = tpu.memref_slice %arg2[%dma_wait3A_38, %dma_wait3A_39] : memref<10240x128xf32, #tpu.memory_space<hbm>> -> memref<10240x128xf32, #tpu.memory_space<hbm>>
    tpu.wait_indirect_dma semaphore(%arg13 : memref<!tpu.dma_semaphore, #tpu.memory_space<semaphore_mem>>) src(%dma_wait3A_40 : memref<10240x128xf32, #tpu.memory_space<hbm>>) dst(%arg10 : memref<128x128xf32, #tpu.memory_space<vmem>>)
    %dma_start3A_41 = arith.constant 39 : i32
    %dma_start3A_42 = arith.constant 0 : i32
    %dma_start3A_43 = tpu.memref_slice %arg8[%dma_start3A_41, %dma_start3A_42] : memref<40x128xi32, #tpu.memory_space<vmem>> -> memref<1x128xi32, #tpu.memory_space<vmem>>
    %dma_start3A_44 = tpu.memref_squeeze %dma_start3A_43 : memref<1x128xi32, #tpu.memory_space<vmem>> -> memref<128xi32, #tpu.memory_space<vmem>>
    %dma_start3A_45 = arith.constant 0 : i32
    %dma_start3A_46 = arith.constant 0 : i32
    %dma_start3A_47 = tpu.memref_slice %arg11[%dma_start3A_45, %dma_start3A_46] : memref<10240x128xf32, #tpu.memory_space<vmem_shared>> -> memref<10240x128xf32, #tpu.memory_space<vmem_shared>>
    tpu.enqueue_indirect_dma source(%arg10 : memref<128x128xf32, #tpu.memory_space<vmem>>) target(%dma_start3A_47 : memref<10240x128xf32, #tpu.memory_space<vmem_shared>>) offsets(%dma_start3A_44 : memref<128xi32, #tpu.memory_space<vmem>>) semaphore(%arg15 : memref<!tpu.dma_semaphore, #tpu.memory_space<semaphore_mem>>) {add = true}
    %dma_wait3A_48 = arith.constant 38 : i32
    %dma_wait3A_49 = arith.constant 0 : i32
    %dma_wait3A_50 = tpu.memref_slice %arg8[%dma_wait3A_48, %dma_wait3A_49] : memref<40x128xi32, #tpu.memory_space<vmem>> -> memref<1x128xi32, #tpu.memory_space<vmem>>
    %dma_wait3A_51 = tpu.memref_squeeze %dma_wait3A_50 : memref<1x128xi32, #tpu.memory_space<vmem>> -> memref<128xi32, #tpu.memory_space<vmem>>
    %dma_wait3A_52 = arith.constant 0 : i32
    %dma_wait3A_53 = arith.constant 0 : i32
    %dma_wait3A_54 = tpu.memref_slice %arg11[%dma_wait3A_52, %dma_wait3A_53] : memref<10240x128xf32, #tpu.memory_space<vmem_shared>> -> memref<10240x128xf32, #tpu.memory_space<vmem_shared>>
    tpu.wait_indirect_dma semaphore(%arg14 : memref<!tpu.dma_semaphore, #tpu.memory_space<semaphore_mem>>) src(%arg9 : memref<128x128xf32, #tpu.memory_space<vmem>>) dst(%dma_wait3A_54 : memref<10240x128xf32, #tpu.memory_space<vmem_shared>>)
    %dma_wait3A_55 = arith.constant 39 : i32
    %dma_wait3A_56 = arith.constant 0 : i32
    %dma_wait3A_57 = tpu.memref_slice %arg8[%dma_wait3A_55, %dma_wait3A_56] : memref<40x128xi32, #tpu.memory_space<vmem>> -> memref<1x128xi32, #tpu.memory_space<vmem>>
    %dma_wait3A_58 = tpu.memref_squeeze %dma_wait3A_57 : memref<1x128xi32, #tpu.memory_space<vmem>> -> memref<128xi32, #tpu.memory_space<vmem>>
    %dma_wait3A_59 = arith.constant 0 : i32
    %dma_wait3A_60 = arith.constant 0 : i32
    %dma_wait3A_61 = tpu.memref_slice %arg11[%dma_wait3A_59, %dma_wait3A_60] : memref<10240x128xf32, #tpu.memory_space<vmem_shared>> -> memref<10240x128xf32, #tpu.memory_space<vmem_shared>>
    tpu.wait_indirect_dma semaphore(%arg15 : memref<!tpu.dma_semaphore, #tpu.memory_space<semaphore_mem>>) src(%arg10 : memref<128x128xf32, #tpu.memory_space<vmem>>) dst(%dma_wait3A_61 : memref<10240x128xf32, #tpu.memory_space<vmem_shared>>)
    "tpu.region"() ({
      %run_scoped3A = tpu.sem_alloc : memref<!tpu.dma_semaphore, #tpu.memory_space<semaphore_mem>>
      %dma_start3A_129 = arith.constant 40 : i32
      %dma_start3A_130 = arith.constant 0 : i32
      %dma_start3A_131 = tpu.memref_slice %arg3[%add3A, %dma_start3A_129, %dma_start3A_130] : memref<32x80x128xi32, #tpu.memory_space<hbm>> -> memref<1x40x128xi32, #tpu.memory_space<hbm>>
      %dma_start3A_132 = tpu.memref_squeeze %dma_start3A_131 : memref<1x40x128xi32, #tpu.memory_space<hbm>> -> memref<40x128xi32, #tpu.memory_space<hbm>>
      %dma_start3A_133 = arith.constant 40 : i32
      %dma_start3A_134 = arith.constant 0 : i32
      %dma_start3A_135 = tpu.memref_slice %arg3[%add3A, %dma_start3A_133, %dma_start3A_134] : memref<32x80x128xi32, #tpu.memory_space<hbm>> -> memref<1x40x128xi32, #tpu.memory_space<hbm>>
      %dma_start3A_136 = tpu.memref_squeeze %dma_start3A_135 : memref<1x40x128xi32, #tpu.memory_space<hbm>> -> memref<40x128xi32, #tpu.memory_space<hbm>>
      tpu.enqueue_dma source(%dma_start3A_136 : memref<40x128xi32, #tpu.memory_space<hbm>>) target(%arg7 : memref<40x128xi32, #tpu.memory_space<vmem>>) target_semaphore(%run_scoped3A : memref<!tpu.dma_semaphore, #tpu.memory_space<semaphore_mem>>)
      %dma_wait3A_137 = arith.constant 40 : i32
      %dma_wait3A_138 = arith.constant 0 : i32
      %dma_wait3A_139 = tpu.memref_slice %arg3[%add3A, %dma_wait3A_137, %dma_wait3A_138] : memref<32x80x128xi32, #tpu.memory_space<hbm>> -> memref<1x40x128xi32, #tpu.memory_space<hbm>>
      %dma_wait3A_140 = tpu.memref_squeeze %dma_wait3A_139 : memref<1x40x128xi32, #tpu.memory_space<hbm>> -> memref<40x128xi32, #tpu.memory_space<hbm>>
      %dma_wait3A_141 = arith.constant 40 : i32
      %dma_wait3A_142 = arith.constant 0 : i32
      %dma_wait3A_143 = tpu.memref_slice %arg3[%add3A, %dma_wait3A_141, %dma_wait3A_142] : memref<32x80x128xi32, #tpu.memory_space<hbm>> -> memref<1x40x128xi32, #tpu.memory_space<hbm>>
      %dma_wait3A_144 = tpu.memref_squeeze %dma_wait3A_143 : memref<1x40x128xi32, #tpu.memory_space<hbm>> -> memref<40x128xi32, #tpu.memory_space<hbm>>
      tpu.wait_dma2 semaphore(%run_scoped3A : memref<!tpu.dma_semaphore, #tpu.memory_space<semaphore_mem>>) src(%dma_wait3A_144 : memref<40x128xi32, #tpu.memory_space<hbm>>) dst(%arg7 : memref<40x128xi32, #tpu.memory_space<vmem>>)
      tpu.yield
    }) : () -> ()
    "tpu.region"() ({
      %run_scoped3A = tpu.sem_alloc : memref<!tpu.dma_semaphore, #tpu.memory_space<semaphore_mem>>
      %dma_start3A_129 = arith.constant 40 : i32
      %dma_start3A_130 = arith.constant 0 : i32
      %dma_start3A_131 = tpu.memref_slice %arg4[%add3A, %dma_start3A_129, %dma_start3A_130] : memref<32x80x128xi32, #tpu.memory_space<hbm>> -> memref<1x40x128xi32, #tpu.memory_space<hbm>>
      %dma_start3A_132 = tpu.memref_squeeze %dma_start3A_131 : memref<1x40x128xi32, #tpu.memory_space<hbm>> -> memref<40x128xi32, #tpu.memory_space<hbm>>
      %dma_start3A_133 = arith.constant 40 : i32
      %dma_start3A_134 = arith.constant 0 : i32
      %dma_start3A_135 = tpu.memref_slice %arg4[%add3A, %dma_start3A_133, %dma_start3A_134] : memref<32x80x128xi32, #tpu.memory_space<hbm>> -> memref<1x40x128xi32, #tpu.memory_space<hbm>>
      %dma_start3A_136 = tpu.memref_squeeze %dma_start3A_135 : memref<1x40x128xi32, #tpu.memory_space<hbm>> -> memref<40x128xi32, #tpu.memory_space<hbm>>
      tpu.enqueue_dma source(%dma_start3A_136 : memref<40x128xi32, #tpu.memory_space<hbm>>) target(%arg8 : memref<40x128xi32, #tpu.memory_space<vmem>>) target_semaphore(%run_scoped3A : memref<!tpu.dma_semaphore, #tpu.memory_space<semaphore_mem>>)
      %dma_wait3A_137 = arith.constant 40 : i32
      %dma_wait3A_138 = arith.constant 0 : i32
      %dma_wait3A_139 = tpu.memref_slice %arg4[%add3A, %dma_wait3A_137, %dma_wait3A_138] : memref<32x80x128xi32, #tpu.memory_space<hbm>> -> memref<1x40x128xi32, #tpu.memory_space<hbm>>
      %dma_wait3A_140 = tpu.memref_squeeze %dma_wait3A_139 : memref<1x40x128xi32, #tpu.memory_space<hbm>> -> memref<40x128xi32, #tpu.memory_space<hbm>>
      %dma_wait3A_141 = arith.constant 40 : i32
      %dma_wait3A_142 = arith.constant 0 : i32
      %dma_wait3A_143 = tpu.memref_slice %arg4[%add3A, %dma_wait3A_141, %dma_wait3A_142] : memref<32x80x128xi32, #tpu.memory_space<hbm>> -> memref<1x40x128xi32, #tpu.memory_space<hbm>>
      %dma_wait3A_144 = tpu.memref_squeeze %dma_wait3A_143 : memref<1x40x128xi32, #tpu.memory_space<hbm>> -> memref<40x128xi32, #tpu.memory_space<hbm>>
      tpu.wait_dma2 semaphore(%run_scoped3A : memref<!tpu.dma_semaphore, #tpu.memory_space<semaphore_mem>>) src(%dma_wait3A_144 : memref<40x128xi32, #tpu.memory_space<hbm>>) dst(%arg8 : memref<40x128xi32, #tpu.memory_space<vmem>>)
      tpu.yield
    }) : () -> ()
    %dma_start3A_62 = arith.constant 0 : i32
    %dma_start3A_63 = arith.constant 0 : i32
    %dma_start3A_64 = tpu.memref_slice %arg7[%dma_start3A_62, %dma_start3A_63] : memref<40x128xi32, #tpu.memory_space<vmem>> -> memref<1x128xi32, #tpu.memory_space<vmem>>
    %dma_start3A_65 = tpu.memref_squeeze %dma_start3A_64 : memref<1x128xi32, #tpu.memory_space<vmem>> -> memref<128xi32, #tpu.memory_space<vmem>>
    %dma_start3A_66 = arith.constant 0 : i32
    %dma_start3A_67 = arith.constant 0 : i32
    %dma_start3A_68 = tpu.memref_slice %arg2[%dma_start3A_66, %dma_start3A_67] : memref<10240x128xf32, #tpu.memory_space<hbm>> -> memref<10240x128xf32, #tpu.memory_space<hbm>>
    tpu.enqueue_indirect_dma source(%dma_start3A_68 : memref<10240x128xf32, #tpu.memory_space<hbm>>) target(%arg9 : memref<128x128xf32, #tpu.memory_space<vmem>>) offsets(%dma_start3A_65 : memref<128xi32, #tpu.memory_space<vmem>>) semaphore(%arg12 : memref<!tpu.dma_semaphore, #tpu.memory_space<semaphore_mem>>)
    %dma_wait3A_69 = arith.constant 0 : i32
    %dma_wait3A_70 = arith.constant 0 : i32
    %dma_wait3A_71 = tpu.memref_slice %arg7[%dma_wait3A_69, %dma_wait3A_70] : memref<40x128xi32, #tpu.memory_space<vmem>> -> memref<1x128xi32, #tpu.memory_space<vmem>>
    %dma_wait3A_72 = tpu.memref_squeeze %dma_wait3A_71 : memref<1x128xi32, #tpu.memory_space<vmem>> -> memref<128xi32, #tpu.memory_space<vmem>>
    %dma_wait3A_73 = arith.constant 0 : i32
    %dma_wait3A_74 = arith.constant 0 : i32
    %dma_wait3A_75 = tpu.memref_slice %arg2[%dma_wait3A_73, %dma_wait3A_74] : memref<10240x128xf32, #tpu.memory_space<hbm>> -> memref<10240x128xf32, #tpu.memory_space<hbm>>
    tpu.wait_indirect_dma semaphore(%arg12 : memref<!tpu.dma_semaphore, #tpu.memory_space<semaphore_mem>>) src(%dma_wait3A_75 : memref<10240x128xf32, #tpu.memory_space<hbm>>) dst(%arg9 : memref<128x128xf32, #tpu.memory_space<vmem>>)
    %dma_start3A_76 = arith.constant 0 : i32
    %dma_start3A_77 = arith.constant 0 : i32
    %dma_start3A_78 = tpu.memref_slice %arg8[%dma_start3A_76, %dma_start3A_77] : memref<40x128xi32, #tpu.memory_space<vmem>> -> memref<1x128xi32, #tpu.memory_space<vmem>>
    %dma_start3A_79 = tpu.memref_squeeze %dma_start3A_78 : memref<1x128xi32, #tpu.memory_space<vmem>> -> memref<128xi32, #tpu.memory_space<vmem>>
    %dma_start3A_80 = arith.constant 0 : i32
    %dma_start3A_81 = arith.constant 0 : i32
    %dma_start3A_82 = tpu.memref_slice %arg11[%dma_start3A_80, %dma_start3A_81] : memref<10240x128xf32, #tpu.memory_space<vmem_shared>> -> memref<10240x128xf32, #tpu.memory_space<vmem_shared>>
    tpu.enqueue_indirect_dma source(%arg9 : memref<128x128xf32, #tpu.memory_space<vmem>>) target(%dma_start3A_82 : memref<10240x128xf32, #tpu.memory_space<vmem_shared>>) offsets(%dma_start3A_79 : memref<128xi32, #tpu.memory_space<vmem>>) semaphore(%arg14 : memref<!tpu.dma_semaphore, #tpu.memory_space<semaphore_mem>>) {add = true}
    %dma_start3A_83 = arith.constant 1 : i32
    %dma_start3A_84 = arith.constant 0 : i32
    %dma_start3A_85 = tpu.memref_slice %arg7[%dma_start3A_83, %dma_start3A_84] : memref<40x128xi32, #tpu.memory_space<vmem>> -> memref<1x128xi32, #tpu.memory_space<vmem>>
    %dma_start3A_86 = tpu.memref_squeeze %dma_start3A_85 : memref<1x128xi32, #tpu.memory_space<vmem>> -> memref<128xi32, #tpu.memory_space<vmem>>
    %dma_start3A_87 = arith.constant 0 : i32
    %dma_start3A_88 = arith.constant 0 : i32
    %dma_start3A_89 = tpu.memref_slice %arg2[%dma_start3A_87, %dma_start3A_88] : memref<10240x128xf32, #tpu.memory_space<hbm>> -> memref<10240x128xf32, #tpu.memory_space<hbm>>
    tpu.enqueue_indirect_dma source(%dma_start3A_89 : memref<10240x128xf32, #tpu.memory_space<hbm>>) target(%arg10 : memref<128x128xf32, #tpu.memory_space<vmem>>) offsets(%dma_start3A_86 : memref<128xi32, #tpu.memory_space<vmem>>) semaphore(%arg13 : memref<!tpu.dma_semaphore, #tpu.memory_space<semaphore_mem>>)
    %scan3A_90 = arith.constant 0 : i32
    %scan3A_91 = arith.constant 1 : i32
    %scan3A_92 = arith.constant 19 : i32
    %scan3A_93 = arith.addi %scan3A_91, %scan3A_92 : i32
    %scan3A_94 = arith.constant 1 : i32
    scf.for %scan3A_129 = %scan3A_91 to %scan3A_93 step %scan3A_94  : i32 {
      %mul3A_130 = arith.constant 2 : i32
      %mul3A_131 = arith.muli %mul3A_130, %scan3A_129 : i32
      %sub3A = arith.constant 1 : i32
      %sub3A_132 = arith.subi %mul3A_131, %sub3A : i32
      %dma_wait3A_133 = arith.constant 0 : i32
      %dma_wait3A_134 = tpu.memref_slice %arg7[%sub3A_132, %dma_wait3A_133] : memref<40x128xi32, #tpu.memory_space<vmem>> -> memref<1x128xi32, #tpu.memory_space<vmem>>
      %dma_wait3A_135 = tpu.memref_squeeze %dma_wait3A_134 : memref<1x128xi32, #tpu.memory_space<vmem>> -> memref<128xi32, #tpu.memory_space<vmem>>
      %dma_wait3A_136 = arith.constant 0 : i32
      %dma_wait3A_137 = arith.constant 0 : i32
      %dma_wait3A_138 = tpu.memref_slice %arg2[%dma_wait3A_136, %dma_wait3A_137] : memref<10240x128xf32, #tpu.memory_space<hbm>> -> memref<10240x128xf32, #tpu.memory_space<hbm>>
      tpu.wait_indirect_dma semaphore(%arg13 : memref<!tpu.dma_semaphore, #tpu.memory_space<semaphore_mem>>) src(%dma_wait3A_138 : memref<10240x128xf32, #tpu.memory_space<hbm>>) dst(%arg10 : memref<128x128xf32, #tpu.memory_space<vmem>>)
      %sub3A_139 = arith.constant 1 : i32
      %sub3A_140 = arith.subi %mul3A_131, %sub3A_139 : i32
      %dma_start3A_141 = arith.constant 0 : i32
      %dma_start3A_142 = tpu.memref_slice %arg8[%sub3A_140, %dma_start3A_141] : memref<40x128xi32, #tpu.memory_space<vmem>> -> memref<1x128xi32, #tpu.memory_space<vmem>>
      %dma_start3A_143 = tpu.memref_squeeze %dma_start3A_142 : memref<1x128xi32, #tpu.memory_space<vmem>> -> memref<128xi32, #tpu.memory_space<vmem>>
      %dma_start3A_144 = arith.constant 0 : i32
      %dma_start3A_145 = arith.constant 0 : i32
      %dma_start3A_146 = tpu.memref_slice %arg11[%dma_start3A_144, %dma_start3A_145] : memref<10240x128xf32, #tpu.memory_space<vmem_shared>> -> memref<10240x128xf32, #tpu.memory_space<vmem_shared>>
      tpu.enqueue_indirect_dma source(%arg10 : memref<128x128xf32, #tpu.memory_space<vmem>>) target(%dma_start3A_146 : memref<10240x128xf32, #tpu.memory_space<vmem_shared>>) offsets(%dma_start3A_143 : memref<128xi32, #tpu.memory_space<vmem>>) semaphore(%arg15 : memref<!tpu.dma_semaphore, #tpu.memory_space<semaphore_mem>>) {add = true}
      %sub3A_147 = arith.constant 2 : i32
      %sub3A_148 = arith.subi %mul3A_131, %sub3A_147 : i32
      %dma_wait3A_149 = arith.constant 0 : i32
      %dma_wait3A_150 = tpu.memref_slice %arg8[%sub3A_148, %dma_wait3A_149] : memref<40x128xi32, #tpu.memory_space<vmem>> -> memref<1x128xi32, #tpu.memory_space<vmem>>
      %dma_wait3A_151 = tpu.memref_squeeze %dma_wait3A_150 : memref<1x128xi32, #tpu.memory_space<vmem>> -> memref<128xi32, #tpu.memory_space<vmem>>
      %dma_wait3A_152 = arith.constant 0 : i32
      %dma_wait3A_153 = arith.constant 0 : i32
      %dma_wait3A_154 = tpu.memref_slice %arg11[%dma_wait3A_152, %dma_wait3A_153] : memref<10240x128xf32, #tpu.memory_space<vmem_shared>> -> memref<10240x128xf32, #tpu.memory_space<vmem_shared>>
      tpu.wait_indirect_dma semaphore(%arg14 : memref<!tpu.dma_semaphore, #tpu.memory_space<semaphore_mem>>) src(%arg9 : memref<128x128xf32, #tpu.memory_space<vmem>>) dst(%dma_wait3A_154 : memref<10240x128xf32, #tpu.memory_space<vmem_shared>>)
      %dma_start3A_155 = arith.constant 0 : i32
      %dma_start3A_156 = tpu.memref_slice %arg7[%mul3A_131, %dma_start3A_155] : memref<40x128xi32, #tpu.memory_space<vmem>> -> memref<1x128xi32, #tpu.memory_space<vmem>>
      %dma_start3A_157 = tpu.memref_squeeze %dma_start3A_156 : memref<1x128xi32, #tpu.memory_space<vmem>> -> memref<128xi32, #tpu.memory_space<vmem>>
      %dma_start3A_158 = arith.constant 0 : i32
      %dma_start3A_159 = arith.constant 0 : i32
      %dma_start3A_160 = tpu.memref_slice %arg2[%dma_start3A_158, %dma_start3A_159] : memref<10240x128xf32, #tpu.memory_space<hbm>> -> memref<10240x128xf32, #tpu.memory_space<hbm>>
      tpu.enqueue_indirect_dma source(%dma_start3A_160 : memref<10240x128xf32, #tpu.memory_space<hbm>>) target(%arg9 : memref<128x128xf32, #tpu.memory_space<vmem>>) offsets(%dma_start3A_157 : memref<128xi32, #tpu.memory_space<vmem>>) semaphore(%arg12 : memref<!tpu.dma_semaphore, #tpu.memory_space<semaphore_mem>>)
      %dma_wait3A_161 = arith.constant 0 : i32
      %dma_wait3A_162 = tpu.memref_slice %arg7[%mul3A_131, %dma_wait3A_161] : memref<40x128xi32, #tpu.memory_space<vmem>> -> memref<1x128xi32, #tpu.memory_space<vmem>>
      %dma_wait3A_163 = tpu.memref_squeeze %dma_wait3A_162 : memref<1x128xi32, #tpu.memory_space<vmem>> -> memref<128xi32, #tpu.memory_space<vmem>>
      %dma_wait3A_164 = arith.constant 0 : i32
      %dma_wait3A_165 = arith.constant 0 : i32
      %dma_wait3A_166 = tpu.memref_slice %arg2[%dma_wait3A_164, %dma_wait3A_165] : memref<10240x128xf32, #tpu.memory_space<hbm>> -> memref<10240x128xf32, #tpu.memory_space<hbm>>
      tpu.wait_indirect_dma semaphore(%arg12 : memref<!tpu.dma_semaphore, #tpu.memory_space<semaphore_mem>>) src(%dma_wait3A_166 : memref<10240x128xf32, #tpu.memory_space<hbm>>) dst(%arg9 : memref<128x128xf32, #tpu.memory_space<vmem>>)
      %dma_start3A_167 = arith.constant 0 : i32
      %dma_start3A_168 = tpu.memref_slice %arg8[%mul3A_131, %dma_start3A_167] : memref<40x128xi32, #tpu.memory_space<vmem>> -> memref<1x128xi32, #tpu.memory_space<vmem>>
      %dma_start3A_169 = tpu.memref_squeeze %dma_start3A_168 : memref<1x128xi32, #tpu.memory_space<vmem>> -> memref<128xi32, #tpu.memory_space<vmem>>
      %dma_start3A_170 = arith.constant 0 : i32
      %dma_start3A_171 = arith.constant 0 : i32
      %dma_start3A_172 = tpu.memref_slice %arg11[%dma_start3A_170, %dma_start3A_171] : memref<10240x128xf32, #tpu.memory_space<vmem_shared>> -> memref<10240x128xf32, #tpu.memory_space<vmem_shared>>
      tpu.enqueue_indirect_dma source(%arg9 : memref<128x128xf32, #tpu.memory_space<vmem>>) target(%dma_start3A_172 : memref<10240x128xf32, #tpu.memory_space<vmem_shared>>) offsets(%dma_start3A_169 : memref<128xi32, #tpu.memory_space<vmem>>) semaphore(%arg14 : memref<!tpu.dma_semaphore, #tpu.memory_space<semaphore_mem>>) {add = true}
      %sub3A_173 = arith.constant 1 : i32
      %sub3A_174 = arith.subi %mul3A_131, %sub3A_173 : i32
      %dma_wait3A_175 = arith.constant 0 : i32
      %dma_wait3A_176 = tpu.memref_slice %arg8[%sub3A_174, %dma_wait3A_175] : memref<40x128xi32, #tpu.memory_space<vmem>> -> memref<1x128xi32, #tpu.memory_space<vmem>>
      %dma_wait3A_177 = tpu.memref_squeeze %dma_wait3A_176 : memref<1x128xi32, #tpu.memory_space<vmem>> -> memref<128xi32, #tpu.memory_space<vmem>>
      %dma_wait3A_178 = arith.constant 0 : i32
      %dma_wait3A_179 = arith.constant 0 : i32
      %dma_wait3A_180 = tpu.memref_slice %arg11[%dma_wait3A_178, %dma_wait3A_179] : memref<10240x128xf32, #tpu.memory_space<vmem_shared>> -> memref<10240x128xf32, #tpu.memory_space<vmem_shared>>
      tpu.wait_indirect_dma semaphore(%arg15 : memref<!tpu.dma_semaphore, #tpu.memory_space<semaphore_mem>>) src(%arg10 : memref<128x128xf32, #tpu.memory_space<vmem>>) dst(%dma_wait3A_180 : memref<10240x128xf32, #tpu.memory_space<vmem_shared>>)
      %add3A_181 = arith.constant 1 : i32
      %add3A_182 = arith.addi %mul3A_131, %add3A_181 : i32
      %dma_start3A_183 = arith.constant 0 : i32
      %dma_start3A_184 = tpu.memref_slice %arg7[%add3A_182, %dma_start3A_183] : memref<40x128xi32, #tpu.memory_space<vmem>> -> memref<1x128xi32, #tpu.memory_space<vmem>>
      %dma_start3A_185 = tpu.memref_squeeze %dma_start3A_184 : memref<1x128xi32, #tpu.memory_space<vmem>> -> memref<128xi32, #tpu.memory_space<vmem>>
      %dma_start3A_186 = arith.constant 0 : i32
      %dma_start3A_187 = arith.constant 0 : i32
      %dma_start3A_188 = tpu.memref_slice %arg2[%dma_start3A_186, %dma_start3A_187] : memref<10240x128xf32, #tpu.memory_space<hbm>> -> memref<10240x128xf32, #tpu.memory_space<hbm>>
      tpu.enqueue_indirect_dma source(%dma_start3A_188 : memref<10240x128xf32, #tpu.memory_space<hbm>>) target(%arg10 : memref<128x128xf32, #tpu.memory_space<vmem>>) offsets(%dma_start3A_185 : memref<128xi32, #tpu.memory_space<vmem>>) semaphore(%arg13 : memref<!tpu.dma_semaphore, #tpu.memory_space<semaphore_mem>>)
    }
    %scan3A_95 = arith.constant 19 : i32
    %dma_wait3A_96 = arith.constant 39 : i32
    %dma_wait3A_97 = arith.constant 0 : i32
    %dma_wait3A_98 = tpu.memref_slice %arg7[%dma_wait3A_96, %dma_wait3A_97] : memref<40x128xi32, #tpu.memory_space<vmem>> -> memref<1x128xi32, #tpu.memory_space<vmem>>
    %dma_wait3A_99 = tpu.memref_squeeze %dma_wait3A_98 : memref<1x128xi32, #tpu.memory_space<vmem>> -> memref<128xi32, #tpu.memory_space<vmem>>
    %dma_wait3A_100 = arith.constant 0 : i32
    %dma_wait3A_101 = arith.constant 0 : i32
    %dma_wait3A_102 = tpu.memref_slice %arg2[%dma_wait3A_100, %dma_wait3A_101] : memref<10240x128xf32, #tpu.memory_space<hbm>> -> memref<10240x128xf32, #tpu.memory_space<hbm>>
    tpu.wait_indirect_dma semaphore(%arg13 : memref<!tpu.dma_semaphore, #tpu.memory_space<semaphore_mem>>) src(%dma_wait3A_102 : memref<10240x128xf32, #tpu.memory_space<hbm>>) dst(%arg10 : memref<128x128xf32, #tpu.memory_space<vmem>>)
    %dma_start3A_103 = arith.constant 39 : i32
    %dma_start3A_104 = arith.constant 0 : i32
    %dma_start3A_105 = tpu.memref_slice %arg8[%dma_start3A_103, %dma_start3A_104] : memref<40x128xi32, #tpu.memory_space<vmem>> -> memref<1x128xi32, #tpu.memory_space<vmem>>
    %dma_start3A_106 = tpu.memref_squeeze %dma_start3A_105 : memref<1x128xi32, #tpu.memory_space<vmem>> -> memref<128xi32, #tpu.memory_space<vmem>>
    %dma_start3A_107 = arith.constant 0 : i32
    %dma_start3A_108 = arith.constant 0 : i32
    %dma_start3A_109 = tpu.memref_slice %arg11[%dma_start3A_107, %dma_start3A_108] : memref<10240x128xf32, #tpu.memory_space<vmem_shared>> -> memref<10240x128xf32, #tpu.memory_space<vmem_shared>>
    tpu.enqueue_indirect_dma source(%arg10 : memref<128x128xf32, #tpu.memory_space<vmem>>) target(%dma_start3A_109 : memref<10240x128xf32, #tpu.memory_space<vmem_shared>>) offsets(%dma_start3A_106 : memref<128xi32, #tpu.memory_space<vmem>>) semaphore(%arg15 : memref<!tpu.dma_semaphore, #tpu.memory_space<semaphore_mem>>) {add = true}
    %dma_wait3A_110 = arith.constant 38 : i32
    %dma_wait3A_111 = arith.constant 0 : i32
    %dma_wait3A_112 = tpu.memref_slice %arg8[%dma_wait3A_110, %dma_wait3A_111] : memref<40x128xi32, #tpu.memory_space<vmem>> -> memref<1x128xi32, #tpu.memory_space<vmem>>
    %dma_wait3A_113 = tpu.memref_squeeze %dma_wait3A_112 : memref<1x128xi32, #tpu.memory_space<vmem>> -> memref<128xi32, #tpu.memory_space<vmem>>
    %dma_wait3A_114 = arith.constant 0 : i32
    %dma_wait3A_115 = arith.constant 0 : i32
    %dma_wait3A_116 = tpu.memref_slice %arg11[%dma_wait3A_114, %dma_wait3A_115] : memref<10240x128xf32, #tpu.memory_space<vmem_shared>> -> memref<10240x128xf32, #tpu.memory_space<vmem_shared>>
    tpu.wait_indirect_dma semaphore(%arg14 : memref<!tpu.dma_semaphore, #tpu.memory_space<semaphore_mem>>) src(%arg9 : memref<128x128xf32, #tpu.memory_space<vmem>>) dst(%dma_wait3A_116 : memref<10240x128xf32, #tpu.memory_space<vmem_shared>>)
    %dma_wait3A_117 = arith.constant 39 : i32
    %dma_wait3A_118 = arith.constant 0 : i32
    %dma_wait3A_119 = tpu.memref_slice %arg8[%dma_wait3A_117, %dma_wait3A_118] : memref<40x128xi32, #tpu.memory_space<vmem>> -> memref<1x128xi32, #tpu.memory_space<vmem>>
    %dma_wait3A_120 = tpu.memref_squeeze %dma_wait3A_119 : memref<1x128xi32, #tpu.memory_space<vmem>> -> memref<128xi32, #tpu.memory_space<vmem>>
    %dma_wait3A_121 = arith.constant 0 : i32
    %dma_wait3A_122 = arith.constant 0 : i32
    %dma_wait3A_123 = tpu.memref_slice %arg11[%dma_wait3A_121, %dma_wait3A_122] : memref<10240x128xf32, #tpu.memory_space<vmem_shared>> -> memref<10240x128xf32, #tpu.memory_space<vmem_shared>>
    tpu.wait_indirect_dma semaphore(%arg15 : memref<!tpu.dma_semaphore, #tpu.memory_space<semaphore_mem>>) src(%arg10 : memref<128x128xf32, #tpu.memory_space<vmem>>) dst(%dma_wait3A_123 : memref<10240x128xf32, #tpu.memory_space<vmem_shared>>)
    %barrier3A_124 = arith.constant 0 : index
    tpu.barrier barrier_id(%barrier3A_124)
    %mul3A_125 = arith.constant 640 : i32
    %mul3A_126 = arith.muli %arg1, %mul3A_125 : i32
    %mul3A_127 = arith.constant 640 : i32
    %mul3A_128 = arith.muli %arg1, %mul3A_127 : i32
    "tpu.region"() ({
      %run_scoped3A = tpu.sem_alloc : memref<!tpu.dma_semaphore, #tpu.memory_space<semaphore_mem>>
      %dma_start3A_129 = arith.constant 0 : i32
      %dma_start3A_130 = tpu.memref_slice %arg6[%arg0, %mul3A_128, %dma_start3A_129] : memref<2x10240x128xf32, #tpu.memory_space<hbm>> -> memref<1x640x128xf32, #tpu.memory_space<hbm>>
      %dma_start3A_131 = tpu.memref_squeeze %dma_start3A_130 : memref<1x640x128xf32, #tpu.memory_space<hbm>> -> memref<640x128xf32, #tpu.memory_space<hbm>>
      %dma_start3A_132 = arith.constant 0 : i32
      %dma_start3A_133 = tpu.memref_slice %arg11[%mul3A_126, %dma_start3A_132] : memref<10240x128xf32, #tpu.memory_space<vmem_shared>> -> memref<640x128xf32, #tpu.memory_space<vmem_shared>>
      tpu.enqueue_dma source(%dma_start3A_133 : memref<640x128xf32, #tpu.memory_space<vmem_shared>>) target(%dma_start3A_131 : memref<640x128xf32, #tpu.memory_space<hbm>>) target_semaphore(%run_scoped3A : memref<!tpu.dma_semaphore, #tpu.memory_space<semaphore_mem>>)
      %dma_wait3A_134 = arith.constant 0 : i32
      %dma_wait3A_135 = tpu.memref_slice %arg6[%arg0, %mul3A_128, %dma_wait3A_134] : memref<2x10240x128xf32, #tpu.memory_space<hbm>> -> memref<1x640x128xf32, #tpu.memory_space<hbm>>
      %dma_wait3A_136 = tpu.memref_squeeze %dma_wait3A_135 : memref<1x640x128xf32, #tpu.memory_space<hbm>> -> memref<640x128xf32, #tpu.memory_space<hbm>>
      %dma_wait3A_137 = arith.constant 0 : i32
      %dma_wait3A_138 = tpu.memref_slice %arg11[%mul3A_126, %dma_wait3A_137] : memref<10240x128xf32, #tpu.memory_space<vmem_shared>> -> memref<640x128xf32, #tpu.memory_space<vmem_shared>>
      tpu.wait_dma2 semaphore(%run_scoped3A : memref<!tpu.dma_semaphore, #tpu.memory_space<semaphore_mem>>) src(%dma_wait3A_138 : memref<640x128xf32, #tpu.memory_space<vmem_shared>>) dst(%dma_wait3A_136 : memref<640x128xf32, #tpu.memory_space<hbm>>)
      tpu.yield
    }) : () -> ()
    return
  }
}

module attributes {stable_mosaic.version = 14 : i64} {
  func.func @_tc_mm_body(%arg0: i32, %arg1: memref<2560x128xf32, #tpu.memory_space<vmem>>, %arg2: memref<128x128xf32, #tpu.memory_space<vmem>>, %arg3: memref<2560x128xf32, #tpu.memory_space<vmem>>) attributes {dimension_semantics = [#tpu.dimension_semantics<arbitrary>], iteration_bounds = array<i64: 4>, scalar_prefetch = 0 : i64, scratch_operands = 0 : i64, tpu.core_type = #tpu.core_type<tc>, window_params = [{transform_indices = @transform_0, window_bounds = array<i64: 2560, 128>}, {pipeline_mode = #tpu.pipeline_mode<synchronous>, transform_indices = @transform_1, window_bounds = array<i64: 128, 128>}, {transform_indices = @transform_2, window_bounds = array<i64: 2560, 128>}]} {
    %get3A = arith.constant 0 : index
    %get3A_0 = arith.constant 0 : index
    %get3A_1 = vector.load %arg1[%get3A, %get3A_0] : memref<2560x128xf32, #tpu.memory_space<vmem>>, vector<2560x128xf32>
    %get3A_2 = arith.constant 0 : index
    %get3A_3 = arith.constant 0 : index
    %get3A_4 = vector.load %arg2[%get3A_2, %get3A_3] : memref<128x128xf32, #tpu.memory_space<vmem>>, vector<128x128xf32>
    %dot_general3A = arith.constant dense<0.000000e+00> : vector<2560x128xf32>
    %dot_general3A_5 = tpu.matmul %get3A_1, %get3A_4, %dot_general3A {dimension_numbers = #tpu.dot_dimension_numbers<[1], [0], [0], [1], [0, 0, 1, 1], [], []>, transpose_lhs_hint = false} : vector<2560x128xf32>, vector<128x128xf32>, vector<2560x128xf32> -> vector<2560x128xf32>
    %swap3A = arith.constant 0 : index
    %swap3A_6 = arith.constant 0 : index
    %swap3A_7 = vector.load %arg3[%swap3A, %swap3A_6] : memref<2560x128xf32, #tpu.memory_space<vmem>>, vector<2560x128xf32>
    tpu.vector_store %arg3[%swap3A, %swap3A_6], %dot_general3A_5 {strides = array<i32>} : memref<2560x128xf32, #tpu.memory_space<vmem>>, vector<2560x128xf32>,
    return
  }
  func.func @transform_0(%arg0: i32) -> (i32, i32) {
    %c0_i32 = arith.constant 0 : i32
    %c0_i32_0 = arith.constant 0 : i32
    return %arg0, %c0_i32 : i32, i32
  }
  func.func @transform_1(%arg0: i32) -> (i32, i32) {
    %c0_i32 = arith.constant 0 : i32
    %c0_i32_0 = arith.constant 0 : i32
    %c0_i32_1 = arith.constant 0 : i32
    return %c0_i32, %c0_i32_0 : i32, i32
  }
  func.func @transform_2(%arg0: i32) -> (i32, i32) {
    %c0_i32 = arith.constant 0 : i32
    %c0_i32_0 = arith.constant 0 : i32
    return %arg0, %c0_i32 : i32, i32
  }
}

module attributes {stable_mosaic.version = 14 : i64} {
  func.func @_tc_first_body(%arg0: i32, %arg1: memref<2560x128xf32, #tpu.memory_space<vmem>>, %arg2: memref<2x2560x128xf32, #tpu.memory_space<vmem>>, %arg3: memref<2560x128xf32, #tpu.memory_space<vmem>>, %arg4: memref<2560x1xf32, #tpu.memory_space<vmem>>) attributes {dimension_semantics = [#tpu.dimension_semantics<arbitrary>], iteration_bounds = array<i64: 4>, scalar_prefetch = 0 : i64, scratch_operands = 0 : i64, tpu.core_type = #tpu.core_type<tc>, window_params = [{transform_indices = @transform_0, window_bounds = array<i64: 2560, 128>}, {transform_indices = @transform_1, window_bounds = array<i64: 2, 2560, 128>}, {transform_indices = @transform_2, window_bounds = array<i64: 2560, 128>}, {transform_indices = @transform_3, window_bounds = array<i64: 2560, 1>}]} {
    %get3A = arith.constant 0 : index
    %get3A_0 = arith.constant 0 : index
    %get3A_1 = arith.constant 0 : index
    %get3A_2 = vector.load %arg2[%get3A, %get3A_0, %get3A_1] : memref<2x2560x128xf32, #tpu.memory_space<vmem>>, vector<1x2560x1xf32>
    %get3A_3 = vector.shape_cast %get3A_2 : vector<1x2560x1xf32> to vector<2560x1xf32>
    %get3A_4 = arith.constant 1 : index
    %get3A_5 = arith.constant 0 : index
    %get3A_6 = arith.constant 0 : index
    %get3A_7 = vector.load %arg2[%get3A_4, %get3A_5, %get3A_6] : memref<2x2560x128xf32, #tpu.memory_space<vmem>>, vector<1x2560x1xf32>
    %get3A_8 = vector.shape_cast %get3A_7 : vector<1x2560x1xf32> to vector<2560x1xf32>
    %add3A = arith.addf %get3A_3, %get3A_8 : vector<2560x1xf32>
    %add3A_9 = arith.constant 1.000000e+00 : f32
    %add3A_10 = vector.broadcast %add3A_9 : f32 to vector<2560x1xf32>
    %add3A_11 = arith.addf %add3A, %add3A_10 : vector<2560x1xf32>
    %rsqrt3A = math.rsqrt %add3A_11 : vector<2560x1xf32>
    %swap3A = arith.constant 0 : index
    %swap3A_12 = arith.constant 0 : index
    %swap3A_13 = vector.load %arg4[%swap3A, %swap3A_12] : memref<2560x1xf32, #tpu.memory_space<vmem>>, vector<2560x1xf32>
    tpu.vector_store %arg4[%swap3A, %swap3A_12], %rsqrt3A {strides = array<i32>} : memref<2560x1xf32, #tpu.memory_space<vmem>>, vector<2560x1xf32>,
    %get3A_14 = arith.constant 0 : index
    %get3A_15 = arith.constant 0 : index
    %get3A_16 = vector.load %arg1[%get3A_14, %get3A_15] : memref<2560x128xf32, #tpu.memory_space<vmem>>, vector<2560x128xf32>
    %mul3A = vector.broadcast %rsqrt3A : vector<2560x1xf32> to vector<2560x128xf32>
    %mul3A_17 = arith.mulf %mul3A, %get3A_16 : vector<2560x128xf32>
    %swap3A_18 = arith.constant 0 : index
    %swap3A_19 = arith.constant 0 : index
    %swap3A_20 = vector.load %arg3[%swap3A_18, %swap3A_19] : memref<2560x128xf32, #tpu.memory_space<vmem>>, vector<2560x128xf32>
    tpu.vector_store %arg3[%swap3A_18, %swap3A_19], %mul3A_17 {strides = array<i32>} : memref<2560x128xf32, #tpu.memory_space<vmem>>, vector<2560x128xf32>,
    return
  }
  func.func @transform_0(%arg0: i32) -> (i32, i32) {
    %c0_i32 = arith.constant 0 : i32
    %c0_i32_0 = arith.constant 0 : i32
    return %arg0, %c0_i32 : i32, i32
  }
  func.func @transform_1(%arg0: i32) -> (i32, i32, i32) {
    %c0_i32 = arith.constant 0 : i32
    %c0_i32_0 = arith.constant 0 : i32
    %c0_i32_1 = arith.constant 0 : i32
    return %c0_i32, %arg0, %c0_i32_0 : i32, i32, i32
  }
  func.func @transform_2(%arg0: i32) -> (i32, i32) {
    %c0_i32 = arith.constant 0 : i32
    %c0_i32_0 = arith.constant 0 : i32
    return %arg0, %c0_i32 : i32, i32
  }
  func.func @transform_3(%arg0: i32) -> (i32, i32) {
    %c0_i32 = arith.constant 0 : i32
    %c0_i32_0 = arith.constant 0 : i32
    return %arg0, %c0_i32 : i32, i32
  }
}

module attributes {stable_mosaic.version = 14 : i64} {
  func.func @_tc_mid_body(%arg0: i32, %arg1: memref<2x2560x128xf32, #tpu.memory_space<vmem>>, %arg2: memref<2560x128xf32, #tpu.memory_space<vmem>>, %arg3: memref<2560x1xf32, #tpu.memory_space<vmem>>, %arg4: memref<128x128xf32, #tpu.memory_space<vmem>>, %arg5: memref<1x128xf32, #tpu.memory_space<vmem>>, %arg6: memref<2560x128xf32, #tpu.memory_space<vmem>>) attributes {dimension_semantics = [#tpu.dimension_semantics<arbitrary>], iteration_bounds = array<i64: 4>, scalar_prefetch = 0 : i64, scratch_operands = 0 : i64, tpu.core_type = #tpu.core_type<tc>, window_params = [{transform_indices = @transform_0, window_bounds = array<i64: 2, 2560, 128>}, {transform_indices = @transform_1, window_bounds = array<i64: 2560, 128>}, {transform_indices = @transform_2, window_bounds = array<i64: 2560, 1>}, {pipeline_mode = #tpu.pipeline_mode<synchronous>, transform_indices = @transform_3, window_bounds = array<i64: 128, 128>}, {pipeline_mode = #tpu.pipeline_mode<synchronous>, transform_indices = @transform_4, window_bounds = array<i64: 1, 128>}, {transform_indices = @transform_5, window_bounds = array<i64: 2560, 128>}]} {
    %get3A = arith.constant 0 : index
    %get3A_0 = arith.constant 0 : index
    %get3A_1 = vector.load %arg3[%get3A, %get3A_0] : memref<2560x1xf32, #tpu.memory_space<vmem>>, vector<2560x1xf32>
    %get3A_2 = arith.constant 0 : index
    %get3A_3 = arith.constant 0 : index
    %get3A_4 = arith.constant 0 : index
    %get3A_5 = vector.load %arg1[%get3A_2, %get3A_3, %get3A_4] : memref<2x2560x128xf32, #tpu.memory_space<vmem>>, vector<1x2560x128xf32>
    %get3A_6 = vector.shape_cast %get3A_5 : vector<1x2560x128xf32> to vector<2560x128xf32>
    %get3A_7 = arith.constant 1 : index
    %get3A_8 = arith.constant 0 : index
    %get3A_9 = arith.constant 0 : index
    %get3A_10 = vector.load %arg1[%get3A_7, %get3A_8, %get3A_9] : memref<2x2560x128xf32, #tpu.memory_space<vmem>>, vector<1x2560x128xf32>
    %get3A_11 = vector.shape_cast %get3A_10 : vector<1x2560x128xf32> to vector<2560x128xf32>
    %add3A = arith.addf %get3A_6, %get3A_11 : vector<2560x128xf32>
    %get3A_12 = arith.constant 0 : index
    %get3A_13 = arith.constant 0 : index
    %get3A_14 = vector.load %arg2[%get3A_12, %get3A_13] : memref<2560x128xf32, #tpu.memory_space<vmem>>, vector<2560x128xf32>
    %add3A_15 = arith.addf %add3A, %get3A_14 : vector<2560x128xf32>
    %mul3A = vector.broadcast %get3A_1 : vector<2560x1xf32> to vector<2560x128xf32>
    %mul3A_16 = arith.mulf %mul3A, %add3A_15 : vector<2560x128xf32>
    %get3A_17 = arith.constant 0 : index
    %get3A_18 = arith.constant 0 : index
    %get3A_19 = vector.load %arg5[%get3A_17, %get3A_18] : memref<1x128xf32, #tpu.memory_space<vmem>>, vector<1x128xf32>
    %add3A_20 = vector.broadcast %get3A_19 : vector<1x128xf32> to vector<2560x128xf32>
    %add3A_21 = arith.addf %mul3A_16, %add3A_20 : vector<2560x128xf32>
    %max3A = arith.constant 0.000000e+00 : f32
    %max3A_22 = vector.broadcast %max3A : f32 to vector<2560x128xf32>
    %max3A_23 = arith.maximumf %add3A_21, %max3A_22 : vector<2560x128xf32>
    %get3A_24 = arith.constant 0 : index
    %get3A_25 = arith.constant 0 : index
    %get3A_26 = vector.load %arg4[%get3A_24, %get3A_25] : memref<128x128xf32, #tpu.memory_space<vmem>>, vector<128x128xf32>
    %dot_general3A = arith.constant dense<0.000000e+00> : vector<2560x128xf32>
    %dot_general3A_27 = tpu.matmul %max3A_23, %get3A_26, %dot_general3A {dimension_numbers = #tpu.dot_dimension_numbers<[1], [0], [0], [1], [0, 0, 1, 1], [], []>, transpose_lhs_hint = false} : vector<2560x128xf32>, vector<128x128xf32>, vector<2560x128xf32> -> vector<2560x128xf32>
    %mul3A_28 = vector.broadcast %get3A_1 : vector<2560x1xf32> to vector<2560x128xf32>
    %mul3A_29 = arith.mulf %mul3A_28, %dot_general3A_27 : vector<2560x128xf32>
    %swap3A = arith.constant 0 : index
    %swap3A_30 = arith.constant 0 : index
    %swap3A_31 = vector.load %arg6[%swap3A, %swap3A_30] : memref<2560x128xf32, #tpu.memory_space<vmem>>, vector<2560x128xf32>
    tpu.vector_store %arg6[%swap3A, %swap3A_30], %mul3A_29 {strides = array<i32>} : memref<2560x128xf32, #tpu.memory_space<vmem>>, vector<2560x128xf32>,
    return
  }
  func.func @transform_0(%arg0: i32) -> (i32, i32, i32) {
    %c0_i32 = arith.constant 0 : i32
    %c0_i32_0 = arith.constant 0 : i32
    %c0_i32_1 = arith.constant 0 : i32
    return %c0_i32, %arg0, %c0_i32_0 : i32, i32, i32
  }
  func.func @transform_1(%arg0: i32) -> (i32, i32) {
    %c0_i32 = arith.constant 0 : i32
    %c0_i32_0 = arith.constant 0 : i32
    return %arg0, %c0_i32 : i32, i32
  }
  func.func @transform_2(%arg0: i32) -> (i32, i32) {
    %c0_i32 = arith.constant 0 : i32
    %c0_i32_0 = arith.constant 0 : i32
    return %arg0, %c0_i32 : i32, i32
  }
  func.func @transform_3(%arg0: i32) -> (i32, i32) {
    %c0_i32 = arith.constant 0 : i32
    %c0_i32_0 = arith.constant 0 : i32
    %c0_i32_1 = arith.constant 0 : i32
    return %c0_i32, %c0_i32_0 : i32, i32
  }
  func.func @transform_4(%arg0: i32) -> (i32, i32) {
    %c0_i32 = arith.constant 0 : i32
    %c0_i32_0 = arith.constant 0 : i32
    %c0_i32_1 = arith.constant 0 : i32
    return %c0_i32, %c0_i32_0 : i32, i32
  }
  func.func @transform_5(%arg0: i32) -> (i32, i32) {
    %c0_i32 = arith.constant 0 : i32
    %c0_i32_0 = arith.constant 0 : i32
    return %arg0, %c0_i32 : i32, i32
  }
}

module attributes {stable_mosaic.version = 14 : i64} {
  func.func @_tc_last_body(%arg0: i32, %arg1: memref<2x2000x128xf32, #tpu.memory_space<vmem>>, %arg2: memref<2000x128xf32, #tpu.memory_space<vmem>>, %arg3: memref<2000x1xf32, #tpu.memory_space<vmem>>, %arg4: memref<1x128xf32, #tpu.memory_space<vmem>>, %arg5: memref<2000x128xf32, #tpu.memory_space<vmem>>) attributes {dimension_semantics = [#tpu.dimension_semantics<arbitrary>], iteration_bounds = array<i64: 5>, scalar_prefetch = 0 : i64, scratch_operands = 0 : i64, tpu.core_type = #tpu.core_type<tc>, window_params = [{transform_indices = @transform_0, window_bounds = array<i64: 2, 2000, 128>}, {transform_indices = @transform_1, window_bounds = array<i64: 2000, 128>}, {transform_indices = @transform_2, window_bounds = array<i64: 2000, 1>}, {pipeline_mode = #tpu.pipeline_mode<synchronous>, transform_indices = @transform_3, window_bounds = array<i64: 1, 128>}, {transform_indices = @transform_4, window_bounds = array<i64: 2000, 128>}]} {
    %get3A = arith.constant 0 : index
    %get3A_0 = arith.constant 0 : index
    %get3A_1 = vector.load %arg3[%get3A, %get3A_0] : memref<2000x1xf32, #tpu.memory_space<vmem>>, vector<2000x1xf32>
    %get3A_2 = arith.constant 0 : index
    %get3A_3 = arith.constant 0 : index
    %get3A_4 = arith.constant 0 : index
    %get3A_5 = vector.load %arg1[%get3A_2, %get3A_3, %get3A_4] : memref<2x2000x128xf32, #tpu.memory_space<vmem>>, vector<1x2000x128xf32>
    %get3A_6 = vector.shape_cast %get3A_5 : vector<1x2000x128xf32> to vector<2000x128xf32>
    %get3A_7 = arith.constant 1 : index
    %get3A_8 = arith.constant 0 : index
    %get3A_9 = arith.constant 0 : index
    %get3A_10 = vector.load %arg1[%get3A_7, %get3A_8, %get3A_9] : memref<2x2000x128xf32, #tpu.memory_space<vmem>>, vector<1x2000x128xf32>
    %get3A_11 = vector.shape_cast %get3A_10 : vector<1x2000x128xf32> to vector<2000x128xf32>
    %add3A = arith.addf %get3A_6, %get3A_11 : vector<2000x128xf32>
    %get3A_12 = arith.constant 0 : index
    %get3A_13 = arith.constant 0 : index
    %get3A_14 = vector.load %arg2[%get3A_12, %get3A_13] : memref<2000x128xf32, #tpu.memory_space<vmem>>, vector<2000x128xf32>
    %add3A_15 = arith.addf %add3A, %get3A_14 : vector<2000x128xf32>
    %mul3A = vector.broadcast %get3A_1 : vector<2000x1xf32> to vector<2000x128xf32>
    %mul3A_16 = arith.mulf %mul3A, %add3A_15 : vector<2000x128xf32>
    %get3A_17 = arith.constant 0 : index
    %get3A_18 = arith.constant 0 : index
    %get3A_19 = vector.load %arg4[%get3A_17, %get3A_18] : memref<1x128xf32, #tpu.memory_space<vmem>>, vector<1x128xf32>
    %add3A_20 = vector.broadcast %get3A_19 : vector<1x128xf32> to vector<2000x128xf32>
    %add3A_21 = arith.addf %mul3A_16, %add3A_20 : vector<2000x128xf32>
    %swap3A = arith.constant 0 : index
    %swap3A_22 = arith.constant 0 : index
    %swap3A_23 = vector.load %arg5[%swap3A, %swap3A_22] : memref<2000x128xf32, #tpu.memory_space<vmem>>, vector<2000x128xf32>
    tpu.vector_store %arg5[%swap3A, %swap3A_22], %add3A_21 {strides = array<i32>} : memref<2000x128xf32, #tpu.memory_space<vmem>>, vector<2000x128xf32>,
    return
  }
  func.func @transform_0(%arg0: i32) -> (i32, i32, i32) {
    %c0_i32 = arith.constant 0 : i32
    %c0_i32_0 = arith.constant 0 : i32
    %c0_i32_1 = arith.constant 0 : i32
    return %c0_i32, %arg0, %c0_i32_0 : i32, i32, i32
  }
  func.func @transform_1(%arg0: i32) -> (i32, i32) {
    %c0_i32 = arith.constant 0 : i32
    %c0_i32_0 = arith.constant 0 : i32
    return %arg0, %c0_i32 : i32, i32
  }
  func.func @transform_2(%arg0: i32) -> (i32, i32) {
    %c0_i32 = arith.constant 0 : i32
    %c0_i32_0 = arith.constant 0 : i32
    return %arg0, %c0_i32 : i32, i32
  }
  func.func @transform_3(%arg0: i32) -> (i32, i32) {
    %c0_i32 = arith.constant 0 : i32
    %c0_i32_0 = arith.constant 0 : i32
    %c0_i32_1 = arith.constant 0 : i32
    return %c0_i32, %c0_i32_0 : i32, i32
  }
  func.func @transform_4(%arg0: i32) -> (i32, i32) {
    %c0_i32 = arith.constant 0 : i32
    %c0_i32_0 = arith.constant 0 : i32
    return %arg0, %c0_i32 : i32, i32
  }
}

</mosaic_0001>

<sc_bundles>
// kernel: kernel.11.cloned.1.call-start
scs
__scs_entry_jumppad:
0x0: {  	(pc) =	sbr.rel $0x88, $3  }
0x1: {  	(tag) =	ssettag $0x0;
	lr =	simm.s32 $0x1  }
0x2: {  	[smem:$0x3F99] =	sst lr;
	_ =	strace $0xD0000000  }
0x3: {  	_ = 	snop  }
0x4: {  	_ = 	snop  }
0x5: {  	_ = 	snop  }
0x6: {  	_ = 	snop  }
0x7: {  	_ = 	snop  }
__scs_overlays_trampoline_lowered:
0x8: {  	[smem:$0x3FA8] =	sst s0  }
0x9: {  	[smem:$0x3FA9] =	sst s1  }
0xa: {  	[smem:$0x3FAA] =	sst s2  }
0xb: {  	[smem:$0x3FAB] =	sst s3  }
0xc: {  	[smem:$0x3FAC] =	sst s4  }
0xd: {  	[smem:$0x3FAD] =	sst s5  }
0xe: {  	[smem:$0x3FAE] =	sst s6  }
0xf: {  	[smem:$0x3FAF] =	sst s7  }
0x10: {  	[smem:$0x3FB0] =	sst s8  }
0x11: {  	[smem:$0x3FB1] =	sst s9;
	s0 =	simm.s32 @!p0 $0x0  }
0x12: {  	s1 =	sld [smem:$0x3F97];
	s0 =	simm.s32 @p0 $0x1  }
0x13: {  	[smem:$0x3FB2] =	sst s0;
	s0 =	simm.s32 @!p1 $0x0  }
0x14: {  	s2 =	sld [smem:$0x3F96];
	s0 =	simm.s32 @p1 $0x1  }
0x15: {  	[smem:$0x3FB3] =	sst s0;
	s0 =	simm.s32 @!p2 $0x0  }
0x16: {  	s3 =	sld [smem:$0x3FDB];
	s0 =	simm.s32 @p2 $0x1  }
0x17: {  	s4 =	simm.s32 $0x1BF5;
	[smem:$0x3FB5] =	sst s0  }
0x18: {  	s0 =	sld [smem:$0x3F98];
	_ =	swait.ge [sflag:s4], $0x0  }
0x19: {  	s7 =	sld [smem:$0x3F99]  }
0x1a: {  	s8 =	sadd.s32 $0xFFFFE003, lr  }
0x1b: {  	s9 =	sadd.s32 $0xFFFFFEF7, lr;
	s5 =	simm.s32 $0xFFFFFFFF;
	p2 =	slt.u32 s8, $0xFFFFF086  }
0x1c: {  	p1 =	slt.u32 s9, $0xF7A;
	s5 =	simm.s32 @!p2 $0x0  }
0x1d: {  	s5 =	simm.s32 @p1 $0x1;
	p0 =	seq.s32 s7, s2  }
0x1e: {  	s7 =	smul.u32 @!p0 $0xF7A, s2;
	p2 =	seq.s32 @!p0 s5, $0x0  }
0x1f: {  	s9 =	smul.u32 $0xF7A, s1;
	s8 =	simm.s32 @!p0 $0x1BF5;
	p2 =	por !p2, p0  }
0x20: {  	[sflag:s8] =	ssyncset.s32 @!p0 $0xFFFFF086;
	s6 =	sadd.s32 @!p0 s3, s7;
	s7 =	simm.s32 @!p0 $0x108  }
0x21: {  	s3 =	sadd.s32 s3, s9;
	s6 =	sadd.s32 @!p0 $0x88, s6;
	s7 =	simm.s32 @p2 $0x1082  }
0x22: {  	[simem:s7], [sflag:s8] =	dma.local @!p0 [hbm:s6], $0xF7A  }
0x23: {  	s9 =	sor.u32 $0xD0000000, s2;
	s6 =	simm.s32 $0x108;
	_ =	swait.ge @!p0 [sflag:s8], $0x0  }
0x24: {  	s3 =	sadd.s32 $0x88, s3;
	s6 =	simm.s32 @!p1 $0x1082;
	[sflag:s4] =	ssyncset.s32 $0xFFFFF086  }
0x25: {  	[simem:s6], [sflag:s4] =	dma.local [hbm:s3], $0xF7A  }
0x26: {  	[smem:$0x3F99] =	sst s1;
	(tag) =	ssettag s2;
	_ =	strace s9  }
0x27: {  	s1 =	sld [smem:$0x3FA9]  }
0x28: {  	s2 =	sld [smem:$0x3FAA]  }
0x29: {  	s4 =	sld [smem:$0x3FAC]  }
0x2a: {  	p0 =	seq.s32 s5, $0x0;
	s5 =	sld [smem:$0x3FAD]  }
0x2b: {  	s6 =	sld [smem:$0x3FAE]  }
0x2c: {  	s7 =	sld [smem:$0x3FAF]  }
0x2d: {  	s3 =	simm.s32 $0x108;
	s8 =	sld [smem:$0x3FB0]  }
0x2e: {  	s3 =	simm.s32 @!p0 $0x1082;
	s9 =	sld [smem:$0x3FB1]  }
0x2f: {  	lr =	sadd.s32 s0, s3;
	s0 =	sld [smem:$0x3FA8]  }
0x30: {  	s3 =	sld [smem:$0x3FAB]  }
0x31: {  	[smem:$0x3FB4] =	sst s10  }
0x32: {  	s10 =	sld [smem:$0x3FB2];
	_ =	sdelay $0x3  }
0x33: {  	p0 =	seq.s32 s10, $0x1;
	s10 =	sld [smem:$0x3FB4];
	_ =	sdelay $0x3  }
0x34: {  	[smem:$0x3FB4] =	sst s10  }
0x35: {  	s10 =	sld [smem:$0x3FB3];
	_ =	sdelay $0x3  }
0x36: {  	p1 =	seq.s32 s10, $0x1;
	s10 =	sld [smem:$0x3FB4];
	_ =	sdelay $0x3  }
0x37: {  	[smem:$0x3FB4] =	sst s10  }
0x38: {  	s10 =	sld [smem:$0x3FB5]  }
0x39: {  	_ = 	snop;
	(pc) =	sbr.ind lr, $3  }
0x3a: {  	_ = 	snop  }
0x3b: {  	_ = 	snop  }
0x3c: {  	p2 =	seq.s32 s10, $0x1;
	s10 =	sld [smem:$0x3FB4]  }
0x3d: {  	_ =	shalt  }
0x3e: {  	_ =	shalt  }
0x3f: {  	_ =	shalt  }
0x40: {  	_ =	shalt  }
0x41: {  	_ =	shalt  }
0x42: {  	_ =	shalt  }
0x43: {  	_ =	shalt  }
0x44: {  	_ =	shalt  }
0x45: {  	_ =	shalt  }
0x46: {  	_ =	shalt  }
0x47: {  	_ =	shalt  }
0x48: {  	_ =	shalt  }
0x49: {  	_ =	shalt  }
0x4a: {  	_ =	shalt  }
0x4b: {  	_ =	shalt  }
0x4c: {  	_ =	shalt  }
0x4d: {  	_ =	shalt  }
0x4e: {  	_ =	shalt  }
0x4f: {  	_ =	shalt  }
0x50: {  	_ =	shalt  }
0x51: {  	_ =	shalt  }
0x52: {  	_ =	shalt  }
0x53: {  	_ =	shalt  }
0x54: {  	_ =	shalt  }
0x55: {  	_ =	shalt  }
0x56: {  	_ =	shalt  }
0x57: {  	_ =	shalt  }
0x58: {  	_ =	shalt  }
0x59: {  	_ =	shalt  }
0x5a: {  	_ =	shalt  }
0x5b: {  	_ =	shalt  }
0x5c: {  	_ =	shalt  }
0x5d: {  	_ =	shalt  }
0x5e: {  	_ =	shalt  }
0x5f: {  	_ =	shalt  }
0x60: {  	_ =	shalt  }
0x61: {  	_ =	shalt  }
0x62: {  	_ =	shalt  }
0x63: {  	_ =	shalt  }
0x64: {  	_ =	shalt  }
0x65: {  	_ =	shalt  }
0x66: {  	_ =	shalt  }
0x67: {  	_ =	shalt  }
0x68: {  	_ =	shalt  }
0x69: {  	_ =	shalt  }
0x6a: {  	_ =	shalt  }
0x6b: {  	_ =	shalt  }
0x6c: {  	_ =	shalt  }
0x6d: {  	_ =	shalt  }
0x6e: {  	_ =	shalt  }
0x6f: {  	_ =	shalt  }
0x70: {  	_ =	shalt  }
0x71: {  	_ =	shalt  }
0x72: {  	_ =	shalt  }
0x73: {  	_ =	shalt  }
0x74: {  	_ =	shalt  }
0x75: {  	_ =	shalt  }
0x76: {  	_ =	shalt  }
0x77: {  	_ =	shalt  }
0x78: {  	_ =	shalt  }
0x79: {  	_ =	shalt  }
0x7a: {  	_ =	shalt  }
0x7b: {  	_ =	shalt  }
0x7c: {  	_ =	shalt  }
0x7d: {  	_ =	shalt  }
0x7e: {  	_ =	shalt  }
0x7f: {  	_ =	shalt  }
0x80: {  	_ =	shalt  }
0x81: {  	_ =	shalt  }
0x82: {  	_ =	shalt  }
0x83: {  	_ =	shalt  }
0x84: {  	_ =	shalt  }
0x85: {  	_ =	shalt  }
0x86: {  	_ =	shalt  }
0x87: {  	_ =	shalt  }
.Lfunc_end0:
.L_simem_size_0:
called_computation_lowered:
.L_overlay_start_0:
0x88: {  	s2 =	sld [smem:$0x3FD9]  }
0x89: {  	s3 =	sld [smem:$0x3FFE];
	_ =	sdelay $0x1  }
0x8a: {  	s1 =	srdreg.scid  }
0x8b: {  	s0 =	sand.u32 $0x1, s1  }
0x8c: {  	s16 =	sshll.u32 s0, $0xA;
	s2 =	sadd.s32 s3, s2  }
0x8d: {  	s2 =	sadd.s32 s2, s16  }
0x8e: {  	[smem:$0x3FC0] =	sst s2  }
0x8f: {  	_ = 	snop  }
0x90: {  	(tm) =	ssettm $0x1  }
0x91: {  	s17 =	sld [smem:$0x3FFB];
	_ =	sdelay $0x3  }
0x92: {  	_ =	strace s17  }
0x93: {  	s2 =	sld [smem:$0x3FFC];
	_ =	sdelay $0x3  }
0x94: {  	_ =	strace s2  }
0x95: {  	s2 =	sld [smem:$0x3FFD];
	_ =	sdelay $0x3  }
0x96: {  	_ =	strace s2  }
0x97: {  	_ =	strace $0x8FFFFFFF  }
0x98: {  	s18 =	sld [smem:$0x3FDB];
	_ =	sdelay $0x1  }
0x99: {  	s19 =	simm.s32 $_scs_section_size  }
0x9a: {  	s4 =	simm.s32 $_size__tile_overlayer_lowered;
	s5 =	simm.s32 $_tile_overlayer_lowered  }
0x9b: {  	s22 =	simm.s32 $0x1BFF;
	s21 =	sshll.u32 s5, $0x1;
	s2 =	sadd.s32 s19, s18  }
0x9c: {  	s6 =	simm.s32 $0x0;
	s20 =	sshll.u32 s4, $0x1;
	s4 =	sadd.s32 s21, s2  }
0x9d: {  	[timem:s6], [sflag:s22] =	dma.local [hbm:s4], s20  }
0x9e: {  	_ =	swait.ge [sflag:s22], s20  }
0x9f: {  	s3 =	ssub.s32 $0x0, s20;
	[sflag:s22] =	ssyncset.done $0x0  }
0xa0: {  	[sflag:s22] =	ssyncadd.s32 s3;
	_ =	sdelay $0x1  }
0xa1: {  	s23 =	simm.s32 $0x1B8B  }
0xa2: {  	_ =	swait.ge [sflag:s23], $0x1  }
0xa3: {  	[sflag:s23] =	ssyncset.done $0x0  }
0xa4: {  	s25 =	simm.s32 $0x1B8E;
	s24 =	sld [smem:$0x3FFE];
	[sflag:s23] =	ssyncadd.s32 $0xFFFFFFFF  }
0xa5: {  	s26 =	simm.s32 $execute0_lowered;
	[smem:$0x3FD2] =	sst s25  }
0xa6: {  	s4 =	sshll.u32 s26, $0x1;
	_ =	strace $0x80000046;
	[dreg:$0x1] =	wrdreg $0xFFFFFFFF  }
0xa7: {  	s28 =	simm.s32 $_size_execute0_lowered;
	s2 =	sadd.s32 s2, s4;
	[dreg:$0x0] =	wrdreg $0x0  }
0xa8: {  	s4 =	sshll.u32 s28, $0x1;
	[dreg:$0x2] =	wrdreg s2  }
0xa9: {  	[dreg:$0x3] =	wrdreg s4  }
0xaa: {  	[dreg:$0x4] =	wrdreg $0xC0  }
0xab: {  	_ =	task [dreg:s6], $0x5FFFF  }
0xac: {  	[dreg:$0x1] =	wrdreg $0xFFFFFFFF  }
0xad: {  	[dreg:$0x0] =	wrdreg $0x60  }
0xae: {  	[dreg:$0x2] =	wrdreg s24  }
0xaf: {  	[dreg:$0x3] =	wrdreg $0x68000  }
0xb0: {  	[dreg:$0x4] =	wrdreg $0x9  }
0xb1: {  	_ =	task.clear_ibuf [dreg:s6], $0x5FFFF;
	_ =	strace $0x90000046  }
0xb2: {  	s29 =	simm.s32 $0x9;
	_ =	strace $0x80000048  }
0xb3: {  	_ =	swait.ge [sflag:s29], $0x1  }
0xb4: {  	[sflag:s29] =	ssyncadd.s32 $0xFFFFFFFF  }
0xb5: {  	_ =	strace $0x90000048  }
0xb6: {  	_ =	sfence  }
0xb7: {  	s30 =	sld [smem:$0x0];
	_ =	sdelay $0x2  }
0xb8: {  	s31 =	sshll.u32 s1, $0xD;
	s1 =	sshrl.u32 s1, $0x2  }
0xb9: {  	s3 =	sand.u32 $0x4000, s31;
	s1 =	sadd.s32 s1, s30  }
0xba: {  	s0 =	sor.u32 s3, s0;
	s1 =	sshll.u32 s1, $0x11  }
0xbb: {  	s0 =	sor.u32 s1, s0  }
0xbc: {  	s0 =	sadd.s32 $0x8F2B, s0  }
0xbd: {  	[sflag:s0] =	ssyncadd.remote.s32 $0x1  }
0xbe: {  	_ =	sfence.sel $0xFFFF  }
0xbf: {  	[dreg:$0x0] =	wrdreg $0xFFFFFFFF;
	(pc) =	sbr.abs _section_cstart, $3  }
0xc0: {  	[dreg:$0x1] =	wrdreg $0xFFFFFFFF  }
0xc1: {  	_ =	task.clear_ibuf [dreg:s6], $0x2FFFF;
	_ =	strace $0x9FFFFFFF  }
0xc2: {  	(tm) =	ssettm $0x7FFFFFFF  }
0xc3: {  	_ =	shalt  }
tec
execute0_lowered:
.L_overlay_start_1:
0x0: {  	(tag) =	ssettag $0x1  }
0x1: {  	s7 =	rddreg [dreg:$0x0]  }
0x2: {  	s0 =	srdreg.scid;
	s2 =	rddreg [dreg:$0x1]  }
0x3: {  	s3 =	simm.s32 $0x0;
	s13 =	simm.s32 $0x80;
	s6 =	sand.u32 $0x1, s0  }
0x4: {  	s14 =	simm.s32 $0x0;
	s0 =	stileid.u32;
	s5 =	smul.u32 $0x140000, s6  }
0x5: {  	[smem:$0x7FF] =	sst s3;
	s1 =	sshll.u32 s6, $0x4;
	s8 =	smul.u32 $0x14000, s0  }
0x6: {  	s10 =	smul.u32 $0x50000, s0;
	s6 =	ssub.s32 $0x2, s6;
	s11 =	sshll.u32 s0, $0x6  }
0x7: {  	s1 =	sor.u32 s0, s1;
	s31 =	sshrl.u32 s6, $0x1;
	s11 =	sor.u32 $0x1C01, s11  }
0x8: {  	s4 =	smul.u32 $0x500, s1;
	s1 =	rddreg [dreg:$0x2];
	_ =	strace $0x80000047  }
0x9: {  	s8 =	sadd.s32 s8, s5;
	s5 =	sadd.s32 $0xDC00, s7;
	s10 =	sshrl.u32 s10, $0x2  }
0xa: {  	s8 =	sshrl.u32 s8, $0x3;
	s12 =	sadd.s32 s10, s2;
	s10 =	simm.s32 $0x2800  }
0xb: {  	s9 =	sadd.s32 s4, s7;
	s4 =	sadd.s32 $0xD400, s7;
	s7 =	sadd.s32 s8, s7  }
0xc: {  	s8 =	ssub.s32 s6, s31;
	s12 =	sshrl.u32 s12, $0x3;
	s6 =	sadd.s32 $0x3400, s9  }
0xd: {  	s7 =	sadd.s32 $0x10400, s7;
	s8 =	smax.u32 s8, $0x1;
	s9 =	simm.s32 $0x1  }
.LBB2_1:
0xe: {  	[tilespmem:s3], [sflag:$0x1] =	stream.linear.gather [hbm4b:s6+s3], $0x2800, $0x38;
	[tilespmem:$0x1A800] =	vst v63  }
0xf: {  	_ =	swait.ge [sflag:s9], $0x2800  }
0x10: {  	[sflag:s9] =	ssyncset.done $0x0  }
0x11: {  	[sflag:s9] =	ssyncadd.s32 $0xFFFFD800  }
0x12: {  	[tilespmem:s10], [sflag:$0x1] =	stream.linear.gather [hbm4b:s4+s3], $0x4000, $0x38;
	[tilespmem:$0x1A800] =	vst v63  }
0x13: {  	_ =	swait.ge [sflag:s9], $0x4000  }
0x14: {  	[sflag:s9] =	ssyncset.done $0x0  }
0x15: {  	[sflag:s9] =	ssyncadd.s32 $0xFFFFC000  }
0x16: {  	[spmem:s12], [sflag:s11] =	dma.local [hbm:s5], $0x2800  }
0x17: {  	_ =	swait.ge [sflag:s9], $0x2800  }
0x18: {  	[sflag:s9] =	ssyncset.done $0x0  }
0x19: {  	[sflag:s9] =	ssyncadd.s32 $0xFFFFD800  }
0x1a: {  	s15 =	simm.s32 $0x0;
	[bflag:$0x0] =	sbarrier.arrive $0xFFFF  }
0x1b: {  	[spmem:s2] =	stream.indirect.scatter.add.f32 [tilespmem:s10], [sflag:$0x1], $0x80, s15, s13, $0xb8;
	[tilespmem:$0x1A800] =	vst v63  }
0x1c: {  	_ =	swait.ge [sflag:s9], $0x4000  }
0x1d: {  	s15 =	simm.s32 $0x200;
	[sflag:s9] =	ssyncset.done $0x0  }
.LBB2_2:
0x1e: {  	s16 =	sshra.s32 s15, $0x2;
	[sflag:s9] =	ssyncadd.s32 $0xFFFFC000;
	p0 =	sne.s32 s15, $0x9E00  }
0x1f: {  	[spmem:s2] =	stream.indirect.scatter.add.f32 [tilespmem:s10], [sflag:$0x1], $0x80, s16, s13, $0xb8;
	[tilespmem:$0x1A800] =	vst v63  }
.Ltmp0:
0x20: {  	_ = 	snop;
	(pc) =	sbr.rel @p0 .LBB2_2-.Ltmp0, $4  }
0x21: {  	_ = 	snop  }
0x22: {  	s15 =	sadd.s32 $0x200, s15  }
0x23: {  	_ =	swait.ge [sflag:s9], $0x4000  }
0x24: {  	[sflag:s9] =	ssyncset.done $0x0  }
0x25: {  	s14 =	sadd.s32 $0x1, s14  }
0x26: {  	[sflag:s9] =	ssyncadd.s32 $0xFFFFC000;
	p0 =	sne.s32 s14, s8  }
.Ltmp1:
0x27: {  	[bflag:$0x0] =	sbarrier.arrive $0xFFFF;
	(pc) =	sbr.rel @p0 .LBB2_1-.Ltmp1, $4  }
0x28: {  	[hbm:s7], [sflag:s11] =	dma.local [spmem:s12], $0x2800  }
0x29: {  	_ =	swait.ge [sflag:s9], $0x2800  }
0x2a: {  	[sflag:s9] =	ssyncset.done $0x0  }
0x2b: {  	[sflag:s9] =	ssyncadd.s32 $0xFFFFD800  }
0x2c: {  	_ =	sfence.sel $0x180000  }
0x2d: {  	[bflag:$0x0] =	sbarrier.arrive $0xFFFF  }
0x2e: {  	p0 =	sne.s32 s0, $0x0;
	_ =	strace $0x90000047  }
0x2f: {  	s0 =	sadd.s32 @!p0 $0x100000, s1;
	[bflag:$0x2] =	sbarrier.arrive $0xFFFF  }
0x30: {  	[sflag:s0] =	ssyncadd.tile.s32 @!p0 $0x1;
	_ =	shalt  }
.Lfunc_end2:
_tile_overlayer_lowered:
.L_overlay_start_2:
0x31: {  	(tag) =	ssettag $0x2  }
0x32: {  	s0 =	rddreg [dreg:$0x0];
	s2 =	stileid.u32  }
0x33: {  	s1 =	rddreg [dreg:$0x1];
	p0 =	sne.s32 s2, $0x0  }
0x34: {  	s3 =	rddreg [dreg:$0x2];
	[bflag:$0x3] =	sbarrier.arrive $0xFFFF;
	s2 =	simm.s32 @!p0 $0x1C01  }
0x35: {  	[timem:s3], [sflag:s2] =	dma.local @!p0 [hbm:s0], s1  }
0x36: {  	s0 =	simm.s32 @!p0 $0x1  }
0x37: {  	_ =	swait.ge @!p0 [sflag:s0], s1  }
0x38: {  	s1 =	ssub.s32 @!p0 $0x0, s1;
	[sflag:s0] =	ssyncset.done @!p0 $0x0  }
0x39: {  	[sflag:s0] =	ssyncadd.s32 @!p0 s1  }
0x3a: {  	[bflag:$0x3] =	sbarrier.arrive $0xFFFF  }
0x3b: {  	_ =	shalt  }

// kernel: kernel.14.cloned.1.call-start
scs
__scs_entry_jumppad:
0x0: {  	(pc) =	sbr.rel $0x88, $3  }
0x1: {  	(tag) =	ssettag $0x0;
	lr =	simm.s32 $0x1  }
0x2: {  	[smem:$0x3F99] =	sst lr;
	_ =	strace $0xD0000000  }
0x3: {  	_ = 	snop  }
0x4: {  	_ = 	snop  }
0x5: {  	_ = 	snop  }
0x6: {  	_ = 	snop  }
0x7: {  	_ = 	snop  }
__scs_overlays_trampoline_lowered:
0x8: {  	[smem:$0x3FA8] =	sst s0  }
0x9: {  	[smem:$0x3FA9] =	sst s1  }
0xa: {  	[smem:$0x3FAA] =	sst s2  }
0xb: {  	[smem:$0x3FAB] =	sst s3  }
0xc: {  	[smem:$0x3FAC] =	sst s4  }
0xd: {  	[smem:$0x3FAD] =	sst s5  }
0xe: {  	[smem:$0x3FAE] =	sst s6  }
0xf: {  	[smem:$0x3FAF] =	sst s7  }
0x10: {  	[smem:$0x3FB0] =	sst s8  }
0x11: {  	[smem:$0x3FB1] =	sst s9;
	s0 =	simm.s32 @!p0 $0x0  }
0x12: {  	s1 =	sld [smem:$0x3F97];
	s0 =	simm.s32 @p0 $0x1  }
0x13: {  	[smem:$0x3FB2] =	sst s0;
	s0 =	simm.s32 @!p1 $0x0  }
0x14: {  	s2 =	sld [smem:$0x3F96];
	s0 =	simm.s32 @p1 $0x1  }
0x15: {  	[smem:$0x3FB3] =	sst s0;
	s0 =	simm.s32 @!p2 $0x0  }
0x16: {  	s3 =	sld [smem:$0x3FDB];
	s0 =	simm.s32 @p2 $0x1  }
0x17: {  	s4 =	simm.s32 $0x1BF5;
	[smem:$0x3FB5] =	sst s0  }
0x18: {  	s0 =	sld [smem:$0x3F98];
	_ =	swait.ge [sflag:s4], $0x0  }
0x19: {  	s7 =	sld [smem:$0x3F99]  }
0x1a: {  	s8 =	sadd.s32 $0xFFFFE003, lr  }
0x1b: {  	s9 =	sadd.s32 $0xFFFFFEF7, lr;
	s5 =	simm.s32 $0xFFFFFFFF;
	p2 =	slt.u32 s8, $0xFFFFF086  }
0x1c: {  	p1 =	slt.u32 s9, $0xF7A;
	s5 =	simm.s32 @!p2 $0x0  }
0x1d: {  	s5 =	simm.s32 @p1 $0x1;
	p0 =	seq.s32 s7, s2  }
0x1e: {  	s7 =	smul.u32 @!p0 $0xF7A, s2;
	p2 =	seq.s32 @!p0 s5, $0x0  }
0x1f: {  	s9 =	smul.u32 $0xF7A, s1;
	s8 =	simm.s32 @!p0 $0x1BF5;
	p2 =	por !p2, p0  }
0x20: {  	[sflag:s8] =	ssyncset.s32 @!p0 $0xFFFFF086;
	s6 =	sadd.s32 @!p0 s3, s7;
	s7 =	simm.s32 @!p0 $0x108  }
0x21: {  	s3 =	sadd.s32 s3, s9;
	s6 =	sadd.s32 @!p0 $0x88, s6;
	s7 =	simm.s32 @p2 $0x1082  }
0x22: {  	[simem:s7], [sflag:s8] =	dma.local @!p0 [hbm:s6], $0xF7A  }
0x23: {  	s9 =	sor.u32 $0xD0000000, s2;
	s6 =	simm.s32 $0x108;
	_ =	swait.ge @!p0 [sflag:s8], $0x0  }
0x24: {  	s3 =	sadd.s32 $0x88, s3;
	s6 =	simm.s32 @!p1 $0x1082;
	[sflag:s4] =	ssyncset.s32 $0xFFFFF086  }
0x25: {  	[simem:s6], [sflag:s4] =	dma.local [hbm:s3], $0xF7A  }
0x26: {  	[smem:$0x3F99] =	sst s1;
	(tag) =	ssettag s2;
	_ =	strace s9  }
0x27: {  	s1 =	sld [smem:$0x3FA9]  }
0x28: {  	s2 =	sld [smem:$0x3FAA]  }
0x29: {  	s4 =	sld [smem:$0x3FAC]  }
0x2a: {  	p0 =	seq.s32 s5, $0x0;
	s5 =	sld [smem:$0x3FAD]  }
0x2b: {  	s6 =	sld [smem:$0x3FAE]  }
0x2c: {  	s7 =	sld [smem:$0x3FAF]  }
0x2d: {  	s3 =	simm.s32 $0x108;
	s8 =	sld [smem:$0x3FB0]  }
0x2e: {  	s3 =	simm.s32 @!p0 $0x1082;
	s9 =	sld [smem:$0x3FB1]  }
0x2f: {  	lr =	sadd.s32 s0, s3;
	s0 =	sld [smem:$0x3FA8]  }
0x30: {  	s3 =	sld [smem:$0x3FAB]  }
0x31: {  	[smem:$0x3FB4] =	sst s10  }
0x32: {  	s10 =	sld [smem:$0x3FB2];
	_ =	sdelay $0x3  }
0x33: {  	p0 =	seq.s32 s10, $0x1;
	s10 =	sld [smem:$0x3FB4];
	_ =	sdelay $0x3  }
0x34: {  	[smem:$0x3FB4] =	sst s10  }
0x35: {  	s10 =	sld [smem:$0x3FB3];
	_ =	sdelay $0x3  }
0x36: {  	p1 =	seq.s32 s10, $0x1;
	s10 =	sld [smem:$0x3FB4];
	_ =	sdelay $0x3  }
0x37: {  	[smem:$0x3FB4] =	sst s10  }
0x38: {  	s10 =	sld [smem:$0x3FB5]  }
0x39: {  	_ = 	snop;
	(pc) =	sbr.ind lr, $3  }
0x3a: {  	_ = 	snop  }
0x3b: {  	_ = 	snop  }
0x3c: {  	p2 =	seq.s32 s10, $0x1;
	s10 =	sld [smem:$0x3FB4]  }
0x3d: {  	_ =	shalt  }
0x3e: {  	_ =	shalt  }
0x3f: {  	_ =	shalt  }
0x40: {  	_ =	shalt  }
0x41: {  	_ =	shalt  }
0x42: {  	_ =	shalt  }
0x43: {  	_ =	shalt  }
0x44: {  	_ =	shalt  }
0x45: {  	_ =	shalt  }
0x46: {  	_ =	shalt  }
0x47: {  	_ =	shalt  }
0x48: {  	_ =	shalt  }
0x49: {  	_ =	shalt  }
0x4a: {  	_ =	shalt  }
0x4b: {  	_ =	shalt  }
0x4c: {  	_ =	shalt  }
0x4d: {  	_ =	shalt  }
0x4e: {  	_ =	shalt  }
0x4f: {  	_ =	shalt  }
0x50: {  	_ =	shalt  }
0x51: {  	_ =	shalt  }
0x52: {  	_ =	shalt  }
0x53: {  	_ =	shalt  }
0x54: {  	_ =	shalt  }
0x55: {  	_ =	shalt  }
0x56: {  	_ =	shalt  }
0x57: {  	_ =	shalt  }
0x58: {  	_ =	shalt  }
0x59: {  	_ =	shalt  }
0x5a: {  	_ =	shalt  }
0x5b: {  	_ =	shalt  }
0x5c: {  	_ =	shalt  }
0x5d: {  	_ =	shalt  }
0x5e: {  	_ =	shalt  }
0x5f: {  	_ =	shalt  }
0x60: {  	_ =	shalt  }
0x61: {  	_ =	shalt  }
0x62: {  	_ =	shalt  }
0x63: {  	_ =	shalt  }
0x64: {  	_ =	shalt  }
0x65: {  	_ =	shalt  }
0x66: {  	_ =	shalt  }
0x67: {  	_ =	shalt  }
0x68: {  	_ =	shalt  }
0x69: {  	_ =	shalt  }
0x6a: {  	_ =	shalt  }
0x6b: {  	_ =	shalt  }
0x6c: {  	_ =	shalt  }
0x6d: {  	_ =	shalt  }
0x6e: {  	_ =	shalt  }
0x6f: {  	_ =	shalt  }
0x70: {  	_ =	shalt  }
0x71: {  	_ =	shalt  }
0x72: {  	_ =	shalt  }
0x73: {  	_ =	shalt  }
0x74: {  	_ =	shalt  }
0x75: {  	_ =	shalt  }
0x76: {  	_ =	shalt  }
0x77: {  	_ =	shalt  }
0x78: {  	_ =	shalt  }
0x79: {  	_ =	shalt  }
0x7a: {  	_ =	shalt  }
0x7b: {  	_ =	shalt  }
0x7c: {  	_ =	shalt  }
0x7d: {  	_ =	shalt  }
0x7e: {  	_ =	shalt  }
0x7f: {  	_ =	shalt  }
0x80: {  	_ =	shalt  }
0x81: {  	_ =	shalt  }
0x82: {  	_ =	shalt  }
0x83: {  	_ =	shalt  }
0x84: {  	_ =	shalt  }
0x85: {  	_ =	shalt  }
0x86: {  	_ =	shalt  }
0x87: {  	_ =	shalt  }
.Lfunc_end0:
.L_simem_size_0:
called_computation.1_lowered:
.L_overlay_start_0:
0x88: {  	s2 =	sld [smem:$0x3FD9]  }
0x89: {  	s3 =	sld [smem:$0x3FFE];
	_ =	sdelay $0x1  }
0x8a: {  	s1 =	srdreg.scid  }
0x8b: {  	s0 =	sand.u32 $0x1, s1  }
0x8c: {  	s17 =	sshll.u32 s0, $0xA;
	s2 =	sadd.s32 s3, s2  }
0x8d: {  	s2 =	sadd.s32 s2, s17  }
0x8e: {  	[smem:$0x3FC0] =	sst s2  }
0x8f: {  	_ = 	snop  }
0x90: {  	s2 =	sld [smem:$0x3FD0];
	(tm) =	ssettm $0x1  }
0x91: {  	s18 =	sld [smem:$0x3FFB];
	_ =	sdelay $0x3  }
0x92: {  	_ =	strace s18  }
0x93: {  	s3 =	sld [smem:$0x3FFC];
	_ =	sdelay $0x3  }
0x94: {  	_ =	strace s3  }
0x95: {  	s3 =	sld [smem:$0x3FFD];
	_ =	sdelay $0x3  }
0x96: {  	_ =	strace s3  }
0x97: {  	_ =	strace $0x8FFFFFFF  }
0x98: {  	s19 =	sld [smem:$0x3FDB];
	_ =	sdelay $0x1  }
0x99: {  	s4 =	simm.s32 $_scs_section_size  }
0x9a: {  	s5 =	simm.s32 $_size__tile_overlayer_lowered;
	s6 =	simm.s32 $_tile_overlayer_lowered  }
0x9b: {  	s22 =	simm.s32 $0x1BFF;
	s21 =	sshll.u32 s6, $0x1;
	s3 =	sadd.s32 s4, s19  }
0x9c: {  	s7 =	simm.s32 $0x0;
	s20 =	sshll.u32 s5, $0x1;
	s5 =	sadd.s32 s21, s3  }
0x9d: {  	[timem:s7], [sflag:s22] =	dma.local [hbm:s5], s20  }
0x9e: {  	_ =	swait.ge [sflag:s22], s20  }
0x9f: {  	s4 =	ssub.s32 $0x0, s20;
	[sflag:s22] =	ssyncset.done $0x0  }
0xa0: {  	[sflag:s22] =	ssyncadd.s32 s4;
	_ =	sdelay $0x1  }
0xa1: {  	s23 =	simm.s32 $0x1B8B  }
0xa2: {  	_ =	swait.ge [sflag:s23], $0x1  }
0xa3: {  	[sflag:s23] =	ssyncset.done $0x0  }
0xa4: {  	s25 =	simm.s32 $0x1B8E;
	s24 =	sld [smem:$0x3FFE];
	[sflag:s23] =	ssyncadd.s32 $0xFFFFFFFF  }
0xa5: {  	s26 =	simm.s32 $execute0_lowered;
	[smem:$0x3FD2] =	sst s25  }
0xa6: {  	s5 =	sshll.u32 s26, $0x1;
	_ =	strace $0x80000049;
	[dreg:$0x1] =	wrdreg $0xFFFFFFFF  }
0xa7: {  	s28 =	simm.s32 $_size_execute0_lowered;
	s3 =	sadd.s32 s3, s5;
	[dreg:$0x0] =	wrdreg $0x0  }
0xa8: {  	s5 =	sshll.u32 s28, $0x1;
	[dreg:$0x2] =	wrdreg s3  }
0xa9: {  	[dreg:$0x3] =	wrdreg s5  }
0xaa: {  	[dreg:$0x4] =	wrdreg $0xC0  }
0xab: {  	_ =	task [dreg:s7], $0x5FFFF  }
0xac: {  	[dreg:$0x1] =	wrdreg $0xFFFFFFFF  }
0xad: {  	[dreg:$0x0] =	wrdreg $0x60  }
0xae: {  	[dreg:$0x2] =	wrdreg s24  }
0xaf: {  	[dreg:$0x3] =	wrdreg s2  }
0xb0: {  	[dreg:$0x4] =	wrdreg $0xA8000  }
0xb1: {  	[dreg:$0x5] =	wrdreg $0x9  }
0xb2: {  	_ =	task.clear_ibuf [dreg:s7], $0x6FFFF;
	_ =	strace $0x90000049  }
0xb3: {  	s29 =	simm.s32 $0x9;
	_ =	strace $0x8000004B  }
0xb4: {  	_ =	swait.ge [sflag:s29], $0x1  }
0xb5: {  	[sflag:s29] =	ssyncadd.s32 $0xFFFFFFFF  }
0xb6: {  	_ =	strace $0x9000004B  }
0xb7: {  	_ =	sfence  }
0xb8: {  	s30 =	sld [smem:$0x0];
	_ =	sdelay $0x2  }
0xb9: {  	s31 =	sshll.u32 s1, $0xD;
	s1 =	sshrl.u32 s1, $0x2  }
0xba: {  	s3 =	sand.u32 $0x4000, s31;
	s1 =	sadd.s32 s1, s30  }
0xbb: {  	s0 =	sor.u32 s3, s0;
	s1 =	sshll.u32 s1, $0x11  }
0xbc: {  	s0 =	sor.u32 s1, s0  }
0xbd: {  	s0 =	sadd.s32 $0x8F2B, s0  }
0xbe: {  	[sflag:s0] =	ssyncadd.remote.s32 $0x1  }
0xbf: {  	_ =	sfence.sel $0xFFFF  }
0xc0: {  	[dreg:$0x0] =	wrdreg $0xFFFFFFFF;
	(pc) =	sbr.abs _section_cstart, $3  }
0xc1: {  	[dreg:$0x1] =	wrdreg $0xFFFFFFFF  }
0xc2: {  	_ =	task.clear_ibuf [dreg:s7], $0x2FFFF;
	_ =	strace $0x9FFFFFFF  }
0xc3: {  	(tm) =	ssettm $0x7FFFFFFF  }
tec
execute0_lowered:
.L_overlay_start_1:
0x0: {  	(tag) =	ssettag $0x1  }
0x1: {  	s6 =	rddreg [dreg:$0x0]  }
0x2: {  	s9 =	rddreg [dreg:$0x1]  }
0x3: {  	s1 =	rddreg [dreg:$0x2];
	s2 =	srdreg.scid  }
0x4: {  	s0 =	rddreg [dreg:$0x3];
	s3 =	simm.s32 $0x0;
	s15 =	simm.s32 $0x1400  }
0x5: {  	s16 =	simm.s32 $0x80;
	s17 =	simm.s32 $0x2800;
	s18 =	simm.s32 $0x1  }
0x6: {  	s19 =	simm.s32 $0x6800;
	s20 =	simm.s32 $0x2;
	s21 =	simm.s32 $0x3  }
0x7: {  	s22 =	simm.s32 $0x4;
	s5 =	sand.u32 $0x1, s2;
	s2 =	stileid.u32  }
0x8: {  	[smem:$0x7FF] =	sst s3;
	s4 =	sadd.s32 $0x10400, s6;
	s7 =	smul.u32 $0x140000, s5  }
0x9: {  	s10 =	sadd.s32 $0x3400, s6;
	s8 =	smul.u32 $0x14000, s2;
	_ =	strace $0x8000004A  }
0xa: {  	s23 =	sshll.u32 s5, $0x4;
	s11 =	ssub.s32 $0x2, s5;
	s25 =	smul.u32 $0x50000, s2  }
0xb: {  	s5 =	sadd.s32 $0xDC00, s6;
	s28 =	sshll.u32 s2, $0x6;
	s24 =	sor.u32 s2, s23  }
0xc: {  	s12 =	sshrl.u32 s11, $0x1;
	s23 =	simm.s32 $0x2780;
	s7 =	sadd.s32 s8, s7  }
0xd: {  	s13 =	smul.u32 $0x2800, s24;
	s12 =	ssub.s32 s11, s12;
	s26 =	sshrl.u32 s25, $0x2  }
0xe: {  	s24 =	simm.s32 $0x0;
	s7 =	sshrl.u32 s7, $0x3;
	s30 =	sadd.s32 s26, s1  }
0xf: {  	s12 =	smax.u32 s12, $0x1;
	s14 =	sadd.s32 s7, s6;
	s29 =	sshrl.u32 s13, $0x3  }
0x10: {  	s6 =	sor.u32 $0x1C05, s28;
	s13 =	sshrl.u32 s30, $0x3;
	s31 =	sadd.s32 $0x280, s29  }
0x11: {  	s7 =	sadd.s32 s9, s29;
	s8 =	sadd.s32 s10, s29;
	s11 =	sadd.s32 $0x38400, s14  }
0x12: {  	s14 =	simm.s32 $0x5;
	s9 =	sadd.s32 s9, s31;
	s10 =	sadd.s32 s10, s31  }
.LBB2_1:
0x13: {  	[spmem:s13], [sflag:s6] =	dma.local [hbm:s5], $0x2800  }
0x14: {  	_ =	swait.ge [sflag:s14], $0x2800  }
0x15: {  	[sflag:s14] =	ssyncset.done $0x0  }
0x16: {  	[sflag:s14] =	ssyncadd.s32 $0xFFFFD800  }
0x17: {  	[bflag:$0x0] =	sbarrier.arrive $0xFFFF  }
0x18: {  	[tilespmem:s3], [sflag:$0x5] =	stream.linear.gather [hbm4b:s7+s3], $0x1400, $0x38;
	[tilespmem:$0x1E800] =	vst v63  }
0x19: {  	_ =	swait.ge [sflag:s14], $0x1400  }
0x1a: {  	[sflag:s14] =	ssyncset.done $0x0  }
0x1b: {  	[sflag:s14] =	ssyncadd.s32 $0xFFFFEC00  }
0x1c: {  	[tilespmem:s15], [sflag:$0x5] =	stream.linear.gather [hbm4b:s8+s3], $0x1400, $0x38;
	[tilespmem:$0x1E800] =	vst v63  }
0x1d: {  	_ =	swait.ge [sflag:s14], $0x1400  }
0x1e: {  	[sflag:s14] =	ssyncset.done $0x0  }
0x1f: {  	[sflag:s14] =	ssyncadd.s32 $0xFFFFEC00  }
0x20: {  	[tilespmem:s17], [sflag:$0x1] =	stream.indirect.gather [hbm4b:s4+s16], $0x80, s3, s16, $0xb8;
	[tilespmem:$0x1E800] =	vst v63  }
0x21: {  	_ =	swait.ge [sflag:s18], $0x4000  }
0x22: {  	[sflag:s18] =	ssyncset.done $0x0  }
0x23: {  	[sflag:s18] =	ssyncadd.s32 $0xFFFFC000  }
0x24: {  	[spmem:s1] =	stream.indirect.scatter.add.f32 [tilespmem:s17], [sflag:$0x3], $0x80, s15, s16, $0xb8;
	[tilespmem:$0x1E800] =	vst v63  }
0x25: {  	_ = 	snop  }
0x26: {  	[tilespmem:s19], [sflag:$0x2] =	stream.indirect.gather [hbm4b:s4+s16], $0x80, s16, s16, $0xb8;
	[tilespmem:$0x1E800] =	vst v63  }
0x27: {  	_ =	swait.ge [sflag:s20], $0x4000  }
0x28: {  	[sflag:s20] =	ssyncset.done $0x0  }
0x29: {  	s25 =	simm.s32 $0x1480;
	[sflag:s20] =	ssyncadd.s32 $0xFFFFC000  }
0x2a: {  	[spmem:s1] =	stream.indirect.scatter.add.f32 [tilespmem:s19], [sflag:$0x4], $0x80, s25, s16, $0xb8;
	[tilespmem:$0x1E800] =	vst v63  }
0x2b: {  	_ =	swait.ge [sflag:s21], $0x4000  }
0x2c: {  	[sflag:s21] =	ssyncset.done $0x0  }
0x2d: {  	s30 =	simm.s32 $0x100;
	[sflag:s21] =	ssyncadd.s32 $0xFFFFC000  }
0x2e: {  	[tilespmem:s17], [sflag:$0x1] =	stream.indirect.gather [hbm4b:s4+s16], $0x80, s30, s16, $0xb8;
	[tilespmem:$0x1E800] =	vst v63  }
0x2f: {  	_ =	swait.ge [sflag:s18], $0x4000  }
0x30: {  	[sflag:s18] =	ssyncset.done $0x0  }
0x31: {  	s31 =	simm.s32 $0x1500;
	[sflag:s18] =	ssyncadd.s32 $0xFFFFC000  }
0x32: {  	[spmem:s1] =	stream.indirect.scatter.add.f32 [tilespmem:s17], [sflag:$0x3], $0x80, s31, s16, $0xb8;
	[tilespmem:$0x1E800] =	vst v63  }
0x33: {  	_ =	swait.ge [sflag:s22], $0x4000  }
0x34: {  	[sflag:s22] =	ssyncset.done $0x0  }
0x35: {  	s26 =	simm.s32 $0x180;
	s25 =	simm.s32 $0xFFFFB800;
	[sflag:s22] =	ssyncadd.s32 $0xFFFFC000  }
.LBB2_2:
0x36: {  	[tilespmem:s19], [sflag:$0x2] =	stream.indirect.gather [hbm4b:s4+s16], $0x80, s26, s16, $0xb8;
	[tilespmem:$0x1E800] =	vst v63  }
0x37: {  	s26 =	smov.u32 s25  }
0x38: {  	p0 =	sne.s32 s25, $0xFFFFFC00;
	s25 =	sadd.s32 $0x400, s25;
	_ =	swait.ge [sflag:s20], $0x4000  }
0x39: {  	s26 =	sshra.s32 s26, $0x2;
	[sflag:s20] =	ssyncset.done $0x0  }
0x3a: {  	s28 =	sadd.s32 $0x2780, s26;
	[sflag:s20] =	ssyncadd.s32 $0xFFFFC000  }
0x3b: {  	[spmem:s1] =	stream.indirect.scatter.add.f32 [tilespmem:s19], [sflag:$0x4], $0x80, s28, s16, $0xb8;
	[tilespmem:$0x1E800] =	vst v63  }
0x3c: {  	_ =	swait.ge [sflag:s21], $0x4000  }
0x3d: {  	[sflag:s21] =	ssyncset.done $0x0  }
0x3e: {  	s28 =	sadd.s32 $0x1400, s26;
	[sflag:s21] =	ssyncadd.s32 $0xFFFFC000  }
0x3f: {  	[tilespmem:s17], [sflag:$0x1] =	stream.indirect.gather [hbm4b:s4+s16], $0x80, s28, s16, $0xb8;
	[tilespmem:$0x1E800] =	vst v63  }
0x40: {  	_ =	swait.ge [sflag:s18], $0x4000  }
0x41: {  	[sflag:s18] =	ssyncset.done $0x0  }
.Ltmp0:
0x42: {  	s28 =	sadd.s32 $0x2800, s26;
	[sflag:s18] =	ssyncadd.s32 $0xFFFFC000;
	(pc) =	sbr.rel @p0 .LBB2_2-.Ltmp0, $4  }
0x43: {  	[spmem:s1] =	stream.indirect.scatter.add.f32 [tilespmem:s17], [sflag:$0x3], $0x80, s28, s16, $0xb8;
	[tilespmem:$0x1E800] =	vst v63  }
0x44: {  	_ =	swait.ge [sflag:s22], $0x4000  }
0x45: {  	[sflag:s22] =	ssyncset.done $0x0  }
0x46: {  	s26 =	sadd.s32 $0x1480, s26;
	[sflag:s22] =	ssyncadd.s32 $0xFFFFC000  }
0x47: {  	[tilespmem:s19], [sflag:$0x2] =	stream.indirect.gather [hbm4b:s4+s16], $0x80, s26, s16, $0xb8;
	[tilespmem:$0x1E800] =	vst v63  }
0x48: {  	_ =	swait.ge [sflag:s20], $0x4000  }
0x49: {  	[sflag:s20] =	ssyncset.done $0x0  }
0x4a: {  	[sflag:s20] =	ssyncadd.s32 $0xFFFFC000  }
0x4b: {  	[spmem:s1] =	stream.indirect.scatter.add.f32 [tilespmem:s19], [sflag:$0x4], $0x80, s23, s16, $0xb8;
	[tilespmem:$0x1E800] =	vst v63  }
0x4c: {  	_ =	swait.ge [sflag:s21], $0x4000  }
0x4d: {  	[sflag:s21] =	ssyncset.done $0x0  }
0x4e: {  	[sflag:s21] =	ssyncadd.s32 $0xFFFFC000  }
0x4f: {  	_ =	swait.ge [sflag:s22], $0x4000  }
0x50: {  	[sflag:s22] =	ssyncset.done $0x0  }
0x51: {  	[sflag:s22] =	ssyncadd.s32 $0xFFFFC000  }
0x52: {  	[tilespmem:s3], [sflag:$0x5] =	stream.linear.gather [hbm4b:s9+s3], $0x1400, $0x38;
	[tilespmem:$0x1E800] =	vst v63  }
0x53: {  	_ =	swait.ge [sflag:s14], $0x1400  }
0x54: {  	[sflag:s14] =	ssyncset.done $0x0  }
0x55: {  	[sflag:s14] =	ssyncadd.s32 $0xFFFFEC00  }
0x56: {  	[tilespmem:s15], [sflag:$0x5] =	stream.linear.gather [hbm4b:s10+s3], $0x1400, $0x38;
	[tilespmem:$0x1E800] =	vst v63  }
0x57: {  	_ =	swait.ge [sflag:s14], $0x1400  }
0x58: {  	[sflag:s14] =	ssyncset.done $0x0  }
0x59: {  	[sflag:s14] =	ssyncadd.s32 $0xFFFFEC00  }
0x5a: {  	[tilespmem:s17], [sflag:$0x1] =	stream.indirect.gather [hbm4b:s4+s16], $0x80, s3, s16, $0xb8;
	[tilespmem:$0x1E800] =	vst v63  }
0x5b: {  	_ =	swait.ge [sflag:s18], $0x4000  }
0x5c: {  	[sflag:s18] =	ssyncset.done $0x0  }
0x5d: {  	[sflag:s18] =	ssyncadd.s32 $0xFFFFC000  }
0x5e: {  	[spmem:s1] =	stream.indirect.scatter.add.f32 [tilespmem:s17], [sflag:$0x3], $0x80, s15, s16, $0xb8;
	[tilespmem:$0x1E800] =	vst v63  }
0x5f: {  	_ = 	snop  }
0x60: {  	[tilespmem:s19], [sflag:$0x2] =	stream.indirect.gather [hbm4b:s4+s16], $0x80, s16, s16, $0xb8;
	[tilespmem:$0x1E800] =	vst v63  }
0x61: {  	_ =	swait.ge [sflag:s20], $0x4000  }
0x62: {  	[sflag:s20] =	ssyncset.done $0x0  }
0x63: {  	s25 =	simm.s32 $0x1480;
	[sflag:s20] =	ssyncadd.s32 $0xFFFFC000  }
0x64: {  	[spmem:s1] =	stream.indirect.scatter.add.f32 [tilespmem:s19], [sflag:$0x4], $0x80, s25, s16, $0xb8;
	[tilespmem:$0x1E800] =	vst v63  }
0x65: {  	_ =	swait.ge [sflag:s21], $0x4000  }
0x66: {  	[sflag:s21] =	ssyncset.done $0x0  }
0x67: {  	s30 =	simm.s32 $0x100;
	[sflag:s21] =	ssyncadd.s32 $0xFFFFC000  }
0x68: {  	[tilespmem:s17], [sflag:$0x1] =	stream.indirect.gather [hbm4b:s4+s16], $0x80, s30, s16, $0xb8;
	[tilespmem:$0x1E800] =	vst v63  }
0x69: {  	_ =	swait.ge [sflag:s18], $0x4000  }
0x6a: {  	[sflag:s18] =	ssyncset.done $0x0  }
0x6b: {  	s31 =	simm.s32 $0x1500;
	[sflag:s18] =	ssyncadd.s32 $0xFFFFC000  }
0x6c: {  	[spmem:s1] =	stream.indirect.scatter.add.f32 [tilespmem:s17], [sflag:$0x3], $0x80, s31, s16, $0xb8;
	[tilespmem:$0x1E800] =	vst v63  }
0x6d: {  	_ =	swait.ge [sflag:s22], $0x4000  }
0x6e: {  	[sflag:s22] =	ssyncset.done $0x0  }
0x6f: {  	s26 =	simm.s32 $0x180;
	s25 =	simm.s32 $0xFFFFB800;
	[sflag:s22] =	ssyncadd.s32 $0xFFFFC000  }
.LBB2_4:
0x70: {  	[tilespmem:s19], [sflag:$0x2] =	stream.indirect.gather [hbm4b:s4+s16], $0x80, s26, s16, $0xb8;
	[tilespmem:$0x1E800] =	vst v63  }
0x71: {  	s26 =	smov.u32 s25  }
0x72: {  	p0 =	sne.s32 s25, $0xFFFFFC00;
	s25 =	sadd.s32 $0x400, s25;
	_ =	swait.ge [sflag:s20], $0x4000  }
0x73: {  	s26 =	sshra.s32 s26, $0x2;
	[sflag:s20] =	ssyncset.done $0x0  }
0x74: {  	s28 =	sadd.s32 $0x2780, s26;
	[sflag:s20] =	ssyncadd.s32 $0xFFFFC000  }
0x75: {  	[spmem:s1] =	stream.indirect.scatter.add.f32 [tilespmem:s19], [sflag:$0x4], $0x80, s28, s16, $0xb8;
	[tilespmem:$0x1E800] =	vst v63  }
0x76: {  	_ =	swait.ge [sflag:s21], $0x4000  }
0x77: {  	[sflag:s21] =	ssyncset.done $0x0  }
0x78: {  	s28 =	sadd.s32 $0x1400, s26;
	[sflag:s21] =	ssyncadd.s32 $0xFFFFC000  }
0x79: {  	[tilespmem:s17], [sflag:$0x1] =	stream.indirect.gather [hbm4b:s4+s16], $0x80, s28, s16, $0xb8;
	[tilespmem:$0x1E800] =	vst v63  }
0x7a: {  	_ =	swait.ge [sflag:s18], $0x4000  }
0x7b: {  	[sflag:s18] =	ssyncset.done $0x0  }
.Ltmp1:
0x7c: {  	s28 =	sadd.s32 $0x2800, s26;
	[sflag:s18] =	ssyncadd.s32 $0xFFFFC000;
	(pc) =	sbr.rel @p0 .LBB2_4-.Ltmp1, $4  }
0x7d: {  	[spmem:s1] =	stream.indirect.scatter.add.f32 [tilespmem:s17], [sflag:$0x3], $0x80, s28, s16, $0xb8;
	[tilespmem:$0x1E800] =	vst v63  }
0x7e: {  	_ =	swait.ge [sflag:s22], $0x4000  }
0x7f: {  	[sflag:s22] =	ssyncset.done $0x0  }
0x80: {  	s26 =	sadd.s32 $0x1480, s26;
	[sflag:s22] =	ssyncadd.s32 $0xFFFFC000  }
0x81: {  	[tilespmem:s19], [sflag:$0x2] =	stream.indirect.gather [hbm4b:s4+s16], $0x80, s26, s16, $0xb8;
	[tilespmem:$0x1E800] =	vst v63  }
0x82: {  	_ =	swait.ge [sflag:s20], $0x4000  }
0x83: {  	[sflag:s20] =	ssyncset.done $0x0  }
0x84: {  	[sflag:s20] =	ssyncadd.s32 $0xFFFFC000  }
0x85: {  	[spmem:s1] =	stream.indirect.scatter.add.f32 [tilespmem:s19], [sflag:$0x4], $0x80, s23, s16, $0xb8;
	[tilespmem:$0x1E800] =	vst v63  }
0x86: {  	_ =	swait.ge [sflag:s21], $0x4000  }
0x87: {  	[sflag:s21] =	ssyncset.done $0x0  }
0x88: {  	[sflag:s21] =	ssyncadd.s32 $0xFFFFC000  }
0x89: {  	_ =	swait.ge [sflag:s22], $0x4000  }
0x8a: {  	s24 =	sadd.s32 $0x1, s24;
	[sflag:s22] =	ssyncset.done $0x0  }
0x8b: {  	p0 =	sne.s32 s24, s12;
	[sflag:s22] =	ssyncadd.s32 $0xFFFFC000  }
.Ltmp2:
0x8c: {  	[bflag:$0x0] =	sbarrier.arrive $0xFFFF;
	(pc) =	sbr.rel @p0 .LBB2_1-.Ltmp2, $4  }
0x8d: {  	[hbm:s11], [sflag:s6] =	dma.local [spmem:s13], $0x2800  }
0x8e: {  	_ =	swait.ge [sflag:s14], $0x2800  }
0x8f: {  	[sflag:s14] =	ssyncset.done $0x0  }
0x90: {  	[sflag:s14] =	ssyncadd.s32 $0xFFFFD800  }
0x91: {  	_ =	sfence.sel $0x180000  }
0x92: {  	[bflag:$0x0] =	sbarrier.arrive $0xFFFF  }
0x93: {  	p0 =	sne.s32 s2, $0x0;
	_ =	strace $0x9000004A  }
0x94: {  	s0 =	sadd.s32 @!p0 $0x100000, s0;
	[bflag:$0x2] =	sbarrier.arrive $0xFFFF  }
0x95: {  	[sflag:s0] =	ssyncadd.tile.s32 @!p0 $0x1;
	_ =	shalt  }
.Lfunc_end2:
_tile_overlayer_lowered:
.L_overlay_start_2:
0x96: {  	(tag) =	ssettag $0x2  }
0x97: {  	s0 =	rddreg [dreg:$0x0];
	s2 =	stileid.u32  }
0x98: {  	s1 =	rddreg [dreg:$0x1];
	p0 =	sne.s32 s2, $0x0  }
0x99: {  	s3 =	rddreg [dreg:$0x2];
	[bflag:$0x3] =	sbarrier.arrive $0xFFFF;
	s2 =	simm.s32 @!p0 $0x1C05  }
0x9a: {  	[timem:s3], [sflag:s2] =	dma.local @!p0 [hbm:s0], s1  }
0x9b: {  	s0 =	simm.s32 @!p0 $0x5  }
0x9c: {  	_ =	swait.ge @!p0 [sflag:s0], s1  }
0x9d: {  	s1 =	ssub.s32 @!p0 $0x0, s1;
	[sflag:s0] =	ssyncset.done @!p0 $0x0  }
0x9e: {  	[sflag:s0] =	ssyncadd.s32 @!p0 s1  }
0x9f: {  	[bflag:$0x3] =	sbarrier.arrive $0xFFFF  }
0xa0: {  	_ =	shalt  }

// kernel: kernel.17.cloned.1.call-start
scs
__scs_entry_jumppad:
0x0: {  	(pc) =	sbr.rel $0x88, $3  }
0x1: {  	(tag) =	ssettag $0x0;
	lr =	simm.s32 $0x1  }
0x2: {  	[smem:$0x3F99] =	sst lr;
	_ =	strace $0xD0000000  }
0x3: {  	_ = 	snop  }
0x4: {  	_ = 	snop  }
0x5: {  	_ = 	snop  }
0x6: {  	_ = 	snop  }
0x7: {  	_ = 	snop  }
__scs_overlays_trampoline_lowered:
0x8: {  	[smem:$0x3FA8] =	sst s0  }
0x9: {  	[smem:$0x3FA9] =	sst s1  }
0xa: {  	[smem:$0x3FAA] =	sst s2  }
0xb: {  	[smem:$0x3FAB] =	sst s3  }
0xc: {  	[smem:$0x3FAC] =	sst s4  }
0xd: {  	[smem:$0x3FAD] =	sst s5  }
0xe: {  	[smem:$0x3FAE] =	sst s6  }
0xf: {  	[smem:$0x3FAF] =	sst s7  }
0x10: {  	[smem:$0x3FB0] =	sst s8  }
0x11: {  	[smem:$0x3FB1] =	sst s9;
	s0 =	simm.s32 @!p0 $0x0  }
0x12: {  	s1 =	sld [smem:$0x3F97];
	s0 =	simm.s32 @p0 $0x1  }
0x13: {  	[smem:$0x3FB2] =	sst s0;
	s0 =	simm.s32 @!p1 $0x0  }
0x14: {  	s2 =	sld [smem:$0x3F96];
	s0 =	simm.s32 @p1 $0x1  }
0x15: {  	[smem:$0x3FB3] =	sst s0;
	s0 =	simm.s32 @!p2 $0x0  }
0x16: {  	s3 =	sld [smem:$0x3FDB];
	s0 =	simm.s32 @p2 $0x1  }
0x17: {  	s4 =	simm.s32 $0x1BF5;
	[smem:$0x3FB5] =	sst s0  }
0x18: {  	s0 =	sld [smem:$0x3F98];
	_ =	swait.ge [sflag:s4], $0x0  }
0x19: {  	s7 =	sld [smem:$0x3F99]  }
0x1a: {  	s8 =	sadd.s32 $0xFFFFE003, lr  }
0x1b: {  	s9 =	sadd.s32 $0xFFFFFEF7, lr;
	s5 =	simm.s32 $0xFFFFFFFF;
	p2 =	slt.u32 s8, $0xFFFFF086  }
0x1c: {  	p1 =	slt.u32 s9, $0xF7A;
	s5 =	simm.s32 @!p2 $0x0  }
0x1d: {  	s5 =	simm.s32 @p1 $0x1;
	p0 =	seq.s32 s7, s2  }
0x1e: {  	s7 =	smul.u32 @!p0 $0xF7A, s2;
	p2 =	seq.s32 @!p0 s5, $0x0  }
0x1f: {  	s9 =	smul.u32 $0xF7A, s1;
	s8 =	simm.s32 @!p0 $0x1BF5;
	p2 =	por !p2, p0  }
0x20: {  	[sflag:s8] =	ssyncset.s32 @!p0 $0xFFFFF086;
	s6 =	sadd.s32 @!p0 s3, s7;
	s7 =	simm.s32 @!p0 $0x108  }
0x21: {  	s3 =	sadd.s32 s3, s9;
	s6 =	sadd.s32 @!p0 $0x88, s6;
	s7 =	simm.s32 @p2 $0x1082  }
0x22: {  	[simem:s7], [sflag:s8] =	dma.local @!p0 [hbm:s6], $0xF7A  }
0x23: {  	s9 =	sor.u32 $0xD0000000, s2;
	s6 =	simm.s32 $0x108;
	_ =	swait.ge @!p0 [sflag:s8], $0x0  }
0x24: {  	s3 =	sadd.s32 $0x88, s3;
	s6 =	simm.s32 @!p1 $0x1082;
	[sflag:s4] =	ssyncset.s32 $0xFFFFF086  }
0x25: {  	[simem:s6], [sflag:s4] =	dma.local [hbm:s3], $0xF7A  }
0x26: {  	[smem:$0x3F99] =	sst s1;
	(tag) =	ssettag s2;
	_ =	strace s9  }
0x27: {  	s1 =	sld [smem:$0x3FA9]  }
0x28: {  	s2 =	sld [smem:$0x3FAA]  }
0x29: {  	s4 =	sld [smem:$0x3FAC]  }
0x2a: {  	p0 =	seq.s32 s5, $0x0;
	s5 =	sld [smem:$0x3FAD]  }
0x2b: {  	s6 =	sld [smem:$0x3FAE]  }
0x2c: {  	s7 =	sld [smem:$0x3FAF]  }
0x2d: {  	s3 =	simm.s32 $0x108;
	s8 =	sld [smem:$0x3FB0]  }
0x2e: {  	s3 =	simm.s32 @!p0 $0x1082;
	s9 =	sld [smem:$0x3FB1]  }
0x2f: {  	lr =	sadd.s32 s0, s3;
	s0 =	sld [smem:$0x3FA8]  }
0x30: {  	s3 =	sld [smem:$0x3FAB]  }
0x31: {  	[smem:$0x3FB4] =	sst s10  }
0x32: {  	s10 =	sld [smem:$0x3FB2];
	_ =	sdelay $0x3  }
0x33: {  	p0 =	seq.s32 s10, $0x1;
	s10 =	sld [smem:$0x3FB4];
	_ =	sdelay $0x3  }
0x34: {  	[smem:$0x3FB4] =	sst s10  }
0x35: {  	s10 =	sld [smem:$0x3FB3];
	_ =	sdelay $0x3  }
0x36: {  	p1 =	seq.s32 s10, $0x1;
	s10 =	sld [smem:$0x3FB4];
	_ =	sdelay $0x3  }
0x37: {  	[smem:$0x3FB4] =	sst s10  }
0x38: {  	s10 =	sld [smem:$0x3FB5]  }
0x39: {  	_ = 	snop;
	(pc) =	sbr.ind lr, $3  }
0x3a: {  	_ = 	snop  }
0x3b: {  	_ = 	snop  }
0x3c: {  	p2 =	seq.s32 s10, $0x1;
	s10 =	sld [smem:$0x3FB4]  }
0x3d: {  	_ =	shalt  }
0x3e: {  	_ =	shalt  }
0x3f: {  	_ =	shalt  }
0x40: {  	_ =	shalt  }
0x41: {  	_ =	shalt  }
0x42: {  	_ =	shalt  }
0x43: {  	_ =	shalt  }
0x44: {  	_ =	shalt  }
0x45: {  	_ =	shalt  }
0x46: {  	_ =	shalt  }
0x47: {  	_ =	shalt  }
0x48: {  	_ =	shalt  }
0x49: {  	_ =	shalt  }
0x4a: {  	_ =	shalt  }
0x4b: {  	_ =	shalt  }
0x4c: {  	_ =	shalt  }
0x4d: {  	_ =	shalt  }
0x4e: {  	_ =	shalt  }
0x4f: {  	_ =	shalt  }
0x50: {  	_ =	shalt  }
0x51: {  	_ =	shalt  }
0x52: {  	_ =	shalt  }
0x53: {  	_ =	shalt  }
0x54: {  	_ =	shalt  }
0x55: {  	_ =	shalt  }
0x56: {  	_ =	shalt  }
0x57: {  	_ =	shalt  }
0x58: {  	_ =	shalt  }
0x59: {  	_ =	shalt  }
0x5a: {  	_ =	shalt  }
0x5b: {  	_ =	shalt  }
0x5c: {  	_ =	shalt  }
0x5d: {  	_ =	shalt  }
0x5e: {  	_ =	shalt  }
0x5f: {  	_ =	shalt  }
0x60: {  	_ =	shalt  }
0x61: {  	_ =	shalt  }
0x62: {  	_ =	shalt  }
0x63: {  	_ =	shalt  }
0x64: {  	_ =	shalt  }
0x65: {  	_ =	shalt  }
0x66: {  	_ =	shalt  }
0x67: {  	_ =	shalt  }
0x68: {  	_ =	shalt  }
0x69: {  	_ =	shalt  }
0x6a: {  	_ =	shalt  }
0x6b: {  	_ =	shalt  }
0x6c: {  	_ =	shalt  }
0x6d: {  	_ =	shalt  }
0x6e: {  	_ =	shalt  }
0x6f: {  	_ =	shalt  }
0x70: {  	_ =	shalt  }
0x71: {  	_ =	shalt  }
0x72: {  	_ =	shalt  }
0x73: {  	_ =	shalt  }
0x74: {  	_ =	shalt  }
0x75: {  	_ =	shalt  }
0x76: {  	_ =	shalt  }
0x77: {  	_ =	shalt  }
0x78: {  	_ =	shalt  }
0x79: {  	_ =	shalt  }
0x7a: {  	_ =	shalt  }
0x7b: {  	_ =	shalt  }
0x7c: {  	_ =	shalt  }
0x7d: {  	_ =	shalt  }
0x7e: {  	_ =	shalt  }
0x7f: {  	_ =	shalt  }
0x80: {  	_ =	shalt  }
0x81: {  	_ =	shalt  }
0x82: {  	_ =	shalt  }
0x83: {  	_ =	shalt  }
0x84: {  	_ =	shalt  }
0x85: {  	_ =	shalt  }
0x86: {  	_ =	shalt  }
0x87: {  	_ =	shalt  }
.Lfunc_end0:
.L_simem_size_0:
called_computation.2_lowered:
.L_overlay_start_0:
0x88: {  	s2 =	sld [smem:$0x3FD9]  }
0x89: {  	s3 =	sld [smem:$0x3FFE];
	_ =	sdelay $0x1  }
0x8a: {  	s1 =	srdreg.scid  }
0x8b: {  	s0 =	sand.u32 $0x1, s1  }
0x8c: {  	s17 =	sshll.u32 s0, $0xA;
	s2 =	sadd.s32 s3, s2  }
0x8d: {  	s2 =	sadd.s32 s2, s17  }
0x8e: {  	[smem:$0x3FC0] =	sst s2  }
0x8f: {  	_ = 	snop  }
0x90: {  	s2 =	sld [smem:$0x3FD0];
	(tm) =	ssettm $0x1  }
0x91: {  	s18 =	sld [smem:$0x3FFB];
	_ =	sdelay $0x3  }
0x92: {  	_ =	strace s18  }
0x93: {  	s3 =	sld [smem:$0x3FFC];
	_ =	sdelay $0x3  }
0x94: {  	_ =	strace s3  }
0x95: {  	s3 =	sld [smem:$0x3FFD];
	_ =	sdelay $0x3  }
0x96: {  	_ =	strace s3  }
0x97: {  	_ =	strace $0x8FFFFFFF  }
0x98: {  	s19 =	sld [smem:$0x3FDB];
	_ =	sdelay $0x1  }
0x99: {  	s4 =	simm.s32 $_scs_section_size  }
0x9a: {  	s5 =	simm.s32 $_size__tile_overlayer_lowered;
	s6 =	simm.s32 $_tile_overlayer_lowered  }
0x9b: {  	s22 =	simm.s32 $0x1BFF;
	s21 =	sshll.u32 s6, $0x1;
	s3 =	sadd.s32 s4, s19  }
0x9c: {  	s7 =	simm.s32 $0x0;
	s20 =	sshll.u32 s5, $0x1;
	s5 =	sadd.s32 s21, s3  }
0x9d: {  	[timem:s7], [sflag:s22] =	dma.local [hbm:s5], s20  }
0x9e: {  	_ =	swait.ge [sflag:s22], s20  }
0x9f: {  	s4 =	ssub.s32 $0x0, s20;
	[sflag:s22] =	ssyncset.done $0x0  }
0xa0: {  	[sflag:s22] =	ssyncadd.s32 s4;
	_ =	sdelay $0x1  }
0xa1: {  	s23 =	simm.s32 $0x1B8B  }
0xa2: {  	_ =	swait.ge [sflag:s23], $0x1  }
0xa3: {  	[sflag:s23] =	ssyncset.done $0x0  }
0xa4: {  	s25 =	simm.s32 $0x1B8E;
	s24 =	sld [smem:$0x3FFE];
	[sflag:s23] =	ssyncadd.s32 $0xFFFFFFFF  }
0xa5: {  	s26 =	simm.s32 $execute0_lowered;
	[smem:$0x3FD2] =	sst s25  }
0xa6: {  	s5 =	sshll.u32 s26, $0x1;
	_ =	strace $0x8000004C;
	[dreg:$0x1] =	wrdreg $0xFFFFFFFF  }
0xa7: {  	s28 =	simm.s32 $_size_execute0_lowered;
	s3 =	sadd.s32 s3, s5;
	[dreg:$0x0] =	wrdreg $0x0  }
0xa8: {  	s5 =	sshll.u32 s28, $0x1;
	[dreg:$0x2] =	wrdreg s3  }
0xa9: {  	[dreg:$0x3] =	wrdreg s5  }
0xaa: {  	[dreg:$0x4] =	wrdreg $0xC0  }
0xab: {  	_ =	task [dreg:s7], $0x5FFFF  }
0xac: {  	[dreg:$0x1] =	wrdreg $0xFFFFFFFF  }
0xad: {  	[dreg:$0x0] =	wrdreg $0x60  }
0xae: {  	[dreg:$0x2] =	wrdreg s24  }
0xaf: {  	[dreg:$0x3] =	wrdreg s2  }
0xb0: {  	[dreg:$0x4] =	wrdreg $0xA8000  }
0xb1: {  	[dreg:$0x5] =	wrdreg $0x9  }
0xb2: {  	_ =	task.clear_ibuf [dreg:s7], $0x6FFFF;
	_ =	strace $0x9000004C  }
0xb3: {  	s29 =	simm.s32 $0x9;
	_ =	strace $0x8000004E  }
0xb4: {  	_ =	swait.ge [sflag:s29], $0x1  }
0xb5: {  	[sflag:s29] =	ssyncadd.s32 $0xFFFFFFFF  }
0xb6: {  	_ =	strace $0x9000004E  }
0xb7: {  	_ =	sfence  }
0xb8: {  	s30 =	sld [smem:$0x0];
	_ =	sdelay $0x2  }
0xb9: {  	s31 =	sshll.u32 s1, $0xD;
	s1 =	sshrl.u32 s1, $0x2  }
0xba: {  	s3 =	sand.u32 $0x4000, s31;
	s1 =	sadd.s32 s1, s30  }
0xbb: {  	s0 =	sor.u32 s3, s0;
	s1 =	sshll.u32 s1, $0x11  }
0xbc: {  	s0 =	sor.u32 s1, s0  }
0xbd: {  	s0 =	sadd.s32 $0x8F2B, s0  }
0xbe: {  	[sflag:s0] =	ssyncadd.remote.s32 $0x1  }
0xbf: {  	_ =	sfence.sel $0xFFFF  }
0xc0: {  	[dreg:$0x0] =	wrdreg $0xFFFFFFFF;
	(pc) =	sbr.abs _section_cstart, $3  }
0xc1: {  	[dreg:$0x1] =	wrdreg $0xFFFFFFFF  }
0xc2: {  	_ =	task.clear_ibuf [dreg:s7], $0x2FFFF;
	_ =	strace $0x9FFFFFFF  }
0xc3: {  	(tm) =	ssettm $0x7FFFFFFF  }
tec
execute0_lowered:
.L_overlay_start_1:
0x0: {  	(tag) =	ssettag $0x1  }
0x1: {  	s6 =	rddreg [dreg:$0x0]  }
0x2: {  	s9 =	rddreg [dreg:$0x1]  }
0x3: {  	s1 =	rddreg [dreg:$0x2];
	s2 =	srdreg.scid  }
0x4: {  	s0 =	rddreg [dreg:$0x3];
	s3 =	simm.s32 $0x0;
	s15 =	simm.s32 $0x1400  }
0x5: {  	s16 =	simm.s32 $0x80;
	s17 =	simm.s32 $0x2800;
	s18 =	simm.s32 $0x1  }
0x6: {  	s19 =	simm.s32 $0x6800;
	s20 =	simm.s32 $0x2;
	s21 =	simm.s32 $0x3  }
0x7: {  	s22 =	simm.s32 $0x4;
	s5 =	sand.u32 $0x1, s2;
	s2 =	stileid.u32  }
0x8: {  	[smem:$0x7FF] =	sst s3;
	s4 =	sadd.s32 $0x10400, s6;
	s7 =	smul.u32 $0x140000, s5  }
0x9: {  	s10 =	sadd.s32 $0x3400, s6;
	s8 =	smul.u32 $0x14000, s2;
	_ =	strace $0x8000004D  }
0xa: {  	s23 =	sshll.u32 s5, $0x4;
	s11 =	ssub.s32 $0x2, s5;
	s25 =	smul.u32 $0x50000, s2  }
0xb: {  	s5 =	sadd.s32 $0xDC00, s6;
	s28 =	sshll.u32 s2, $0x6;
	s24 =	sor.u32 s2, s23  }
0xc: {  	s12 =	sshrl.u32 s11, $0x1;
	s23 =	simm.s32 $0x2780;
	s7 =	sadd.s32 s8, s7  }
0xd: {  	s13 =	smul.u32 $0x2800, s24;
	s12 =	ssub.s32 s11, s12;
	s26 =	sshrl.u32 s25, $0x2  }
0xe: {  	s24 =	simm.s32 $0x0;
	s7 =	sshrl.u32 s7, $0x3;
	s30 =	sadd.s32 s26, s1  }
0xf: {  	s12 =	smax.u32 s12, $0x1;
	s14 =	sadd.s32 s7, s6;
	s29 =	sshrl.u32 s13, $0x3  }
0x10: {  	s6 =	sor.u32 $0x1C05, s28;
	s13 =	sshrl.u32 s30, $0x3;
	s31 =	sadd.s32 $0x280, s29  }
0x11: {  	s7 =	sadd.s32 s9, s29;
	s8 =	sadd.s32 s10, s29;
	s11 =	sadd.s32 $0x38400, s14  }
0x12: {  	s14 =	simm.s32 $0x5;
	s9 =	sadd.s32 s9, s31;
	s10 =	sadd.s32 s10, s31  }
.LBB2_1:
0x13: {  	[spmem:s13], [sflag:s6] =	dma.local [hbm:s5], $0x2800  }
0x14: {  	_ =	swait.ge [sflag:s14], $0x2800  }
0x15: {  	[sflag:s14] =	ssyncset.done $0x0  }
0x16: {  	[sflag:s14] =	ssyncadd.s32 $0xFFFFD800  }
0x17: {  	[bflag:$0x0] =	sbarrier.arrive $0xFFFF  }
0x18: {  	[tilespmem:s3], [sflag:$0x5] =	stream.linear.gather [hbm4b:s7+s3], $0x1400, $0x38;
	[tilespmem:$0x1E800] =	vst v63  }
0x19: {  	_ =	swait.ge [sflag:s14], $0x1400  }
0x1a: {  	[sflag:s14] =	ssyncset.done $0x0  }
0x1b: {  	[sflag:s14] =	ssyncadd.s32 $0xFFFFEC00  }
0x1c: {  	[tilespmem:s15], [sflag:$0x5] =	stream.linear.gather [hbm4b:s8+s3], $0x1400, $0x38;
	[tilespmem:$0x1E800] =	vst v63  }
0x1d: {  	_ =	swait.ge [sflag:s14], $0x1400  }
0x1e: {  	[sflag:s14] =	ssyncset.done $0x0  }
0x1f: {  	[sflag:s14] =	ssyncadd.s32 $0xFFFFEC00  }
0x20: {  	[tilespmem:s17], [sflag:$0x1] =	stream.indirect.gather [hbm4b:s4+s16], $0x80, s3, s16, $0xb8;
	[tilespmem:$0x1E800] =	vst v63  }
0x21: {  	_ =	swait.ge [sflag:s18], $0x4000  }
0x22: {  	[sflag:s18] =	ssyncset.done $0x0  }
0x23: {  	[sflag:s18] =	ssyncadd.s32 $0xFFFFC000  }
0x24: {  	[spmem:s1] =	stream.indirect.scatter.add.f32 [tilespmem:s17], [sflag:$0x3], $0x80, s15, s16, $0xb8;
	[tilespmem:$0x1E800] =	vst v63  }
0x25: {  	_ = 	snop  }
0x26: {  	[tilespmem:s19], [sflag:$0x2] =	stream.indirect.gather [hbm4b:s4+s16], $0x80, s16, s16, $0xb8;
	[tilespmem:$0x1E800] =	vst v63  }
0x27: {  	_ =	swait.ge [sflag:s20], $0x4000  }
0x28: {  	[sflag:s20] =	ssyncset.done $0x0  }
0x29: {  	s25 =	simm.s32 $0x1480;
	[sflag:s20] =	ssyncadd.s32 $0xFFFFC000  }
0x2a: {  	[spmem:s1] =	stream.indirect.scatter.add.f32 [tilespmem:s19], [sflag:$0x4], $0x80, s25, s16, $0xb8;
	[tilespmem:$0x1E800] =	vst v63  }
0x2b: {  	_ =	swait.ge [sflag:s21], $0x4000  }
0x2c: {  	[sflag:s21] =	ssyncset.done $0x0  }
0x2d: {  	s30 =	simm.s32 $0x100;
	[sflag:s21] =	ssyncadd.s32 $0xFFFFC000  }
0x2e: {  	[tilespmem:s17], [sflag:$0x1] =	stream.indirect.gather [hbm4b:s4+s16], $0x80, s30, s16, $0xb8;
	[tilespmem:$0x1E800] =	vst v63  }
0x2f: {  	_ =	swait.ge [sflag:s18], $0x4000  }
0x30: {  	[sflag:s18] =	ssyncset.done $0x0  }
0x31: {  	s31 =	simm.s32 $0x1500;
	[sflag:s18] =	ssyncadd.s32 $0xFFFFC000  }
0x32: {  	[spmem:s1] =	stream.indirect.scatter.add.f32 [tilespmem:s17], [sflag:$0x3], $0x80, s31, s16, $0xb8;
	[tilespmem:$0x1E800] =	vst v63  }
0x33: {  	_ =	swait.ge [sflag:s22], $0x4000  }
0x34: {  	[sflag:s22] =	ssyncset.done $0x0  }
0x35: {  	s26 =	simm.s32 $0x180;
	s25 =	simm.s32 $0xFFFFB800;
	[sflag:s22] =	ssyncadd.s32 $0xFFFFC000  }
.LBB2_2:
0x36: {  	[tilespmem:s19], [sflag:$0x2] =	stream.indirect.gather [hbm4b:s4+s16], $0x80, s26, s16, $0xb8;
	[tilespmem:$0x1E800] =	vst v63  }
0x37: {  	s26 =	smov.u32 s25  }
0x38: {  	p0 =	sne.s32 s25, $0xFFFFFC00;
	s25 =	sadd.s32 $0x400, s25;
	_ =	swait.ge [sflag:s20], $0x4000  }
0x39: {  	s26 =	sshra.s32 s26, $0x2;
	[sflag:s20] =	ssyncset.done $0x0  }
0x3a: {  	s28 =	sadd.s32 $0x2780, s26;
	[sflag:s20] =	ssyncadd.s32 $0xFFFFC000  }
0x3b: {  	[spmem:s1] =	stream.indirect.scatter.add.f32 [tilespmem:s19], [sflag:$0x4], $0x80, s28, s16, $0xb8;
	[tilespmem:$0x1E800] =	vst v63  }
0x3c: {  	_ =	swait.ge [sflag:s21], $0x4000  }
0x3d: {  	[sflag:s21] =	ssyncset.done $0x0  }
0x3e: {  	s28 =	sadd.s32 $0x1400, s26;
	[sflag:s21] =	ssyncadd.s32 $0xFFFFC000  }
0x3f: {  	[tilespmem:s17], [sflag:$0x1] =	stream.indirect.gather [hbm4b:s4+s16], $0x80, s28, s16, $0xb8;
	[tilespmem:$0x1E800] =	vst v63  }
0x40: {  	_ =	swait.ge [sflag:s18], $0x4000  }
0x41: {  	[sflag:s18] =	ssyncset.done $0x0  }
.Ltmp0:
0x42: {  	s28 =	sadd.s32 $0x2800, s26;
	[sflag:s18] =	ssyncadd.s32 $0xFFFFC000;
	(pc) =	sbr.rel @p0 .LBB2_2-.Ltmp0, $4  }
0x43: {  	[spmem:s1] =	stream.indirect.scatter.add.f32 [tilespmem:s17], [sflag:$0x3], $0x80, s28, s16, $0xb8;
	[tilespmem:$0x1E800] =	vst v63  }
0x44: {  	_ =	swait.ge [sflag:s22], $0x4000  }
0x45: {  	[sflag:s22] =	ssyncset.done $0x0  }
0x46: {  	s26 =	sadd.s32 $0x1480, s26;
	[sflag:s22] =	ssyncadd.s32 $0xFFFFC000  }
0x47: {  	[tilespmem:s19], [sflag:$0x2] =	stream.indirect.gather [hbm4b:s4+s16], $0x80, s26, s16, $0xb8;
	[tilespmem:$0x1E800] =	vst v63  }
0x48: {  	_ =	swait.ge [sflag:s20], $0x4000  }
0x49: {  	[sflag:s20] =	ssyncset.done $0x0  }
0x4a: {  	[sflag:s20] =	ssyncadd.s32 $0xFFFFC000  }
0x4b: {  	[spmem:s1] =	stream.indirect.scatter.add.f32 [tilespmem:s19], [sflag:$0x4], $0x80, s23, s16, $0xb8;
	[tilespmem:$0x1E800] =	vst v63  }
0x4c: {  	_ =	swait.ge [sflag:s21], $0x4000  }
0x4d: {  	[sflag:s21] =	ssyncset.done $0x0  }
0x4e: {  	[sflag:s21] =	ssyncadd.s32 $0xFFFFC000  }
0x4f: {  	_ =	swait.ge [sflag:s22], $0x4000  }
0x50: {  	[sflag:s22] =	ssyncset.done $0x0  }
0x51: {  	[sflag:s22] =	ssyncadd.s32 $0xFFFFC000  }
0x52: {  	[tilespmem:s3], [sflag:$0x5] =	stream.linear.gather [hbm4b:s9+s3], $0x1400, $0x38;
	[tilespmem:$0x1E800] =	vst v63  }
0x53: {  	_ =	swait.ge [sflag:s14], $0x1400  }
0x54: {  	[sflag:s14] =	ssyncset.done $0x0  }
0x55: {  	[sflag:s14] =	ssyncadd.s32 $0xFFFFEC00  }
0x56: {  	[tilespmem:s15], [sflag:$0x5] =	stream.linear.gather [hbm4b:s10+s3], $0x1400, $0x38;
	[tilespmem:$0x1E800] =	vst v63  }
0x57: {  	_ =	swait.ge [sflag:s14], $0x1400  }
0x58: {  	[sflag:s14] =	ssyncset.done $0x0  }
0x59: {  	[sflag:s14] =	ssyncadd.s32 $0xFFFFEC00  }
0x5a: {  	[tilespmem:s17], [sflag:$0x1] =	stream.indirect.gather [hbm4b:s4+s16], $0x80, s3, s16, $0xb8;
	[tilespmem:$0x1E800] =	vst v63  }
0x5b: {  	_ =	swait.ge [sflag:s18], $0x4000  }
0x5c: {  	[sflag:s18] =	ssyncset.done $0x0  }
0x5d: {  	[sflag:s18] =	ssyncadd.s32 $0xFFFFC000  }
0x5e: {  	[spmem:s1] =	stream.indirect.scatter.add.f32 [tilespmem:s17], [sflag:$0x3], $0x80, s15, s16, $0xb8;
	[tilespmem:$0x1E800] =	vst v63  }
0x5f: {  	_ = 	snop  }
0x60: {  	[tilespmem:s19], [sflag:$0x2] =	stream.indirect.gather [hbm4b:s4+s16], $0x80, s16, s16, $0xb8;
	[tilespmem:$0x1E800] =	vst v63  }
0x61: {  	_ =	swait.ge [sflag:s20], $0x4000  }
0x62: {  	[sflag:s20] =	ssyncset.done $0x0  }
0x63: {  	s25 =	simm.s32 $0x1480;
	[sflag:s20] =	ssyncadd.s32 $0xFFFFC000  }
0x64: {  	[spmem:s1] =	stream.indirect.scatter.add.f32 [tilespmem:s19], [sflag:$0x4], $0x80, s25, s16, $0xb8;
	[tilespmem:$0x1E800] =	vst v63  }
0x65: {  	_ =	swait.ge [sflag:s21], $0x4000  }
0x66: {  	[sflag:s21] =	ssyncset.done $0x0  }
0x67: {  	s30 =	simm.s32 $0x100;
	[sflag:s21] =	ssyncadd.s32 $0xFFFFC000  }
0x68: {  	[tilespmem:s17], [sflag:$0x1] =	stream.indirect.gather [hbm4b:s4+s16], $0x80, s30, s16, $0xb8;
	[tilespmem:$0x1E800] =	vst v63  }
0x69: {  	_ =	swait.ge [sflag:s18], $0x4000  }
0x6a: {  	[sflag:s18] =	ssyncset.done $0x0  }
0x6b: {  	s31 =	simm.s32 $0x1500;
	[sflag:s18] =	ssyncadd.s32 $0xFFFFC000  }
0x6c: {  	[spmem:s1] =	stream.indirect.scatter.add.f32 [tilespmem:s17], [sflag:$0x3], $0x80, s31, s16, $0xb8;
	[tilespmem:$0x1E800] =	vst v63  }
0x6d: {  	_ =	swait.ge [sflag:s22], $0x4000  }
0x6e: {  	[sflag:s22] =	ssyncset.done $0x0  }
0x6f: {  	s26 =	simm.s32 $0x180;
	s25 =	simm.s32 $0xFFFFB800;
	[sflag:s22] =	ssyncadd.s32 $0xFFFFC000  }
.LBB2_4:
0x70: {  	[tilespmem:s19], [sflag:$0x2] =	stream.indirect.gather [hbm4b:s4+s16], $0x80, s26, s16, $0xb8;
	[tilespmem:$0x1E800] =	vst v63  }
0x71: {  	s26 =	smov.u32 s25  }
0x72: {  	p0 =	sne.s32 s25, $0xFFFFFC00;
	s25 =	sadd.s32 $0x400, s25;
	_ =	swait.ge [sflag:s20], $0x4000  }
0x73: {  	s26 =	sshra.s32 s26, $0x2;
	[sflag:s20] =	ssyncset.done $0x0  }
0x74: {  	s28 =	sadd.s32 $0x2780, s26;
	[sflag:s20] =	ssyncadd.s32 $0xFFFFC000  }
0x75: {  	[spmem:s1] =	stream.indirect.scatter.add.f32 [tilespmem:s19], [sflag:$0x4], $0x80, s28, s16, $0xb8;
	[tilespmem:$0x1E800] =	vst v63  }
0x76: {  	_ =	swait.ge [sflag:s21], $0x4000  }
0x77: {  	[sflag:s21] =	ssyncset.done $0x0  }
0x78: {  	s28 =	sadd.s32 $0x1400, s26;
	[sflag:s21] =	ssyncadd.s32 $0xFFFFC000  }
0x79: {  	[tilespmem:s17], [sflag:$0x1] =	stream.indirect.gather [hbm4b:s4+s16], $0x80, s28, s16, $0xb8;
	[tilespmem:$0x1E800] =	vst v63  }
0x7a: {  	_ =	swait.ge [sflag:s18], $0x4000  }
0x7b: {  	[sflag:s18] =	ssyncset.done $0x0  }
.Ltmp1:
0x7c: {  	s28 =	sadd.s32 $0x2800, s26;
	[sflag:s18] =	ssyncadd.s32 $0xFFFFC000;
	(pc) =	sbr.rel @p0 .LBB2_4-.Ltmp1, $4  }
0x7d: {  	[spmem:s1] =	stream.indirect.scatter.add.f32 [tilespmem:s17], [sflag:$0x3], $0x80, s28, s16, $0xb8;
	[tilespmem:$0x1E800] =	vst v63  }
0x7e: {  	_ =	swait.ge [sflag:s22], $0x4000  }
0x7f: {  	[sflag:s22] =	ssyncset.done $0x0  }
0x80: {  	s26 =	sadd.s32 $0x1480, s26;
	[sflag:s22] =	ssyncadd.s32 $0xFFFFC000  }
0x81: {  	[tilespmem:s19], [sflag:$0x2] =	stream.indirect.gather [hbm4b:s4+s16], $0x80, s26, s16, $0xb8;
	[tilespmem:$0x1E800] =	vst v63  }
0x82: {  	_ =	swait.ge [sflag:s20], $0x4000  }
0x83: {  	[sflag:s20] =	ssyncset.done $0x0  }
0x84: {  	[sflag:s20] =	ssyncadd.s32 $0xFFFFC000  }
0x85: {  	[spmem:s1] =	stream.indirect.scatter.add.f32 [tilespmem:s19], [sflag:$0x4], $0x80, s23, s16, $0xb8;
	[tilespmem:$0x1E800] =	vst v63  }
0x86: {  	_ =	swait.ge [sflag:s21], $0x4000  }
0x87: {  	[sflag:s21] =	ssyncset.done $0x0  }
0x88: {  	[sflag:s21] =	ssyncadd.s32 $0xFFFFC000  }
0x89: {  	_ =	swait.ge [sflag:s22], $0x4000  }
0x8a: {  	s24 =	sadd.s32 $0x1, s24;
	[sflag:s22] =	ssyncset.done $0x0  }
0x8b: {  	p0 =	sne.s32 s24, s12;
	[sflag:s22] =	ssyncadd.s32 $0xFFFFC000  }
.Ltmp2:
0x8c: {  	[bflag:$0x0] =	sbarrier.arrive $0xFFFF;
	(pc) =	sbr.rel @p0 .LBB2_1-.Ltmp2, $4  }
0x8d: {  	[hbm:s11], [sflag:s6] =	dma.local [spmem:s13], $0x2800  }
0x8e: {  	_ =	swait.ge [sflag:s14], $0x2800  }
0x8f: {  	[sflag:s14] =	ssyncset.done $0x0  }
0x90: {  	[sflag:s14] =	ssyncadd.s32 $0xFFFFD800  }
0x91: {  	_ =	sfence.sel $0x180000  }
0x92: {  	[bflag:$0x0] =	sbarrier.arrive $0xFFFF  }
0x93: {  	p0 =	sne.s32 s2, $0x0;
	_ =	strace $0x9000004D  }
0x94: {  	s0 =	sadd.s32 @!p0 $0x100000, s0;
	[bflag:$0x2] =	sbarrier.arrive $0xFFFF  }
0x95: {  	[sflag:s0] =	ssyncadd.tile.s32 @!p0 $0x1;
	_ =	shalt  }
.Lfunc_end2:
_tile_overlayer_lowered:
.L_overlay_start_2:
0x96: {  	(tag) =	ssettag $0x2  }
0x97: {  	s0 =	rddreg [dreg:$0x0];
	s2 =	stileid.u32  }
0x98: {  	s1 =	rddreg [dreg:$0x1];
	p0 =	sne.s32 s2, $0x0  }
0x99: {  	s3 =	rddreg [dreg:$0x2];
	[bflag:$0x3] =	sbarrier.arrive $0xFFFF;
	s2 =	simm.s32 @!p0 $0x1C05  }
0x9a: {  	[timem:s3], [sflag:s2] =	dma.local @!p0 [hbm:s0], s1  }
0x9b: {  	s0 =	simm.s32 @!p0 $0x5  }
0x9c: {  	_ =	swait.ge @!p0 [sflag:s0], s1  }
0x9d: {  	s1 =	ssub.s32 @!p0 $0x0, s1;
	[sflag:s0] =	ssyncset.done @!p0 $0x0  }
0x9e: {  	[sflag:s0] =	ssyncadd.s32 @!p0 s1  }
0x9f: {  	[bflag:$0x3] =	sbarrier.arrive $0xFFFF  }
0xa0: {  	_ =	shalt  }

// kernel: kernel.20.cloned.1.call-start
scs
__scs_entry_jumppad:
0x0: {  	(pc) =	sbr.rel $0x88, $3  }
0x1: {  	(tag) =	ssettag $0x0;
	lr =	simm.s32 $0x1  }
0x2: {  	[smem:$0x3F99] =	sst lr;
	_ =	strace $0xD0000000  }
0x3: {  	_ = 	snop  }
0x4: {  	_ = 	snop  }
0x5: {  	_ = 	snop  }
0x6: {  	_ = 	snop  }
0x7: {  	_ = 	snop  }
__scs_overlays_trampoline_lowered:
0x8: {  	[smem:$0x3FA8] =	sst s0  }
0x9: {  	[smem:$0x3FA9] =	sst s1  }
0xa: {  	[smem:$0x3FAA] =	sst s2  }
0xb: {  	[smem:$0x3FAB] =	sst s3  }
0xc: {  	[smem:$0x3FAC] =	sst s4  }
0xd: {  	[smem:$0x3FAD] =	sst s5  }
0xe: {  	[smem:$0x3FAE] =	sst s6  }
0xf: {  	[smem:$0x3FAF] =	sst s7  }
0x10: {  	[smem:$0x3FB0] =	sst s8  }
0x11: {  	[smem:$0x3FB1] =	sst s9;
	s0 =	simm.s32 @!p0 $0x0  }
0x12: {  	s1 =	sld [smem:$0x3F97];
	s0 =	simm.s32 @p0 $0x1  }
0x13: {  	[smem:$0x3FB2] =	sst s0;
	s0 =	simm.s32 @!p1 $0x0  }
0x14: {  	s2 =	sld [smem:$0x3F96];
	s0 =	simm.s32 @p1 $0x1  }
0x15: {  	[smem:$0x3FB3] =	sst s0;
	s0 =	simm.s32 @!p2 $0x0  }
0x16: {  	s3 =	sld [smem:$0x3FDB];
	s0 =	simm.s32 @p2 $0x1  }
0x17: {  	s4 =	simm.s32 $0x1BF5;
	[smem:$0x3FB5] =	sst s0  }
0x18: {  	s0 =	sld [smem:$0x3F98];
	_ =	swait.ge [sflag:s4], $0x0  }
0x19: {  	s7 =	sld [smem:$0x3F99]  }
0x1a: {  	s8 =	sadd.s32 $0xFFFFE003, lr  }
0x1b: {  	s9 =	sadd.s32 $0xFFFFFEF7, lr;
	s5 =	simm.s32 $0xFFFFFFFF;
	p2 =	slt.u32 s8, $0xFFFFF086  }
0x1c: {  	p1 =	slt.u32 s9, $0xF7A;
	s5 =	simm.s32 @!p2 $0x0  }
0x1d: {  	s5 =	simm.s32 @p1 $0x1;
	p0 =	seq.s32 s7, s2  }
0x1e: {  	s7 =	smul.u32 @!p0 $0xF7A, s2;
	p2 =	seq.s32 @!p0 s5, $0x0  }
0x1f: {  	s9 =	smul.u32 $0xF7A, s1;
	s8 =	simm.s32 @!p0 $0x1BF5;
	p2 =	por !p2, p0  }
0x20: {  	[sflag:s8] =	ssyncset.s32 @!p0 $0xFFFFF086;
	s6 =	sadd.s32 @!p0 s3, s7;
	s7 =	simm.s32 @!p0 $0x108  }
0x21: {  	s3 =	sadd.s32 s3, s9;
	s6 =	sadd.s32 @!p0 $0x88, s6;
	s7 =	simm.s32 @p2 $0x1082  }
0x22: {  	[simem:s7], [sflag:s8] =	dma.local @!p0 [hbm:s6], $0xF7A  }
0x23: {  	s9 =	sor.u32 $0xD0000000, s2;
	s6 =	simm.s32 $0x108;
	_ =	swait.ge @!p0 [sflag:s8], $0x0  }
0x24: {  	s3 =	sadd.s32 $0x88, s3;
	s6 =	simm.s32 @!p1 $0x1082;
	[sflag:s4] =	ssyncset.s32 $0xFFFFF086  }
0x25: {  	[simem:s6], [sflag:s4] =	dma.local [hbm:s3], $0xF7A  }
0x26: {  	[smem:$0x3F99] =	sst s1;
	(tag) =	ssettag s2;
	_ =	strace s9  }
0x27: {  	s1 =	sld [smem:$0x3FA9]  }
0x28: {  	s2 =	sld [smem:$0x3FAA]  }
0x29: {  	s4 =	sld [smem:$0x3FAC]  }
0x2a: {  	p0 =	seq.s32 s5, $0x0;
	s5 =	sld [smem:$0x3FAD]  }
0x2b: {  	s6 =	sld [smem:$0x3FAE]  }
0x2c: {  	s7 =	sld [smem:$0x3FAF]  }
0x2d: {  	s3 =	simm.s32 $0x108;
	s8 =	sld [smem:$0x3FB0]  }
0x2e: {  	s3 =	simm.s32 @!p0 $0x1082;
	s9 =	sld [smem:$0x3FB1]  }
0x2f: {  	lr =	sadd.s32 s0, s3;
	s0 =	sld [smem:$0x3FA8]  }
0x30: {  	s3 =	sld [smem:$0x3FAB]  }
0x31: {  	[smem:$0x3FB4] =	sst s10  }
0x32: {  	s10 =	sld [smem:$0x3FB2];
	_ =	sdelay $0x3  }
0x33: {  	p0 =	seq.s32 s10, $0x1;
	s10 =	sld [smem:$0x3FB4];
	_ =	sdelay $0x3  }
0x34: {  	[smem:$0x3FB4] =	sst s10  }
0x35: {  	s10 =	sld [smem:$0x3FB3];
	_ =	sdelay $0x3  }
0x36: {  	p1 =	seq.s32 s10, $0x1;
	s10 =	sld [smem:$0x3FB4];
	_ =	sdelay $0x3  }
0x37: {  	[smem:$0x3FB4] =	sst s10  }
0x38: {  	s10 =	sld [smem:$0x3FB5]  }
0x39: {  	_ = 	snop;
	(pc) =	sbr.ind lr, $3  }
0x3a: {  	_ = 	snop  }
0x3b: {  	_ = 	snop  }
0x3c: {  	p2 =	seq.s32 s10, $0x1;
	s10 =	sld [smem:$0x3FB4]  }
0x3d: {  	_ =	shalt  }
0x3e: {  	_ =	shalt  }
0x3f: {  	_ =	shalt  }
0x40: {  	_ =	shalt  }
0x41: {  	_ =	shalt  }
0x42: {  	_ =	shalt  }
0x43: {  	_ =	shalt  }
0x44: {  	_ =	shalt  }
0x45: {  	_ =	shalt  }
0x46: {  	_ =	shalt  }
0x47: {  	_ =	shalt  }
0x48: {  	_ =	shalt  }
0x49: {  	_ =	shalt  }
0x4a: {  	_ =	shalt  }
0x4b: {  	_ =	shalt  }
0x4c: {  	_ =	shalt  }
0x4d: {  	_ =	shalt  }
0x4e: {  	_ =	shalt  }
0x4f: {  	_ =	shalt  }
0x50: {  	_ =	shalt  }
0x51: {  	_ =	shalt  }
0x52: {  	_ =	shalt  }
0x53: {  	_ =	shalt  }
0x54: {  	_ =	shalt  }
0x55: {  	_ =	shalt  }
0x56: {  	_ =	shalt  }
0x57: {  	_ =	shalt  }
0x58: {  	_ =	shalt  }
0x59: {  	_ =	shalt  }
0x5a: {  	_ =	shalt  }
0x5b: {  	_ =	shalt  }
0x5c: {  	_ =	shalt  }
0x5d: {  	_ =	shalt  }
0x5e: {  	_ =	shalt  }
0x5f: {  	_ =	shalt  }
0x60: {  	_ =	shalt  }
0x61: {  	_ =	shalt  }
0x62: {  	_ =	shalt  }
0x63: {  	_ =	shalt  }
0x64: {  	_ =	shalt  }
0x65: {  	_ =	shalt  }
0x66: {  	_ =	shalt  }
0x67: {  	_ =	shalt  }
0x68: {  	_ =	shalt  }
0x69: {  	_ =	shalt  }
0x6a: {  	_ =	shalt  }
0x6b: {  	_ =	shalt  }
0x6c: {  	_ =	shalt  }
0x6d: {  	_ =	shalt  }
0x6e: {  	_ =	shalt  }
0x6f: {  	_ =	shalt  }
0x70: {  	_ =	shalt  }
0x71: {  	_ =	shalt  }
0x72: {  	_ =	shalt  }
0x73: {  	_ =	shalt  }
0x74: {  	_ =	shalt  }
0x75: {  	_ =	shalt  }
0x76: {  	_ =	shalt  }
0x77: {  	_ =	shalt  }
0x78: {  	_ =	shalt  }
0x79: {  	_ =	shalt  }
0x7a: {  	_ =	shalt  }
0x7b: {  	_ =	shalt  }
0x7c: {  	_ =	shalt  }
0x7d: {  	_ =	shalt  }
0x7e: {  	_ =	shalt  }
0x7f: {  	_ =	shalt  }
0x80: {  	_ =	shalt  }
0x81: {  	_ =	shalt  }
0x82: {  	_ =	shalt  }
0x83: {  	_ =	shalt  }
0x84: {  	_ =	shalt  }
0x85: {  	_ =	shalt  }
0x86: {  	_ =	shalt  }
0x87: {  	_ =	shalt  }
.Lfunc_end0:
.L_simem_size_0:
called_computation.3_lowered:
.L_overlay_start_0:
0x88: {  	s2 =	sld [smem:$0x3FD9]  }
0x89: {  	s3 =	sld [smem:$0x3FFE];
	_ =	sdelay $0x1  }
0x8a: {  	s1 =	srdreg.scid  }
0x8b: {  	s0 =	sand.u32 $0x1, s1  }
0x8c: {  	s17 =	sshll.u32 s0, $0xA;
	s2 =	sadd.s32 s3, s2  }
0x8d: {  	s2 =	sadd.s32 s2, s17  }
0x8e: {  	[smem:$0x3FC0] =	sst s2  }
0x8f: {  	_ = 	snop  }
0x90: {  	s2 =	sld [smem:$0x3FD0];
	(tm) =	ssettm $0x1  }
0x91: {  	s18 =	sld [smem:$0x3FFB];
	_ =	sdelay $0x3  }
0x92: {  	_ =	strace s18  }
0x93: {  	s3 =	sld [smem:$0x3FFC];
	_ =	sdelay $0x3  }
0x94: {  	_ =	strace s3  }
0x95: {  	s3 =	sld [smem:$0x3FFD];
	_ =	sdelay $0x3  }
0x96: {  	_ =	strace s3  }
0x97: {  	_ =	strace $0x8FFFFFFF  }
0x98: {  	s19 =	sld [smem:$0x3FDB];
	_ =	sdelay $0x1  }
0x99: {  	s4 =	simm.s32 $_scs_section_size  }
0x9a: {  	s5 =	simm.s32 $_size__tile_overlayer_lowered;
	s6 =	simm.s32 $_tile_overlayer_lowered  }
0x9b: {  	s22 =	simm.s32 $0x1BFF;
	s21 =	sshll.u32 s6, $0x1;
	s3 =	sadd.s32 s4, s19  }
0x9c: {  	s7 =	simm.s32 $0x0;
	s20 =	sshll.u32 s5, $0x1;
	s5 =	sadd.s32 s21, s3  }
0x9d: {  	[timem:s7], [sflag:s22] =	dma.local [hbm:s5], s20  }
0x9e: {  	_ =	swait.ge [sflag:s22], s20  }
0x9f: {  	s4 =	ssub.s32 $0x0, s20;
	[sflag:s22] =	ssyncset.done $0x0  }
0xa0: {  	[sflag:s22] =	ssyncadd.s32 s4;
	_ =	sdelay $0x1  }
0xa1: {  	s23 =	simm.s32 $0x1B8B  }
0xa2: {  	_ =	swait.ge [sflag:s23], $0x1  }
0xa3: {  	[sflag:s23] =	ssyncset.done $0x0  }
0xa4: {  	s25 =	simm.s32 $0x1B8E;
	s24 =	sld [smem:$0x3FFE];
	[sflag:s23] =	ssyncadd.s32 $0xFFFFFFFF  }
0xa5: {  	s26 =	simm.s32 $execute0_lowered;
	[smem:$0x3FD2] =	sst s25  }
0xa6: {  	s5 =	sshll.u32 s26, $0x1;
	_ =	strace $0x8000004F;
	[dreg:$0x1] =	wrdreg $0xFFFFFFFF  }
0xa7: {  	s28 =	simm.s32 $_size_execute0_lowered;
	s3 =	sadd.s32 s3, s5;
	[dreg:$0x0] =	wrdreg $0x0  }
0xa8: {  	s5 =	sshll.u32 s28, $0x1;
	[dreg:$0x2] =	wrdreg s3  }
0xa9: {  	[dreg:$0x3] =	wrdreg s5  }
0xaa: {  	[dreg:$0x4] =	wrdreg $0xC0  }
0xab: {  	_ =	task [dreg:s7], $0x5FFFF  }
0xac: {  	[dreg:$0x1] =	wrdreg $0xFFFFFFFF  }
0xad: {  	[dreg:$0x0] =	wrdreg $0x60  }
0xae: {  	[dreg:$0x2] =	wrdreg s24  }
0xaf: {  	[dreg:$0x3] =	wrdreg s2  }
0xb0: {  	[dreg:$0x4] =	wrdreg $0xA8000  }
0xb1: {  	[dreg:$0x5] =	wrdreg $0x9  }
0xb2: {  	_ =	task.clear_ibuf [dreg:s7], $0x6FFFF;
	_ =	strace $0x9000004F  }
0xb3: {  	s29 =	simm.s32 $0x9;
	_ =	strace $0x80000051  }
0xb4: {  	_ =	swait.ge [sflag:s29], $0x1  }
0xb5: {  	[sflag:s29] =	ssyncadd.s32 $0xFFFFFFFF  }
0xb6: {  	_ =	strace $0x90000051  }
0xb7: {  	_ =	sfence  }
0xb8: {  	s30 =	sld [smem:$0x0];
	_ =	sdelay $0x2  }
0xb9: {  	s31 =	sshll.u32 s1, $0xD;
	s1 =	sshrl.u32 s1, $0x2  }
0xba: {  	s3 =	sand.u32 $0x4000, s31;
	s1 =	sadd.s32 s1, s30  }
0xbb: {  	s0 =	sor.u32 s3, s0;
	s1 =	sshll.u32 s1, $0x11  }
0xbc: {  	s0 =	sor.u32 s1, s0  }
0xbd: {  	s0 =	sadd.s32 $0x8F2B, s0  }
0xbe: {  	[sflag:s0] =	ssyncadd.remote.s32 $0x1  }
0xbf: {  	_ =	sfence.sel $0xFFFF  }
0xc0: {  	[dreg:$0x0] =	wrdreg $0xFFFFFFFF;
	(pc) =	sbr.abs _section_cstart, $3  }
0xc1: {  	[dreg:$0x1] =	wrdreg $0xFFFFFFFF  }
0xc2: {  	_ =	task.clear_ibuf [dreg:s7], $0x2FFFF;
	_ =	strace $0x9FFFFFFF  }
0xc3: {  	(tm) =	ssettm $0x7FFFFFFF  }
tec
execute0_lowered:
.L_overlay_start_1:
0x0: {  	(tag) =	ssettag $0x1  }
0x1: {  	s6 =	rddreg [dreg:$0x0]  }
0x2: {  	s9 =	rddreg [dreg:$0x1]  }
0x3: {  	s1 =	rddreg [dreg:$0x2];
	s2 =	srdreg.scid  }
0x4: {  	s0 =	rddreg [dreg:$0x3];
	s3 =	simm.s32 $0x0;
	s15 =	simm.s32 $0x1400  }
0x5: {  	s16 =	simm.s32 $0x80;
	s17 =	simm.s32 $0x2800;
	s18 =	simm.s32 $0x1  }
0x6: {  	s19 =	simm.s32 $0x6800;
	s20 =	simm.s32 $0x2;
	s21 =	simm.s32 $0x3  }
0x7: {  	s22 =	simm.s32 $0x4;
	s5 =	sand.u32 $0x1, s2;
	s2 =	stileid.u32  }
0x8: {  	[smem:$0x7FF] =	sst s3;
	s4 =	sadd.s32 $0x10400, s6;
	s7 =	smul.u32 $0x140000, s5  }
0x9: {  	s10 =	sadd.s32 $0x3400, s6;
	s8 =	smul.u32 $0x14000, s2;
	_ =	strace $0x80000050  }
0xa: {  	s23 =	sshll.u32 s5, $0x4;
	s11 =	ssub.s32 $0x2, s5;
	s25 =	smul.u32 $0x50000, s2  }
0xb: {  	s5 =	sadd.s32 $0xDC00, s6;
	s28 =	sshll.u32 s2, $0x6;
	s24 =	sor.u32 s2, s23  }
0xc: {  	s12 =	sshrl.u32 s11, $0x1;
	s23 =	simm.s32 $0x2780;
	s7 =	sadd.s32 s8, s7  }
0xd: {  	s13 =	smul.u32 $0x2800, s24;
	s12 =	ssub.s32 s11, s12;
	s26 =	sshrl.u32 s25, $0x2  }
0xe: {  	s24 =	simm.s32 $0x0;
	s7 =	sshrl.u32 s7, $0x3;
	s30 =	sadd.s32 s26, s1  }
0xf: {  	s12 =	smax.u32 s12, $0x1;
	s14 =	sadd.s32 s7, s6;
	s29 =	sshrl.u32 s13, $0x3  }
0x10: {  	s6 =	sor.u32 $0x1C05, s28;
	s13 =	sshrl.u32 s30, $0x3;
	s31 =	sadd.s32 $0x280, s29  }
0x11: {  	s7 =	sadd.s32 s9, s29;
	s8 =	sadd.s32 s10, s29;
	s11 =	sadd.s32 $0x38400, s14  }
0x12: {  	s14 =	simm.s32 $0x5;
	s9 =	sadd.s32 s9, s31;
	s10 =	sadd.s32 s10, s31  }
.LBB2_1:
0x13: {  	[spmem:s13], [sflag:s6] =	dma.local [hbm:s5], $0x2800  }
0x14: {  	_ =	swait.ge [sflag:s14], $0x2800  }
0x15: {  	[sflag:s14] =	ssyncset.done $0x0  }
0x16: {  	[sflag:s14] =	ssyncadd.s32 $0xFFFFD800  }
0x17: {  	[bflag:$0x0] =	sbarrier.arrive $0xFFFF  }
0x18: {  	[tilespmem:s3], [sflag:$0x5] =	stream.linear.gather [hbm4b:s7+s3], $0x1400, $0x38;
	[tilespmem:$0x1E800] =	vst v63  }
0x19: {  	_ =	swait.ge [sflag:s14], $0x1400  }
0x1a: {  	[sflag:s14] =	ssyncset.done $0x0  }
0x1b: {  	[sflag:s14] =	ssyncadd.s32 $0xFFFFEC00  }
0x1c: {  	[tilespmem:s15], [sflag:$0x5] =	stream.linear.gather [hbm4b:s8+s3], $0x1400, $0x38;
	[tilespmem:$0x1E800] =	vst v63  }
0x1d: {  	_ =	swait.ge [sflag:s14], $0x1400  }
0x1e: {  	[sflag:s14] =	ssyncset.done $0x0  }
0x1f: {  	[sflag:s14] =	ssyncadd.s32 $0xFFFFEC00  }
0x20: {  	[tilespmem:s17], [sflag:$0x1] =	stream.indirect.gather [hbm4b:s4+s16], $0x80, s3, s16, $0xb8;
	[tilespmem:$0x1E800] =	vst v63  }
0x21: {  	_ =	swait.ge [sflag:s18], $0x4000  }
0x22: {  	[sflag:s18] =	ssyncset.done $0x0  }
0x23: {  	[sflag:s18] =	ssyncadd.s32 $0xFFFFC000  }
0x24: {  	[spmem:s1] =	stream.indirect.scatter.add.f32 [tilespmem:s17], [sflag:$0x3], $0x80, s15, s16, $0xb8;
	[tilespmem:$0x1E800] =	vst v63  }
0x25: {  	_ = 	snop  }
0x26: {  	[tilespmem:s19], [sflag:$0x2] =	stream.indirect.gather [hbm4b:s4+s16], $0x80, s16, s16, $0xb8;
	[tilespmem:$0x1E800] =	vst v63  }
0x27: {  	_ =	swait.ge [sflag:s20], $0x4000  }
0x28: {  	[sflag:s20] =	ssyncset.done $0x0  }
0x29: {  	s25 =	simm.s32 $0x1480;
	[sflag:s20] =	ssyncadd.s32 $0xFFFFC000  }
0x2a: {  	[spmem:s1] =	stream.indirect.scatter.add.f32 [tilespmem:s19], [sflag:$0x4], $0x80, s25, s16, $0xb8;
	[tilespmem:$0x1E800] =	vst v63  }
0x2b: {  	_ =	swait.ge [sflag:s21], $0x4000  }
0x2c: {  	[sflag:s21] =	ssyncset.done $0x0  }
0x2d: {  	s30 =	simm.s32 $0x100;
	[sflag:s21] =	ssyncadd.s32 $0xFFFFC000  }
0x2e: {  	[tilespmem:s17], [sflag:$0x1] =	stream.indirect.gather [hbm4b:s4+s16], $0x80, s30, s16, $0xb8;
	[tilespmem:$0x1E800] =	vst v63  }
0x2f: {  	_ =	swait.ge [sflag:s18], $0x4000  }
0x30: {  	[sflag:s18] =	ssyncset.done $0x0  }
0x31: {  	s31 =	simm.s32 $0x1500;
	[sflag:s18] =	ssyncadd.s32 $0xFFFFC000  }
0x32: {  	[spmem:s1] =	stream.indirect.scatter.add.f32 [tilespmem:s17], [sflag:$0x3], $0x80, s31, s16, $0xb8;
	[tilespmem:$0x1E800] =	vst v63  }
0x33: {  	_ =	swait.ge [sflag:s22], $0x4000  }
0x34: {  	[sflag:s22] =	ssyncset.done $0x0  }
0x35: {  	s26 =	simm.s32 $0x180;
	s25 =	simm.s32 $0xFFFFB800;
	[sflag:s22] =	ssyncadd.s32 $0xFFFFC000  }
.LBB2_2:
0x36: {  	[tilespmem:s19], [sflag:$0x2] =	stream.indirect.gather [hbm4b:s4+s16], $0x80, s26, s16, $0xb8;
	[tilespmem:$0x1E800] =	vst v63  }
0x37: {  	s26 =	smov.u32 s25  }
0x38: {  	p0 =	sne.s32 s25, $0xFFFFFC00;
	s25 =	sadd.s32 $0x400, s25;
	_ =	swait.ge [sflag:s20], $0x4000  }
0x39: {  	s26 =	sshra.s32 s26, $0x2;
	[sflag:s20] =	ssyncset.done $0x0  }
0x3a: {  	s28 =	sadd.s32 $0x2780, s26;
	[sflag:s20] =	ssyncadd.s32 $0xFFFFC000  }
0x3b: {  	[spmem:s1] =	stream.indirect.scatter.add.f32 [tilespmem:s19], [sflag:$0x4], $0x80, s28, s16, $0xb8;
	[tilespmem:$0x1E800] =	vst v63  }
0x3c: {  	_ =	swait.ge [sflag:s21], $0x4000  }
0x3d: {  	[sflag:s21] =	ssyncset.done $0x0  }
0x3e: {  	s28 =	sadd.s32 $0x1400, s26;
	[sflag:s21] =	ssyncadd.s32 $0xFFFFC000  }
0x3f: {  	[tilespmem:s17], [sflag:$0x1] =	stream.indirect.gather [hbm4b:s4+s16], $0x80, s28, s16, $0xb8;
	[tilespmem:$0x1E800] =	vst v63  }
0x40: {  	_ =	swait.ge [sflag:s18], $0x4000  }
0x41: {  	[sflag:s18] =	ssyncset.done $0x0  }
.Ltmp0:
0x42: {  	s28 =	sadd.s32 $0x2800, s26;
	[sflag:s18] =	ssyncadd.s32 $0xFFFFC000;
	(pc) =	sbr.rel @p0 .LBB2_2-.Ltmp0, $4  }
0x43: {  	[spmem:s1] =	stream.indirect.scatter.add.f32 [tilespmem:s17], [sflag:$0x3], $0x80, s28, s16, $0xb8;
	[tilespmem:$0x1E800] =	vst v63  }
0x44: {  	_ =	swait.ge [sflag:s22], $0x4000  }
0x45: {  	[sflag:s22] =	ssyncset.done $0x0  }
0x46: {  	s26 =	sadd.s32 $0x1480, s26;
	[sflag:s22] =	ssyncadd.s32 $0xFFFFC000  }
0x47: {  	[tilespmem:s19], [sflag:$0x2] =	stream.indirect.gather [hbm4b:s4+s16], $0x80, s26, s16, $0xb8;
	[tilespmem:$0x1E800] =	vst v63  }
0x48: {  	_ =	swait.ge [sflag:s20], $0x4000  }
0x49: {  	[sflag:s20] =	ssyncset.done $0x0  }
0x4a: {  	[sflag:s20] =	ssyncadd.s32 $0xFFFFC000  }
0x4b: {  	[spmem:s1] =	stream.indirect.scatter.add.f32 [tilespmem:s19], [sflag:$0x4], $0x80, s23, s16, $0xb8;
	[tilespmem:$0x1E800] =	vst v63  }
0x4c: {  	_ =	swait.ge [sflag:s21], $0x4000  }
0x4d: {  	[sflag:s21] =	ssyncset.done $0x0  }
0x4e: {  	[sflag:s21] =	ssyncadd.s32 $0xFFFFC000  }
0x4f: {  	_ =	swait.ge [sflag:s22], $0x4000  }
0x50: {  	[sflag:s22] =	ssyncset.done $0x0  }
0x51: {  	[sflag:s22] =	ssyncadd.s32 $0xFFFFC000  }
0x52: {  	[tilespmem:s3], [sflag:$0x5] =	stream.linear.gather [hbm4b:s9+s3], $0x1400, $0x38;
	[tilespmem:$0x1E800] =	vst v63  }
0x53: {  	_ =	swait.ge [sflag:s14], $0x1400  }
0x54: {  	[sflag:s14] =	ssyncset.done $0x0  }
0x55: {  	[sflag:s14] =	ssyncadd.s32 $0xFFFFEC00  }
0x56: {  	[tilespmem:s15], [sflag:$0x5] =	stream.linear.gather [hbm4b:s10+s3], $0x1400, $0x38;
	[tilespmem:$0x1E800] =	vst v63  }
0x57: {  	_ =	swait.ge [sflag:s14], $0x1400  }
0x58: {  	[sflag:s14] =	ssyncset.done $0x0  }
0x59: {  	[sflag:s14] =	ssyncadd.s32 $0xFFFFEC00  }
0x5a: {  	[tilespmem:s17], [sflag:$0x1] =	stream.indirect.gather [hbm4b:s4+s16], $0x80, s3, s16, $0xb8;
	[tilespmem:$0x1E800] =	vst v63  }
0x5b: {  	_ =	swait.ge [sflag:s18], $0x4000  }
0x5c: {  	[sflag:s18] =	ssyncset.done $0x0  }
0x5d: {  	[sflag:s18] =	ssyncadd.s32 $0xFFFFC000  }
0x5e: {  	[spmem:s1] =	stream.indirect.scatter.add.f32 [tilespmem:s17], [sflag:$0x3], $0x80, s15, s16, $0xb8;
	[tilespmem:$0x1E800] =	vst v63  }
0x5f: {  	_ = 	snop  }
0x60: {  	[tilespmem:s19], [sflag:$0x2] =	stream.indirect.gather [hbm4b:s4+s16], $0x80, s16, s16, $0xb8;
	[tilespmem:$0x1E800] =	vst v63  }
0x61: {  	_ =	swait.ge [sflag:s20], $0x4000  }
0x62: {  	[sflag:s20] =	ssyncset.done $0x0  }
0x63: {  	s25 =	simm.s32 $0x1480;
	[sflag:s20] =	ssyncadd.s32 $0xFFFFC000  }
0x64: {  	[spmem:s1] =	stream.indirect.scatter.add.f32 [tilespmem:s19], [sflag:$0x4], $0x80, s25, s16, $0xb8;
	[tilespmem:$0x1E800] =	vst v63  }
0x65: {  	_ =	swait.ge [sflag:s21], $0x4000  }
0x66: {  	[sflag:s21] =	ssyncset.done $0x0  }
0x67: {  	s30 =	simm.s32 $0x100;
	[sflag:s21] =	ssyncadd.s32 $0xFFFFC000  }
0x68: {  	[tilespmem:s17], [sflag:$0x1] =	stream.indirect.gather [hbm4b:s4+s16], $0x80, s30, s16, $0xb8;
	[tilespmem:$0x1E800] =	vst v63  }
0x69: {  	_ =	swait.ge [sflag:s18], $0x4000  }
0x6a: {  	[sflag:s18] =	ssyncset.done $0x0  }
0x6b: {  	s31 =	simm.s32 $0x1500;
	[sflag:s18] =	ssyncadd.s32 $0xFFFFC000  }
0x6c: {  	[spmem:s1] =	stream.indirect.scatter.add.f32 [tilespmem:s17], [sflag:$0x3], $0x80, s31, s16, $0xb8;
	[tilespmem:$0x1E800] =	vst v63  }
0x6d: {  	_ =	swait.ge [sflag:s22], $0x4000  }
0x6e: {  	[sflag:s22] =	ssyncset.done $0x0  }
0x6f: {  	s26 =	simm.s32 $0x180;
	s25 =	simm.s32 $0xFFFFB800;
	[sflag:s22] =	ssyncadd.s32 $0xFFFFC000  }
.LBB2_4:
0x70: {  	[tilespmem:s19], [sflag:$0x2] =	stream.indirect.gather [hbm4b:s4+s16], $0x80, s26, s16, $0xb8;
	[tilespmem:$0x1E800] =	vst v63  }
0x71: {  	s26 =	smov.u32 s25  }
0x72: {  	p0 =	sne.s32 s25, $0xFFFFFC00;
	s25 =	sadd.s32 $0x400, s25;
	_ =	swait.ge [sflag:s20], $0x4000  }
0x73: {  	s26 =	sshra.s32 s26, $0x2;
	[sflag:s20] =	ssyncset.done $0x0  }
0x74: {  	s28 =	sadd.s32 $0x2780, s26;
	[sflag:s20] =	ssyncadd.s32 $0xFFFFC000  }
0x75: {  	[spmem:s1] =	stream.indirect.scatter.add.f32 [tilespmem:s19], [sflag:$0x4], $0x80, s28, s16, $0xb8;
	[tilespmem:$0x1E800] =	vst v63  }
0x76: {  	_ =	swait.ge [sflag:s21], $0x4000  }
0x77: {  	[sflag:s21] =	ssyncset.done $0x0  }
0x78: {  	s28 =	sadd.s32 $0x1400, s26;
	[sflag:s21] =	ssyncadd.s32 $0xFFFFC000  }
0x79: {  	[tilespmem:s17], [sflag:$0x1] =	stream.indirect.gather [hbm4b:s4+s16], $0x80, s28, s16, $0xb8;
	[tilespmem:$0x1E800] =	vst v63  }
0x7a: {  	_ =	swait.ge [sflag:s18], $0x4000  }
0x7b: {  	[sflag:s18] =	ssyncset.done $0x0  }
.Ltmp1:
0x7c: {  	s28 =	sadd.s32 $0x2800, s26;
	[sflag:s18] =	ssyncadd.s32 $0xFFFFC000;
	(pc) =	sbr.rel @p0 .LBB2_4-.Ltmp1, $4  }
0x7d: {  	[spmem:s1] =	stream.indirect.scatter.add.f32 [tilespmem:s17], [sflag:$0x3], $0x80, s28, s16, $0xb8;
	[tilespmem:$0x1E800] =	vst v63  }
0x7e: {  	_ =	swait.ge [sflag:s22], $0x4000  }
0x7f: {  	[sflag:s22] =	ssyncset.done $0x0  }
0x80: {  	s26 =	sadd.s32 $0x1480, s26;
	[sflag:s22] =	ssyncadd.s32 $0xFFFFC000  }
0x81: {  	[tilespmem:s19], [sflag:$0x2] =	stream.indirect.gather [hbm4b:s4+s16], $0x80, s26, s16, $0xb8;
	[tilespmem:$0x1E800] =	vst v63  }
0x82: {  	_ =	swait.ge [sflag:s20], $0x4000  }
0x83: {  	[sflag:s20] =	ssyncset.done $0x0  }
0x84: {  	[sflag:s20] =	ssyncadd.s32 $0xFFFFC000  }
0x85: {  	[spmem:s1] =	stream.indirect.scatter.add.f32 [tilespmem:s19], [sflag:$0x4], $0x80, s23, s16, $0xb8;
	[tilespmem:$0x1E800] =	vst v63  }
0x86: {  	_ =	swait.ge [sflag:s21], $0x4000  }
0x87: {  	[sflag:s21] =	ssyncset.done $0x0  }
0x88: {  	[sflag:s21] =	ssyncadd.s32 $0xFFFFC000  }
0x89: {  	_ =	swait.ge [sflag:s22], $0x4000  }
0x8a: {  	s24 =	sadd.s32 $0x1, s24;
	[sflag:s22] =	ssyncset.done $0x0  }
0x8b: {  	p0 =	sne.s32 s24, s12;
	[sflag:s22] =	ssyncadd.s32 $0xFFFFC000  }
.Ltmp2:
0x8c: {  	[bflag:$0x0] =	sbarrier.arrive $0xFFFF;
	(pc) =	sbr.rel @p0 .LBB2_1-.Ltmp2, $4  }
0x8d: {  	[hbm:s11], [sflag:s6] =	dma.local [spmem:s13], $0x2800  }
0x8e: {  	_ =	swait.ge [sflag:s14], $0x2800  }
0x8f: {  	[sflag:s14] =	ssyncset.done $0x0  }
0x90: {  	[sflag:s14] =	ssyncadd.s32 $0xFFFFD800  }
0x91: {  	_ =	sfence.sel $0x180000  }
0x92: {  	[bflag:$0x0] =	sbarrier.arrive $0xFFFF  }
0x93: {  	p0 =	sne.s32 s2, $0x0;
	_ =	strace $0x90000050  }
0x94: {  	s0 =	sadd.s32 @!p0 $0x100000, s0;
	[bflag:$0x2] =	sbarrier.arrive $0xFFFF  }
0x95: {  	[sflag:s0] =	ssyncadd.tile.s32 @!p0 $0x1;
	_ =	shalt  }
.Lfunc_end2:
_tile_overlayer_lowered:
.L_overlay_start_2:
0x96: {  	(tag) =	ssettag $0x2  }
0x97: {  	s0 =	rddreg [dreg:$0x0];
	s2 =	stileid.u32  }
0x98: {  	s1 =	rddreg [dreg:$0x1];
	p0 =	sne.s32 s2, $0x0  }
0x99: {  	s3 =	rddreg [dreg:$0x2];
	[bflag:$0x3] =	sbarrier.arrive $0xFFFF;
	s2 =	simm.s32 @!p0 $0x1C05  }
0x9a: {  	[timem:s3], [sflag:s2] =	dma.local @!p0 [hbm:s0], s1  }
0x9b: {  	s0 =	simm.s32 @!p0 $0x5  }
0x9c: {  	_ =	swait.ge @!p0 [sflag:s0], s1  }
0x9d: {  	s1 =	ssub.s32 @!p0 $0x0, s1;
	[sflag:s0] =	ssyncset.done @!p0 $0x0  }
0x9e: {  	[sflag:s0] =	ssyncadd.s32 @!p0 s1  }
0x9f: {  	[bflag:$0x3] =	sbarrier.arrive $0xFFFF  }
0xa0: {  	_ =	shalt  }

</sc_bundles>
